<compile_context>
chip_gen: v7x
topology: tpu7x:2x2x1
jax: 0.10.2.dev20260603
libtpu: 0.0.44.dev20260713+nightly
codegen_flags: <defaults>
</compile_context>

<pallas_src>
import jax
import jax.numpy as jnp
from jax import lax
from jax.experimental import pallas as pl
from jax.experimental.pallas import tpu as pltpu

_B = 16
_G = 128
_K = 32
_R = 64
_L = 128
_N = _R * _L


def _fps_body(x_ref, c_ref, dv_ref):
    iota2 = (lax.broadcasted_iota(jnp.int32, (_R, _L), 0) * _L
             + lax.broadcasted_iota(jnp.int32, (_R, _L), 1))
    subl = lax.broadcasted_iota(jnp.int32, (8, _L), 0)
    lane = lax.broadcasted_iota(jnp.int32, (8, _L), 1)

    dv_ref[:] = jnp.full((_B, _R, _L), 1e10, jnp.float32)

    def _amin2(a):
        return jnp.min(jnp.min(a, axis=0, keepdims=True),
                       axis=1, keepdims=True)

    def _asum2(a):
        return jnp.sum(jnp.sum(a, axis=0, keepdims=True),
                       axis=1, keepdims=True)

    def step(s, fars):
        new_fars = []
        for b in range(_B):
            x0 = x_ref[b, 0]
            x1 = x_ref[b, 1]
            x2 = x_ref[b, 2]
            far = fars[b]
            oh = iota2 == far
            c0 = _asum2(jnp.where(oh, x0, 0.0))
            c1 = _asum2(jnp.where(oh, x1, 0.0))
            c2 = _asum2(jnp.where(oh, x2, 0.0))
            d0 = x0 - c0
            d1 = x1 - c1
            d2 = x2 - c2
            d = d0 * d0 + d1 * d1 + d2 * d2
            dv = jnp.minimum(dv_ref[b], d)
            dv_ref[b] = dv
            m = jnp.max(jnp.max(dv, axis=0, keepdims=True),
                        axis=1, keepdims=True)
            new_fars.append(_amin2(jnp.where(dv == m, iota2, _N)))
            crow = jnp.where(subl == 0, c0, jnp.where(subl == 1, c1, c2))
            c_ref[b] = jnp.where(lane == s, crow, c_ref[b])
        return tuple(new_fars)

    lax.fori_loop(0, _G, step, tuple(jnp.zeros((1, 1), jnp.int32)
                                     for _ in range(_B)))


_P = 4


def _topk_body(xr_ref, c_ref, idx_ref, d_ref):
    for p in range(_P):
        c0a = c_ref[p, :, 0:1]
        c1a = c_ref[p, :, 1:2]
        c2a = c_ref[p, :, 2:3]
        x0r = xr_ref[p, 0:1, :]
        x1r = xr_ref[p, 1:2, :]
        x2r = xr_ref[p, 2:3, :]
        e0 = c0a - x0r
        e1 = c1a - x1r
        e2 = c2a - x2r
        d_ref[p] = jnp.sqrt(e0 * e0 + e1 * e1 + e2 * e2)

    iota_l = lax.broadcasted_iota(jnp.int32, (1, _N), 1)
    iota_k = lax.broadcasted_iota(jnp.int32, (_G, _K), 1)

    m0 = tuple(jnp.min(d_ref[p], axis=1, keepdims=True) for p in range(_P))

    def topk_step(j, carry):
        accs, ms = carry
        new_accs, new_ms = [], []
        for p in range(_P):
            dm = d_ref[p]
            m = ms[p]
            sel = jnp.min(jnp.where(dm == m, iota_l, _N),
                          axis=1, keepdims=True)
            nd = jnp.where(iota_l == sel, jnp.inf, dm)
            d_ref[p] = nd
            new_ms.append(jnp.min(nd, axis=1, keepdims=True))
            new_accs.append(jnp.where(iota_k == j, sel, accs[p]))
        return tuple(new_accs), tuple(new_ms)

    accs, _ = lax.fori_loop(
        0, _K, topk_step,
        (tuple(jnp.zeros((_G, _K), jnp.int32) for _ in range(_P)), m0))
    for p in range(_P):
        idx_ref[p] = accs[p]


def _run_fps(x4, interpret=False):
    return pl.pallas_call(
        _fps_body,
        out_shape=jax.ShapeDtypeStruct((_B, 8, _L), jnp.float32),
        scratch_shapes=[pltpu.VMEM((_B, _R, _L), jnp.float32)],
        interpret=interpret,
    )(x4)


def _run_topk(xr, ct, interpret=False):
    b = xr.shape[0]
    return pl.pallas_call(
        _topk_body,
        grid=(b // _P,),
        in_specs=[
            pl.BlockSpec((_P, 8, _N), lambda i: (i, 0, 0)),
            pl.BlockSpec((_P, _G, 8), lambda i: (i, 0, 0)),
        ],
        out_specs=pl.BlockSpec((_P, _G, _K), lambda i: (i, 0, 0)),
        out_shape=jax.ShapeDtypeStruct((b, _G, _K), jnp.int32),
        scratch_shapes=[pltpu.VMEM((_P, _G, _N), jnp.float32)],
        interpret=interpret,
    )(xr, ct)


def kernel(xyz):
    b, n, c = xyz.shape
    x_t = jnp.transpose(xyz, (0, 2, 1))
    x4 = x_t.reshape(b, 3, _R, _L)
    xr = jnp.concatenate(
        [x_t, jnp.zeros((b, 8 - c, n), xyz.dtype)], axis=1)
    c_rows = _run_fps(x4)
    ct = jnp.transpose(c_rows, (0, 2, 1))
    center = ct[:, :, :3]
    idx = _run_topk(xr, ct)
    flat = idx.reshape(b, _G * _K)
    patch = jnp.take_along_axis(xyz, flat[:, :, None], axis=1)
    patch = patch.reshape(b, _G, _K, c) - center[:, :, None, :]
    return (patch, center)

# --- scband reference (transcript-rebuilt; emitter-appended) ---
"""Pipeline reference for scband-group-18305150615660 (READ-ONLY COPY).

The authoritative reference and input builder live on the scoring server;
editing this copy changes nothing except your own understanding.
"""

import jax, jax.numpy as jnp
import numpy as np

NUM_GROUP = 128
GROUP_SIZE = 32


def fps(xyz, npoint):
    # Farthest point sampling (standard iterative algorithm, start at index 0)
    B, N, C = xyz.shape
    dist0 = jnp.full((B, N), 1e10, dtype=xyz.dtype)
    far0 = jnp.zeros((B,), dtype=jnp.int32)

    def step(carry, _):
        distance, farthest = carry
        centroid = jnp.take_along_axis(xyz, farthest[:, None, None], axis=1)  # B,1,C
        d = jnp.sum((xyz - centroid) ** 2, axis=-1)  # B,N
        distance = jnp.minimum(distance, d)
        new_far = jnp.argmax(distance, axis=-1).astype(jnp.int32)
        return (distance, new_far), farthest

    _, idxs = jax.lax.scan(step, (dist0, far0), xs=None, length=npoint)
    idxs = jnp.transpose(idxs)  # [B, npoint]
    center = jnp.take_along_axis(xyz, idxs[:, :, None], axis=1)  # B, npoint, C
    return center


def setup_inputs(seed: int = 0) -> dict:
    key = jax.random.key(seed)
    xyz = jax.random.normal(key, (16, 8192, 3), dtype=jnp.float32)
    return {"xyz": xyz}


def reference(xyz):
    B, N, C = xyz.shape
    G, k = NUM_GROUP, GROUP_SIZE
    center = fps(xyz, G)  # B, G, C
    dist = jnp.linalg.norm(center[:, :, None, :] - xyz[:, None, :, :], axis=-1)  # B, G, N
    # only the indices of the k smallest distances are used (torch.topk largest=False)
    _, idx = jax.lax.top_k(jax.lax.stop_gradient(-dist), k)  # B, G, k
    flat = idx.reshape(B, G * k)
    patch = jnp.take_along_axis(xyz, flat[:, :, None], axis=1).reshape(B, G, k, C)
    patch = patch - center[:, :, None, :]
    return (patch, center)

if __name__ == "__main__":
    import jax
    _d = setup_inputs()
    print(jax.jit(kernel)(*tuple(_d.values())))

</pallas_src>

<mosaic_0001>
module attributes {stable_mosaic.version = 14 : i64} {
  func.func @_fps_body(%arg0: memref<16x3x64x128xf32, #tpu.memory_space<vmem>>, %arg1: memref<16x8x128xf32, #tpu.memory_space<vmem>>, %arg2: memref<16x64x128xf32, #tpu.memory_space<vmem>>) attributes {dimension_semantics = [], scalar_prefetch = 0 : i64, scratch_operands = 1 : i64, tpu.core_type = #tpu.core_type<tc>} {
    %iota3A = tpu.iota {dimensions = array<i32: 0>} : vector<64x128xi32>
    %mul3A = arith.constant 128 : i32
    %mul3A_0 = vector.broadcast %mul3A : i32 to vector<64x128xi32>
    %mul3A_1 = arith.muli %iota3A, %mul3A_0 : vector<64x128xi32>
    %iota3A_2 = tpu.iota {dimensions = array<i32: 1>} : vector<64x128xi32>
    %add3A = arith.addi %mul3A_1, %iota3A_2 : vector<64x128xi32>
    %iota3A_3 = tpu.iota {dimensions = array<i32: 0>} : vector<8x128xi32>
    %iota3A_4 = tpu.iota {dimensions = array<i32: 1>} : vector<8x128xi32>
    %broadcast_in_dim3A = arith.constant 1.000000e+10 : f32
    %broadcast_in_dim3A_5 = vector.broadcast %broadcast_in_dim3A : f32 to vector<16x64x128xf32>
    %swap3A = arith.constant 0 : index
    %swap3A_6 = arith.constant 0 : index
    %swap3A_7 = arith.constant 0 : index
    %swap3A_8 = vector.load %arg2[%swap3A, %swap3A_6, %swap3A_7] : memref<16x64x128xf32, #tpu.memory_space<vmem>>, vector<16x64x128xf32>
    tpu.vector_store %arg2[%swap3A, %swap3A_6, %swap3A_7], %broadcast_in_dim3A_5 {strides = array<i32>} : memref<16x64x128xf32, #tpu.memory_space<vmem>>, vector<16x64x128xf32>,
    %broadcast_in_dim3A_9 = arith.constant 0 : i32
    %broadcast_in_dim3A_10 = vector.broadcast %broadcast_in_dim3A_9 : i32 to vector<1x1xi32>
    %broadcast_in_dim3A_11 = arith.constant 0 : i32
    %broadcast_in_dim3A_12 = vector.broadcast %broadcast_in_dim3A_11 : i32 to vector<1x1xi32>
    %broadcast_in_dim3A_13 = arith.constant 0 : i32
    %broadcast_in_dim3A_14 = vector.broadcast %broadcast_in_dim3A_13 : i32 to vector<1x1xi32>
    %broadcast_in_dim3A_15 = arith.constant 0 : i32
    %broadcast_in_dim3A_16 = vector.broadcast %broadcast_in_dim3A_15 : i32 to vector<1x1xi32>
    %broadcast_in_dim3A_17 = arith.constant 0 : i32
    %broadcast_in_dim3A_18 = vector.broadcast %broadcast_in_dim3A_17 : i32 to vector<1x1xi32>
    %broadcast_in_dim3A_19 = arith.constant 0 : i32
    %broadcast_in_dim3A_20 = vector.broadcast %broadcast_in_dim3A_19 : i32 to vector<1x1xi32>
    %broadcast_in_dim3A_21 = arith.constant 0 : i32
    %broadcast_in_dim3A_22 = vector.broadcast %broadcast_in_dim3A_21 : i32 to vector<1x1xi32>
    %broadcast_in_dim3A_23 = arith.constant 0 : i32
    %broadcast_in_dim3A_24 = vector.broadcast %broadcast_in_dim3A_23 : i32 to vector<1x1xi32>
    %broadcast_in_dim3A_25 = arith.constant 0 : i32
    %broadcast_in_dim3A_26 = vector.broadcast %broadcast_in_dim3A_25 : i32 to vector<1x1xi32>
    %broadcast_in_dim3A_27 = arith.constant 0 : i32
    %broadcast_in_dim3A_28 = vector.broadcast %broadcast_in_dim3A_27 : i32 to vector<1x1xi32>
    %broadcast_in_dim3A_29 = arith.constant 0 : i32
    %broadcast_in_dim3A_30 = vector.broadcast %broadcast_in_dim3A_29 : i32 to vector<1x1xi32>
    %broadcast_in_dim3A_31 = arith.constant 0 : i32
    %broadcast_in_dim3A_32 = vector.broadcast %broadcast_in_dim3A_31 : i32 to vector<1x1xi32>
    %broadcast_in_dim3A_33 = arith.constant 0 : i32
    %broadcast_in_dim3A_34 = vector.broadcast %broadcast_in_dim3A_33 : i32 to vector<1x1xi32>
    %broadcast_in_dim3A_35 = arith.constant 0 : i32
    %broadcast_in_dim3A_36 = vector.broadcast %broadcast_in_dim3A_35 : i32 to vector<1x1xi32>
    %broadcast_in_dim3A_37 = arith.constant 0 : i32
    %broadcast_in_dim3A_38 = vector.broadcast %broadcast_in_dim3A_37 : i32 to vector<1x1xi32>
    %broadcast_in_dim3A_39 = arith.constant 0 : i32
    %broadcast_in_dim3A_40 = vector.broadcast %broadcast_in_dim3A_39 : i32 to vector<1x1xi32>
    %scan3A = arith.constant 0 : i32
    %scan3A_41 = arith.constant 128 : i32
    %scan3A_42 = arith.addi %scan3A, %scan3A_41 : i32
    %scan3A_43 = arith.constant 1 : i32
    %scan3A_44:16 = scf.for %scan3A_46 = %scan3A to %scan3A_42 step %scan3A_43 iter_args(%scan3A_47 = %broadcast_in_dim3A_10, %scan3A_48 = %broadcast_in_dim3A_12, %scan3A_49 = %broadcast_in_dim3A_14, %scan3A_50 = %broadcast_in_dim3A_16, %scan3A_51 = %broadcast_in_dim3A_18, %scan3A_52 = %broadcast_in_dim3A_20, %scan3A_53 = %broadcast_in_dim3A_22, %scan3A_54 = %broadcast_in_dim3A_24, %scan3A_55 = %broadcast_in_dim3A_26, %scan3A_56 = %broadcast_in_dim3A_28, %scan3A_57 = %broadcast_in_dim3A_30, %scan3A_58 = %broadcast_in_dim3A_32, %scan3A_59 = %broadcast_in_dim3A_34, %scan3A_60 = %broadcast_in_dim3A_36, %scan3A_61 = %broadcast_in_dim3A_38, %scan3A_62 = %broadcast_in_dim3A_40) -> (vector<1x1xi32>, vector<1x1xi32>, vector<1x1xi32>, vector<1x1xi32>, vector<1x1xi32>, vector<1x1xi32>, vector<1x1xi32>, vector<1x1xi32>, vector<1x1xi32>, vector<1x1xi32>, vector<1x1xi32>, vector<1x1xi32>, vector<1x1xi32>, vector<1x1xi32>, vector<1x1xi32>, vector<1x1xi32>)  : i32 {
      %get3A = arith.constant 0 : index
      %get3A_63 = arith.constant 0 : index
      %get3A_64 = arith.constant 0 : index
      %get3A_65 = arith.constant 0 : index
      %get3A_66 = vector.load %arg0[%get3A, %get3A_63, %get3A_64, %get3A_65] : memref<16x3x64x128xf32, #tpu.memory_space<vmem>>, vector<1x1x64x128xf32>
      %get3A_67 = vector.shape_cast %get3A_66 : vector<1x1x64x128xf32> to vector<64x128xf32>
      %get3A_68 = arith.constant 0 : index
      %get3A_69 = arith.constant 1 : index
      %get3A_70 = arith.constant 0 : index
      %get3A_71 = arith.constant 0 : index
      %get3A_72 = vector.load %arg0[%get3A_68, %get3A_69, %get3A_70, %get3A_71] : memref<16x3x64x128xf32, #tpu.memory_space<vmem>>, vector<1x1x64x128xf32>
      %get3A_73 = vector.shape_cast %get3A_72 : vector<1x1x64x128xf32> to vector<64x128xf32>
      %get3A_74 = arith.constant 0 : index
      %get3A_75 = arith.constant 2 : index
      %get3A_76 = arith.constant 0 : index
      %get3A_77 = arith.constant 0 : index
      %get3A_78 = vector.load %arg0[%get3A_74, %get3A_75, %get3A_76, %get3A_77] : memref<16x3x64x128xf32, #tpu.memory_space<vmem>>, vector<1x1x64x128xf32>
      %get3A_79 = vector.shape_cast %get3A_78 : vector<1x1x64x128xf32> to vector<64x128xf32>
      %eq3A = vector.broadcast %scan3A_47 : vector<1x1xi32> to vector<64x128xi32>
      %eq3A_80 = arith.cmpi eq, %add3A, %eq3A : vector<64x128xi32>
      %jit3A = arith.constant 0.000000e+00 : f32
      %broadcast_in_dim3A_81 = vector.broadcast %jit3A : f32 to vector<64x128xf32>
      %select_n3A = arith.select %eq3A_80, %get3A_67, %broadcast_in_dim3A_81 : vector<64x128xi1>, vector<64x128xf32>
      %reduce_sum3A = arith.constant dense<0.000000e+00> : vector<128xf32>
      %reduce_sum3A_82 = vector.multi_reduction <add>, %select_n3A, %reduce_sum3A [0] : vector<64x128xf32> to vector<128xf32>
      %broadcast_in_dim3A_83 = vector.shape_cast %reduce_sum3A_82 : vector<128xf32> to vector<1x128xf32>
      %reduce_sum3A_84 = arith.constant dense<0.000000e+00> : vector<1xf32>
      %reduce_sum3A_85 = vector.multi_reduction <add>, %broadcast_in_dim3A_83, %reduce_sum3A_84 [1] : vector<1x128xf32> to vector<1xf32>
      %broadcast_in_dim3A_86 = vector.shape_cast %reduce_sum3A_85 : vector<1xf32> to vector<1x1xf32>
      %jit3A_87 = arith.constant 0.000000e+00 : f32
      %broadcast_in_dim3A_88 = vector.broadcast %jit3A_87 : f32 to vector<64x128xf32>
      %select_n3A_89 = arith.select %eq3A_80, %get3A_73, %broadcast_in_dim3A_88 : vector<64x128xi1>, vector<64x128xf32>
      %reduce_sum3A_90 = arith.constant dense<0.000000e+00> : vector<128xf32>
      %reduce_sum3A_91 = vector.multi_reduction <add>, %select_n3A_89, %reduce_sum3A_90 [0] : vector<64x128xf32> to vector<128xf32>
      %broadcast_in_dim3A_92 = vector.shape_cast %reduce_sum3A_91 : vector<128xf32> to vector<1x128xf32>
      %reduce_sum3A_93 = arith.constant dense<0.000000e+00> : vector<1xf32>
      %reduce_sum3A_94 = vector.multi_reduction <add>, %broadcast_in_dim3A_92, %reduce_sum3A_93 [1] : vector<1x128xf32> to vector<1xf32>
      %broadcast_in_dim3A_95 = vector.shape_cast %reduce_sum3A_94 : vector<1xf32> to vector<1x1xf32>
      %jit3A_96 = arith.constant 0.000000e+00 : f32
      %broadcast_in_dim3A_97 = vector.broadcast %jit3A_96 : f32 to vector<64x128xf32>
      %select_n3A_98 = arith.select %eq3A_80, %get3A_79, %broadcast_in_dim3A_97 : vector<64x128xi1>, vector<64x128xf32>
      %reduce_sum3A_99 = arith.constant dense<0.000000e+00> : vector<128xf32>
      %reduce_sum3A_100 = vector.multi_reduction <add>, %select_n3A_98, %reduce_sum3A_99 [0] : vector<64x128xf32> to vector<128xf32>
      %broadcast_in_dim3A_101 = vector.shape_cast %reduce_sum3A_100 : vector<128xf32> to vector<1x128xf32>
      %reduce_sum3A_102 = arith.constant dense<0.000000e+00> : vector<1xf32>
      %reduce_sum3A_103 = vector.multi_reduction <add>, %broadcast_in_dim3A_101, %reduce_sum3A_102 [1] : vector<1x128xf32> to vector<1xf32>
      %broadcast_in_dim3A_104 = vector.shape_cast %reduce_sum3A_103 : vector<1xf32> to vector<1x1xf32>
      %sub3A = vector.broadcast %broadcast_in_dim3A_86 : vector<1x1xf32> to vector<64x128xf32>
      %sub3A_105 = arith.subf %get3A_67, %sub3A : vector<64x128xf32>
      %sub3A_106 = vector.broadcast %broadcast_in_dim3A_95 : vector<1x1xf32> to vector<64x128xf32>
      %sub3A_107 = arith.subf %get3A_73, %sub3A_106 : vector<64x128xf32>
      %sub3A_108 = vector.broadcast %broadcast_in_dim3A_104 : vector<1x1xf32> to vector<64x128xf32>
      %sub3A_109 = arith.subf %get3A_79, %sub3A_108 : vector<64x128xf32>
      %mul3A_110 = arith.mulf %sub3A_105, %sub3A_105 : vector<64x128xf32>
      %mul3A_111 = arith.mulf %sub3A_107, %sub3A_107 : vector<64x128xf32>
      %add3A_112 = arith.addf %mul3A_110, %mul3A_111 : vector<64x128xf32>
      %mul3A_113 = arith.mulf %sub3A_109, %sub3A_109 : vector<64x128xf32>
      %add3A_114 = arith.addf %add3A_112, %mul3A_113 : vector<64x128xf32>
      %get3A_115 = arith.constant 0 : index
      %get3A_116 = arith.constant 0 : index
      %get3A_117 = arith.constant 0 : index
      %get3A_118 = vector.load %arg2[%get3A_115, %get3A_116, %get3A_117] : memref<16x64x128xf32, #tpu.memory_space<vmem>>, vector<1x64x128xf32>
      %get3A_119 = vector.shape_cast %get3A_118 : vector<1x64x128xf32> to vector<64x128xf32>
      %min3A = arith.minimumf %get3A_119, %add3A_114 : vector<64x128xf32>
      %swap3A_120 = arith.constant 0 : index
      %swap3A_121 = arith.constant 0 : index
      %swap3A_122 = arith.constant 0 : index
      %swap3A_123 = vector.load %arg2[%swap3A_120, %swap3A_121, %swap3A_122] : memref<16x64x128xf32, #tpu.memory_space<vmem>>, vector<1x64x128xf32>
      %swap3A_124 = vector.shape_cast %swap3A_123 : vector<1x64x128xf32> to vector<64x128xf32>
      %swap3A_125 = vector.shape_cast %min3A : vector<64x128xf32> to vector<1x64x128xf32>
      tpu.vector_store %arg2[%swap3A_120, %swap3A_121, %swap3A_122], %swap3A_125 {strides = array<i32>} : memref<16x64x128xf32, #tpu.memory_space<vmem>>, vector<1x64x128xf32>,
      %reduce_max3A = arith.constant dense<0xFF800000> : vector<128xf32>
      %reduce_max3A_126 = vector.multi_reduction <maximumf>, %min3A, %reduce_max3A [0] : vector<64x128xf32> to vector<128xf32>
      %broadcast_in_dim3A_127 = vector.shape_cast %reduce_max3A_126 : vector<128xf32> to vector<1x128xf32>
      %reduce_max3A_128 = arith.constant dense<0xFF800000> : vector<1xf32>
      %reduce_max3A_129 = vector.multi_reduction <maximumf>, %broadcast_in_dim3A_127, %reduce_max3A_128 [1] : vector<1x128xf32> to vector<1xf32>
      %broadcast_in_dim3A_130 = vector.shape_cast %reduce_max3A_129 : vector<1xf32> to vector<1x1xf32>
      %eq3A_131 = vector.broadcast %broadcast_in_dim3A_130 : vector<1x1xf32> to vector<64x128xf32>
      %eq3A_132 = arith.cmpf oeq, %min3A, %eq3A_131 : vector<64x128xf32>
      %jit3A_133 = arith.constant 8192 : i32
      %broadcast_in_dim3A_134 = vector.broadcast %jit3A_133 : i32 to vector<64x128xi32>
      %select_n3A_135 = arith.select %eq3A_132, %add3A, %broadcast_in_dim3A_134 : vector<64x128xi1>, vector<64x128xi32>
      %reduce_min3A = arith.constant dense<2147483647> : vector<128xi32>
      %reduce_min3A_136 = vector.multi_reduction <minsi>, %select_n3A_135, %reduce_min3A [0] : vector<64x128xi32> to vector<128xi32>
      %broadcast_in_dim3A_137 = vector.shape_cast %reduce_min3A_136 : vector<128xi32> to vector<1x128xi32>
      %reduce_min3A_138 = arith.constant dense<2147483647> : vector<1xi32>
      %reduce_min3A_139 = vector.multi_reduction <minsi>, %broadcast_in_dim3A_137, %reduce_min3A_138 [1] : vector<1x128xi32> to vector<1xi32>
      %broadcast_in_dim3A_140 = vector.shape_cast %reduce_min3A_139 : vector<1xi32> to vector<1x1xi32>
      %eq3A_141 = arith.constant 0 : i32
      %eq3A_142 = vector.broadcast %eq3A_141 : i32 to vector<8x128xi32>
      %eq3A_143 = arith.cmpi eq, %iota3A_3, %eq3A_142 : vector<8x128xi32>
      %eq3A_144 = arith.constant 1 : i32
      %eq3A_145 = vector.broadcast %eq3A_144 : i32 to vector<8x128xi32>
      %eq3A_146 = arith.cmpi eq, %iota3A_3, %eq3A_145 : vector<8x128xi32>
      %broadcast_in_dim3A_147 = vector.shape_cast %broadcast_in_dim3A_95 : vector<1x1xf32> to vector<1x1xf32>
      %broadcast_in_dim3A_148 = vector.broadcast %broadcast_in_dim3A_147 : vector<1x1xf32> to vector<8x128xf32>
      %broadcast_in_dim3A_149 = vector.shape_cast %broadcast_in_dim3A_104 : vector<1x1xf32> to vector<1x1xf32>
      %broadcast_in_dim3A_150 = vector.broadcast %broadcast_in_dim3A_149 : vector<1x1xf32> to vector<8x128xf32>
      %select_n3A_151 = arith.select %eq3A_146, %broadcast_in_dim3A_148, %broadcast_in_dim3A_150 : vector<8x128xi1>, vector<8x128xf32>
      %broadcast_in_dim3A_152 = vector.shape_cast %broadcast_in_dim3A_86 : vector<1x1xf32> to vector<1x1xf32>
      %broadcast_in_dim3A_153 = vector.broadcast %broadcast_in_dim3A_152 : vector<1x1xf32> to vector<8x128xf32>
      %select_n3A_154 = arith.select %eq3A_143, %broadcast_in_dim3A_153, %select_n3A_151 : vector<8x128xi1>, vector<8x128xf32>
      %eq3A_155 = vector.broadcast %scan3A_46 : i32 to vector<8x128xi32>
      %eq3A_156 = arith.cmpi eq, %iota3A_4, %eq3A_155 : vector<8x128xi32>
      %get3A_157 = arith.constant 0 : index
      %get3A_158 = arith.constant 0 : index
      %get3A_159 = arith.constant 0 : index
      %get3A_160 = vector.load %arg1[%get3A_157, %get3A_158, %get3A_159] : memref<16x8x128xf32, #tpu.memory_space<vmem>>, vector<1x8x128xf32>
      %get3A_161 = vector.shape_cast %get3A_160 : vector<1x8x128xf32> to vector<8x128xf32>
      %select_n3A_162 = arith.select %eq3A_156, %select_n3A_154, %get3A_161 : vector<8x128xi1>, vector<8x128xf32>
      %swap3A_163 = arith.constant 0 : index
      %swap3A_164 = arith.constant 0 : index
      %swap3A_165 = arith.constant 0 : index
      %swap3A_166 = vector.load %arg1[%swap3A_163, %swap3A_164, %swap3A_165] : memref<16x8x128xf32, #tpu.memory_space<vmem>>, vector<1x8x128xf32>
      %swap3A_167 = vector.shape_cast %swap3A_166 : vector<1x8x128xf32> to vector<8x128xf32>
      %swap3A_168 = vector.shape_cast %select_n3A_162 : vector<8x128xf32> to vector<1x8x128xf32>
      tpu.vector_store %arg1[%swap3A_163, %swap3A_164, %swap3A_165], %swap3A_168 {strides = array<i32>} : memref<16x8x128xf32, #tpu.memory_space<vmem>>, vector<1x8x128xf32>,
      %get3A_169 = arith.constant 1 : index
      %get3A_170 = arith.constant 0 : index
      %get3A_171 = arith.constant 0 : index
      %get3A_172 = arith.constant 0 : index
      %get3A_173 = vector.load %arg0[%get3A_169, %get3A_170, %get3A_171, %get3A_172] : memref<16x3x64x128xf32, #tpu.memory_space<vmem>>, vector<1x1x64x128xf32>
      %get3A_174 = vector.shape_cast %get3A_173 : vector<1x1x64x128xf32> to vector<64x128xf32>
      %get3A_175 = arith.constant 1 : index
      %get3A_176 = arith.constant 1 : index
      %get3A_177 = arith.constant 0 : index
      %get3A_178 = arith.constant 0 : index
      %get3A_179 = vector.load %arg0[%get3A_175, %get3A_176, %get3A_177, %get3A_178] : memref<16x3x64x128xf32, #tpu.memory_space<vmem>>, vector<1x1x64x128xf32>
      %get3A_180 = vector.shape_cast %get3A_179 : vector<1x1x64x128xf32> to vector<64x128xf32>
      %get3A_181 = arith.constant 1 : index
      %get3A_182 = arith.constant 2 : index
      %get3A_183 = arith.constant 0 : index
      %get3A_184 = arith.constant 0 : index
      %get3A_185 = vector.load %arg0[%get3A_181, %get3A_182, %get3A_183, %get3A_184] : memref<16x3x64x128xf32, #tpu.memory_space<vmem>>, vector<1x1x64x128xf32>
      %get3A_186 = vector.shape_cast %get3A_185 : vector<1x1x64x128xf32> to vector<64x128xf32>
      %eq3A_187 = vector.broadcast %scan3A_48 : vector<1x1xi32> to vector<64x128xi32>
      %eq3A_188 = arith.cmpi eq, %add3A, %eq3A_187 : vector<64x128xi32>
      %jit3A_189 = arith.constant 0.000000e+00 : f32
      %broadcast_in_dim3A_190 = vector.broadcast %jit3A_189 : f32 to vector<64x128xf32>
      %select_n3A_191 = arith.select %eq3A_188, %get3A_174, %broadcast_in_dim3A_190 : vector<64x128xi1>, vector<64x128xf32>
      %reduce_sum3A_192 = arith.constant dense<0.000000e+00> : vector<128xf32>
      %reduce_sum3A_193 = vector.multi_reduction <add>, %select_n3A_191, %reduce_sum3A_192 [0] : vector<64x128xf32> to vector<128xf32>
      %broadcast_in_dim3A_194 = vector.shape_cast %reduce_sum3A_193 : vector<128xf32> to vector<1x128xf32>
      %reduce_sum3A_195 = arith.constant dense<0.000000e+00> : vector<1xf32>
      %reduce_sum3A_196 = vector.multi_reduction <add>, %broadcast_in_dim3A_194, %reduce_sum3A_195 [1] : vector<1x128xf32> to vector<1xf32>
      %broadcast_in_dim3A_197 = vector.shape_cast %reduce_sum3A_196 : vector<1xf32> to vector<1x1xf32>
      %jit3A_198 = arith.constant 0.000000e+00 : f32
      %broadcast_in_dim3A_199 = vector.broadcast %jit3A_198 : f32 to vector<64x128xf32>
      %select_n3A_200 = arith.select %eq3A_188, %get3A_180, %broadcast_in_dim3A_199 : vector<64x128xi1>, vector<64x128xf32>
      %reduce_sum3A_201 = arith.constant dense<0.000000e+00> : vector<128xf32>
      %reduce_sum3A_202 = vector.multi_reduction <add>, %select_n3A_200, %reduce_sum3A_201 [0] : vector<64x128xf32> to vector<128xf32>
      %broadcast_in_dim3A_203 = vector.shape_cast %reduce_sum3A_202 : vector<128xf32> to vector<1x128xf32>
      %reduce_sum3A_204 = arith.constant dense<0.000000e+00> : vector<1xf32>
      %reduce_sum3A_205 = vector.multi_reduction <add>, %broadcast_in_dim3A_203, %reduce_sum3A_204 [1] : vector<1x128xf32> to vector<1xf32>
      %broadcast_in_dim3A_206 = vector.shape_cast %reduce_sum3A_205 : vector<1xf32> to vector<1x1xf32>
      %jit3A_207 = arith.constant 0.000000e+00 : f32
      %broadcast_in_dim3A_208 = vector.broadcast %jit3A_207 : f32 to vector<64x128xf32>
      %select_n3A_209 = arith.select %eq3A_188, %get3A_186, %broadcast_in_dim3A_208 : vector<64x128xi1>, vector<64x128xf32>
      %reduce_sum3A_210 = arith.constant dense<0.000000e+00> : vector<128xf32>
      %reduce_sum3A_211 = vector.multi_reduction <add>, %select_n3A_209, %reduce_sum3A_210 [0] : vector<64x128xf32> to vector<128xf32>
      %broadcast_in_dim3A_212 = vector.shape_cast %reduce_sum3A_211 : vector<128xf32> to vector<1x128xf32>
      %reduce_sum3A_213 = arith.constant dense<0.000000e+00> : vector<1xf32>
      %reduce_sum3A_214 = vector.multi_reduction <add>, %broadcast_in_dim3A_212, %reduce_sum3A_213 [1] : vector<1x128xf32> to vector<1xf32>
      %broadcast_in_dim3A_215 = vector.shape_cast %reduce_sum3A_214 : vector<1xf32> to vector<1x1xf32>
      %sub3A_216 = vector.broadcast %broadcast_in_dim3A_197 : vector<1x1xf32> to vector<64x128xf32>
      %sub3A_217 = arith.subf %get3A_174, %sub3A_216 : vector<64x128xf32>
      %sub3A_218 = vector.broadcast %broadcast_in_dim3A_206 : vector<1x1xf32> to vector<64x128xf32>
      %sub3A_219 = arith.subf %get3A_180, %sub3A_218 : vector<64x128xf32>
      %sub3A_220 = vector.broadcast %broadcast_in_dim3A_215 : vector<1x1xf32> to vector<64x128xf32>
      %sub3A_221 = arith.subf %get3A_186, %sub3A_220 : vector<64x128xf32>
      %mul3A_222 = arith.mulf %sub3A_217, %sub3A_217 : vector<64x128xf32>
      %mul3A_223 = arith.mulf %sub3A_219, %sub3A_219 : vector<64x128xf32>
      %add3A_224 = arith.addf %mul3A_222, %mul3A_223 : vector<64x128xf32>
      %mul3A_225 = arith.mulf %sub3A_221, %sub3A_221 : vector<64x128xf32>
      %add3A_226 = arith.addf %add3A_224, %mul3A_225 : vector<64x128xf32>
      %get3A_227 = arith.constant 1 : index
      %get3A_228 = arith.constant 0 : index
      %get3A_229 = arith.constant 0 : index
      %get3A_230 = vector.load %arg2[%get3A_227, %get3A_228, %get3A_229] : memref<16x64x128xf32, #tpu.memory_space<vmem>>, vector<1x64x128xf32>
      %get3A_231 = vector.shape_cast %get3A_230 : vector<1x64x128xf32> to vector<64x128xf32>
      %min3A_232 = arith.minimumf %get3A_231, %add3A_226 : vector<64x128xf32>
      %swap3A_233 = arith.constant 1 : index
      %swap3A_234 = arith.constant 0 : index
      %swap3A_235 = arith.constant 0 : index
      %swap3A_236 = vector.load %arg2[%swap3A_233, %swap3A_234, %swap3A_235] : memref<16x64x128xf32, #tpu.memory_space<vmem>>, vector<1x64x128xf32>
      %swap3A_237 = vector.shape_cast %swap3A_236 : vector<1x64x128xf32> to vector<64x128xf32>
      %swap3A_238 = vector.shape_cast %min3A_232 : vector<64x128xf32> to vector<1x64x128xf32>
      tpu.vector_store %arg2[%swap3A_233, %swap3A_234, %swap3A_235], %swap3A_238 {strides = array<i32>} : memref<16x64x128xf32, #tpu.memory_space<vmem>>, vector<1x64x128xf32>,
      %reduce_max3A_239 = arith.constant dense<0xFF800000> : vector<128xf32>
      %reduce_max3A_240 = vector.multi_reduction <maximumf>, %min3A_232, %reduce_max3A_239 [0] : vector<64x128xf32> to vector<128xf32>
      %broadcast_in_dim3A_241 = vector.shape_cast %reduce_max3A_240 : vector<128xf32> to vector<1x128xf32>
      %reduce_max3A_242 = arith.constant dense<0xFF800000> : vector<1xf32>
      %reduce_max3A_243 = vector.multi_reduction <maximumf>, %broadcast_in_dim3A_241, %reduce_max3A_242 [1] : vector<1x128xf32> to vector<1xf32>
      %broadcast_in_dim3A_244 = vector.shape_cast %reduce_max3A_243 : vector<1xf32> to vector<1x1xf32>
      %eq3A_245 = vector.broadcast %broadcast_in_dim3A_244 : vector<1x1xf32> to vector<64x128xf32>
      %eq3A_246 = arith.cmpf oeq, %min3A_232, %eq3A_245 : vector<64x128xf32>
      %jit3A_247 = arith.constant 8192 : i32
      %broadcast_in_dim3A_248 = vector.broadcast %jit3A_247 : i32 to vector<64x128xi32>
      %select_n3A_249 = arith.select %eq3A_246, %add3A, %broadcast_in_dim3A_248 : vector<64x128xi1>, vector<64x128xi32>
      %reduce_min3A_250 = arith.constant dense<2147483647> : vector<128xi32>
      %reduce_min3A_251 = vector.multi_reduction <minsi>, %select_n3A_249, %reduce_min3A_250 [0] : vector<64x128xi32> to vector<128xi32>
      %broadcast_in_dim3A_252 = vector.shape_cast %reduce_min3A_251 : vector<128xi32> to vector<1x128xi32>
      %reduce_min3A_253 = arith.constant dense<2147483647> : vector<1xi32>
      %reduce_min3A_254 = vector.multi_reduction <minsi>, %broadcast_in_dim3A_252, %reduce_min3A_253 [1] : vector<1x128xi32> to vector<1xi32>
      %broadcast_in_dim3A_255 = vector.shape_cast %reduce_min3A_254 : vector<1xi32> to vector<1x1xi32>
      %eq3A_256 = arith.constant 0 : i32
      %eq3A_257 = vector.broadcast %eq3A_256 : i32 to vector<8x128xi32>
      %eq3A_258 = arith.cmpi eq, %iota3A_3, %eq3A_257 : vector<8x128xi32>
      %eq3A_259 = arith.constant 1 : i32
      %eq3A_260 = vector.broadcast %eq3A_259 : i32 to vector<8x128xi32>
      %eq3A_261 = arith.cmpi eq, %iota3A_3, %eq3A_260 : vector<8x128xi32>
      %broadcast_in_dim3A_262 = vector.shape_cast %broadcast_in_dim3A_206 : vector<1x1xf32> to vector<1x1xf32>
      %broadcast_in_dim3A_263 = vector.broadcast %broadcast_in_dim3A_262 : vector<1x1xf32> to vector<8x128xf32>
      %broadcast_in_dim3A_264 = vector.shape_cast %broadcast_in_dim3A_215 : vector<1x1xf32> to vector<1x1xf32>
      %broadcast_in_dim3A_265 = vector.broadcast %broadcast_in_dim3A_264 : vector<1x1xf32> to vector<8x128xf32>
      %select_n3A_266 = arith.select %eq3A_261, %broadcast_in_dim3A_263, %broadcast_in_dim3A_265 : vector<8x128xi1>, vector<8x128xf32>
      %broadcast_in_dim3A_267 = vector.shape_cast %broadcast_in_dim3A_197 : vector<1x1xf32> to vector<1x1xf32>
      %broadcast_in_dim3A_268 = vector.broadcast %broadcast_in_dim3A_267 : vector<1x1xf32> to vector<8x128xf32>
      %select_n3A_269 = arith.select %eq3A_258, %broadcast_in_dim3A_268, %select_n3A_266 : vector<8x128xi1>, vector<8x128xf32>
      %eq3A_270 = vector.broadcast %scan3A_46 : i32 to vector<8x128xi32>
      %eq3A_271 = arith.cmpi eq, %iota3A_4, %eq3A_270 : vector<8x128xi32>
      %get3A_272 = arith.constant 1 : index
      %get3A_273 = arith.constant 0 : index
      %get3A_274 = arith.constant 0 : index
      %get3A_275 = vector.load %arg1[%get3A_272, %get3A_273, %get3A_274] : memref<16x8x128xf32, #tpu.memory_space<vmem>>, vector<1x8x128xf32>
      %get3A_276 = vector.shape_cast %get3A_275 : vector<1x8x128xf32> to vector<8x128xf32>
      %select_n3A_277 = arith.select %eq3A_271, %select_n3A_269, %get3A_276 : vector<8x128xi1>, vector<8x128xf32>
      %swap3A_278 = arith.constant 1 : index
      %swap3A_279 = arith.constant 0 : index
      %swap3A_280 = arith.constant 0 : index
      %swap3A_281 = vector.load %arg1[%swap3A_278, %swap3A_279, %swap3A_280] : memref<16x8x128xf32, #tpu.memory_space<vmem>>, vector<1x8x128xf32>
      %swap3A_282 = vector.shape_cast %swap3A_281 : vector<1x8x128xf32> to vector<8x128xf32>
      %swap3A_283 = vector.shape_cast %select_n3A_277 : vector<8x128xf32> to vector<1x8x128xf32>
      tpu.vector_store %arg1[%swap3A_278, %swap3A_279, %swap3A_280], %swap3A_283 {strides = array<i32>} : memref<16x8x128xf32, #tpu.memory_space<vmem>>, vector<1x8x128xf32>,
      %get3A_284 = arith.constant 2 : index
      %get3A_285 = arith.constant 0 : index
      %get3A_286 = arith.constant 0 : index
      %get3A_287 = arith.constant 0 : index
      %get3A_288 = vector.load %arg0[%get3A_284, %get3A_285, %get3A_286, %get3A_287] : memref<16x3x64x128xf32, #tpu.memory_space<vmem>>, vector<1x1x64x128xf32>
      %get3A_289 = vector.shape_cast %get3A_288 : vector<1x1x64x128xf32> to vector<64x128xf32>
      %get3A_290 = arith.constant 2 : index
      %get3A_291 = arith.constant 1 : index
      %get3A_292 = arith.constant 0 : index
      %get3A_293 = arith.constant 0 : index
      %get3A_294 = vector.load %arg0[%get3A_290, %get3A_291, %get3A_292, %get3A_293] : memref<16x3x64x128xf32, #tpu.memory_space<vmem>>, vector<1x1x64x128xf32>
      %get3A_295 = vector.shape_cast %get3A_294 : vector<1x1x64x128xf32> to vector<64x128xf32>
      %get3A_296 = arith.constant 2 : index
      %get3A_297 = arith.constant 2 : index
      %get3A_298 = arith.constant 0 : index
      %get3A_299 = arith.constant 0 : index
      %get3A_300 = vector.load %arg0[%get3A_296, %get3A_297, %get3A_298, %get3A_299] : memref<16x3x64x128xf32, #tpu.memory_space<vmem>>, vector<1x1x64x128xf32>
      %get3A_301 = vector.shape_cast %get3A_300 : vector<1x1x64x128xf32> to vector<64x128xf32>
      %eq3A_302 = vector.broadcast %scan3A_49 : vector<1x1xi32> to vector<64x128xi32>
      %eq3A_303 = arith.cmpi eq, %add3A, %eq3A_302 : vector<64x128xi32>
      %jit3A_304 = arith.constant 0.000000e+00 : f32
      %broadcast_in_dim3A_305 = vector.broadcast %jit3A_304 : f32 to vector<64x128xf32>
      %select_n3A_306 = arith.select %eq3A_303, %get3A_289, %broadcast_in_dim3A_305 : vector<64x128xi1>, vector<64x128xf32>
      %reduce_sum3A_307 = arith.constant dense<0.000000e+00> : vector<128xf32>
      %reduce_sum3A_308 = vector.multi_reduction <add>, %select_n3A_306, %reduce_sum3A_307 [0] : vector<64x128xf32> to vector<128xf32>
      %broadcast_in_dim3A_309 = vector.shape_cast %reduce_sum3A_308 : vector<128xf32> to vector<1x128xf32>
      %reduce_sum3A_310 = arith.constant dense<0.000000e+00> : vector<1xf32>
      %reduce_sum3A_311 = vector.multi_reduction <add>, %broadcast_in_dim3A_309, %reduce_sum3A_310 [1] : vector<1x128xf32> to vector<1xf32>
      %broadcast_in_dim3A_312 = vector.shape_cast %reduce_sum3A_311 : vector<1xf32> to vector<1x1xf32>
      %jit3A_313 = arith.constant 0.000000e+00 : f32
      %broadcast_in_dim3A_314 = vector.broadcast %jit3A_313 : f32 to vector<64x128xf32>
      %select_n3A_315 = arith.select %eq3A_303, %get3A_295, %broadcast_in_dim3A_314 : vector<64x128xi1>, vector<64x128xf32>
      %reduce_sum3A_316 = arith.constant dense<0.000000e+00> : vector<128xf32>
      %reduce_sum3A_317 = vector.multi_reduction <add>, %select_n3A_315, %reduce_sum3A_316 [0] : vector<64x128xf32> to vector<128xf32>
      %broadcast_in_dim3A_318 = vector.shape_cast %reduce_sum3A_317 : vector<128xf32> to vector<1x128xf32>
      %reduce_sum3A_319 = arith.constant dense<0.000000e+00> : vector<1xf32>
      %reduce_sum3A_320 = vector.multi_reduction <add>, %broadcast_in_dim3A_318, %reduce_sum3A_319 [1] : vector<1x128xf32> to vector<1xf32>
      %broadcast_in_dim3A_321 = vector.shape_cast %reduce_sum3A_320 : vector<1xf32> to vector<1x1xf32>
      %jit3A_322 = arith.constant 0.000000e+00 : f32
      %broadcast_in_dim3A_323 = vector.broadcast %jit3A_322 : f32 to vector<64x128xf32>
      %select_n3A_324 = arith.select %eq3A_303, %get3A_301, %broadcast_in_dim3A_323 : vector<64x128xi1>, vector<64x128xf32>
      %reduce_sum3A_325 = arith.constant dense<0.000000e+00> : vector<128xf32>
      %reduce_sum3A_326 = vector.multi_reduction <add>, %select_n3A_324, %reduce_sum3A_325 [0] : vector<64x128xf32> to vector<128xf32>
      %broadcast_in_dim3A_327 = vector.shape_cast %reduce_sum3A_326 : vector<128xf32> to vector<1x128xf32>
      %reduce_sum3A_328 = arith.constant dense<0.000000e+00> : vector<1xf32>
      %reduce_sum3A_329 = vector.multi_reduction <add>, %broadcast_in_dim3A_327, %reduce_sum3A_328 [1] : vector<1x128xf32> to vector<1xf32>
      %broadcast_in_dim3A_330 = vector.shape_cast %reduce_sum3A_329 : vector<1xf32> to vector<1x1xf32>
      %sub3A_331 = vector.broadcast %broadcast_in_dim3A_312 : vector<1x1xf32> to vector<64x128xf32>
      %sub3A_332 = arith.subf %get3A_289, %sub3A_331 : vector<64x128xf32>
      %sub3A_333 = vector.broadcast %broadcast_in_dim3A_321 : vector<1x1xf32> to vector<64x128xf32>
      %sub3A_334 = arith.subf %get3A_295, %sub3A_333 : vector<64x128xf32>
      %sub3A_335 = vector.broadcast %broadcast_in_dim3A_330 : vector<1x1xf32> to vector<64x128xf32>
      %sub3A_336 = arith.subf %get3A_301, %sub3A_335 : vector<64x128xf32>
      %mul3A_337 = arith.mulf %sub3A_332, %sub3A_332 : vector<64x128xf32>
      %mul3A_338 = arith.mulf %sub3A_334, %sub3A_334 : vector<64x128xf32>
      %add3A_339 = arith.addf %mul3A_337, %mul3A_338 : vector<64x128xf32>
      %mul3A_340 = arith.mulf %sub3A_336, %sub3A_336 : vector<64x128xf32>
      %add3A_341 = arith.addf %add3A_339, %mul3A_340 : vector<64x128xf32>
      %get3A_342 = arith.constant 2 : index
      %get3A_343 = arith.constant 0 : index
      %get3A_344 = arith.constant 0 : index
      %get3A_345 = vector.load %arg2[%get3A_342, %get3A_343, %get3A_344] : memref<16x64x128xf32, #tpu.memory_space<vmem>>, vector<1x64x128xf32>
      %get3A_346 = vector.shape_cast %get3A_345 : vector<1x64x128xf32> to vector<64x128xf32>
      %min3A_347 = arith.minimumf %get3A_346, %add3A_341 : vector<64x128xf32>
      %swap3A_348 = arith.constant 2 : index
      %swap3A_349 = arith.constant 0 : index
      %swap3A_350 = arith.constant 0 : index
      %swap3A_351 = vector.load %arg2[%swap3A_348, %swap3A_349, %swap3A_350] : memref<16x64x128xf32, #tpu.memory_space<vmem>>, vector<1x64x128xf32>
      %swap3A_352 = vector.shape_cast %swap3A_351 : vector<1x64x128xf32> to vector<64x128xf32>
      %swap3A_353 = vector.shape_cast %min3A_347 : vector<64x128xf32> to vector<1x64x128xf32>
      tpu.vector_store %arg2[%swap3A_348, %swap3A_349, %swap3A_350], %swap3A_353 {strides = array<i32>} : memref<16x64x128xf32, #tpu.memory_space<vmem>>, vector<1x64x128xf32>,
      %reduce_max3A_354 = arith.constant dense<0xFF800000> : vector<128xf32>
      %reduce_max3A_355 = vector.multi_reduction <maximumf>, %min3A_347, %reduce_max3A_354 [0] : vector<64x128xf32> to vector<128xf32>
      %broadcast_in_dim3A_356 = vector.shape_cast %reduce_max3A_355 : vector<128xf32> to vector<1x128xf32>
      %reduce_max3A_357 = arith.constant dense<0xFF800000> : vector<1xf32>
      %reduce_max3A_358 = vector.multi_reduction <maximumf>, %broadcast_in_dim3A_356, %reduce_max3A_357 [1] : vector<1x128xf32> to vector<1xf32>
      %broadcast_in_dim3A_359 = vector.shape_cast %reduce_max3A_358 : vector<1xf32> to vector<1x1xf32>
      %eq3A_360 = vector.broadcast %broadcast_in_dim3A_359 : vector<1x1xf32> to vector<64x128xf32>
      %eq3A_361 = arith.cmpf oeq, %min3A_347, %eq3A_360 : vector<64x128xf32>
      %jit3A_362 = arith.constant 8192 : i32
      %broadcast_in_dim3A_363 = vector.broadcast %jit3A_362 : i32 to vector<64x128xi32>
      %select_n3A_364 = arith.select %eq3A_361, %add3A, %broadcast_in_dim3A_363 : vector<64x128xi1>, vector<64x128xi32>
      %reduce_min3A_365 = arith.constant dense<2147483647> : vector<128xi32>
      %reduce_min3A_366 = vector.multi_reduction <minsi>, %select_n3A_364, %reduce_min3A_365 [0] : vector<64x128xi32> to vector<128xi32>
      %broadcast_in_dim3A_367 = vector.shape_cast %reduce_min3A_366 : vector<128xi32> to vector<1x128xi32>
      %reduce_min3A_368 = arith.constant dense<2147483647> : vector<1xi32>
      %reduce_min3A_369 = vector.multi_reduction <minsi>, %broadcast_in_dim3A_367, %reduce_min3A_368 [1] : vector<1x128xi32> to vector<1xi32>
      %broadcast_in_dim3A_370 = vector.shape_cast %reduce_min3A_369 : vector<1xi32> to vector<1x1xi32>
      %eq3A_371 = arith.constant 0 : i32
      %eq3A_372 = vector.broadcast %eq3A_371 : i32 to vector<8x128xi32>
      %eq3A_373 = arith.cmpi eq, %iota3A_3, %eq3A_372 : vector<8x128xi32>
      %eq3A_374 = arith.constant 1 : i32
      %eq3A_375 = vector.broadcast %eq3A_374 : i32 to vector<8x128xi32>
      %eq3A_376 = arith.cmpi eq, %iota3A_3, %eq3A_375 : vector<8x128xi32>
      %broadcast_in_dim3A_377 = vector.shape_cast %broadcast_in_dim3A_321 : vector<1x1xf32> to vector<1x1xf32>
      %broadcast_in_dim3A_378 = vector.broadcast %broadcast_in_dim3A_377 : vector<1x1xf32> to vector<8x128xf32>
      %broadcast_in_dim3A_379 = vector.shape_cast %broadcast_in_dim3A_330 : vector<1x1xf32> to vector<1x1xf32>
      %broadcast_in_dim3A_380 = vector.broadcast %broadcast_in_dim3A_379 : vector<1x1xf32> to vector<8x128xf32>
      %select_n3A_381 = arith.select %eq3A_376, %broadcast_in_dim3A_378, %broadcast_in_dim3A_380 : vector<8x128xi1>, vector<8x128xf32>
      %broadcast_in_dim3A_382 = vector.shape_cast %broadcast_in_dim3A_312 : vector<1x1xf32> to vector<1x1xf32>
      %broadcast_in_dim3A_383 = vector.broadcast %broadcast_in_dim3A_382 : vector<1x1xf32> to vector<8x128xf32>
      %select_n3A_384 = arith.select %eq3A_373, %broadcast_in_dim3A_383, %select_n3A_381 : vector<8x128xi1>, vector<8x128xf32>
      %eq3A_385 = vector.broadcast %scan3A_46 : i32 to vector<8x128xi32>
      %eq3A_386 = arith.cmpi eq, %iota3A_4, %eq3A_385 : vector<8x128xi32>
      %get3A_387 = arith.constant 2 : index
      %get3A_388 = arith.constant 0 : index
      %get3A_389 = arith.constant 0 : index
      %get3A_390 = vector.load %arg1[%get3A_387, %get3A_388, %get3A_389] : memref<16x8x128xf32, #tpu.memory_space<vmem>>, vector<1x8x128xf32>
      %get3A_391 = vector.shape_cast %get3A_390 : vector<1x8x128xf32> to vector<8x128xf32>
      %select_n3A_392 = arith.select %eq3A_386, %select_n3A_384, %get3A_391 : vector<8x128xi1>, vector<8x128xf32>
      %swap3A_393 = arith.constant 2 : index
      %swap3A_394 = arith.constant 0 : index
      %swap3A_395 = arith.constant 0 : index
      %swap3A_396 = vector.load %arg1[%swap3A_393, %swap3A_394, %swap3A_395] : memref<16x8x128xf32, #tpu.memory_space<vmem>>, vector<1x8x128xf32>
      %swap3A_397 = vector.shape_cast %swap3A_396 : vector<1x8x128xf32> to vector<8x128xf32>
      %swap3A_398 = vector.shape_cast %select_n3A_392 : vector<8x128xf32> to vector<1x8x128xf32>
      tpu.vector_store %arg1[%swap3A_393, %swap3A_394, %swap3A_395], %swap3A_398 {strides = array<i32>} : memref<16x8x128xf32, #tpu.memory_space<vmem>>, vector<1x8x128xf32>,
      %get3A_399 = arith.constant 3 : index
      %get3A_400 = arith.constant 0 : index
      %get3A_401 = arith.constant 0 : index
      %get3A_402 = arith.constant 0 : index
      %get3A_403 = vector.load %arg0[%get3A_399, %get3A_400, %get3A_401, %get3A_402] : memref<16x3x64x128xf32, #tpu.memory_space<vmem>>, vector<1x1x64x128xf32>
      %get3A_404 = vector.shape_cast %get3A_403 : vector<1x1x64x128xf32> to vector<64x128xf32>
      %get3A_405 = arith.constant 3 : index
      %get3A_406 = arith.constant 1 : index
      %get3A_407 = arith.constant 0 : index
      %get3A_408 = arith.constant 0 : index
      %get3A_409 = vector.load %arg0[%get3A_405, %get3A_406, %get3A_407, %get3A_408] : memref<16x3x64x128xf32, #tpu.memory_space<vmem>>, vector<1x1x64x128xf32>
      %get3A_410 = vector.shape_cast %get3A_409 : vector<1x1x64x128xf32> to vector<64x128xf32>
      %get3A_411 = arith.constant 3 : index
      %get3A_412 = arith.constant 2 : index
      %get3A_413 = arith.constant 0 : index
      %get3A_414 = arith.constant 0 : index
      %get3A_415 = vector.load %arg0[%get3A_411, %get3A_412, %get3A_413, %get3A_414] : memref<16x3x64x128xf32, #tpu.memory_space<vmem>>, vector<1x1x64x128xf32>
      %get3A_416 = vector.shape_cast %get3A_415 : vector<1x1x64x128xf32> to vector<64x128xf32>
      %eq3A_417 = vector.broadcast %scan3A_50 : vector<1x1xi32> to vector<64x128xi32>
      %eq3A_418 = arith.cmpi eq, %add3A, %eq3A_417 : vector<64x128xi32>
      %jit3A_419 = arith.constant 0.000000e+00 : f32
      %broadcast_in_dim3A_420 = vector.broadcast %jit3A_419 : f32 to vector<64x128xf32>
      %select_n3A_421 = arith.select %eq3A_418, %get3A_404, %broadcast_in_dim3A_420 : vector<64x128xi1>, vector<64x128xf32>
      %reduce_sum3A_422 = arith.constant dense<0.000000e+00> : vector<128xf32>
      %reduce_sum3A_423 = vector.multi_reduction <add>, %select_n3A_421, %reduce_sum3A_422 [0] : vector<64x128xf32> to vector<128xf32>
      %broadcast_in_dim3A_424 = vector.shape_cast %reduce_sum3A_423 : vector<128xf32> to vector<1x128xf32>
      %reduce_sum3A_425 = arith.constant dense<0.000000e+00> : vector<1xf32>
      %reduce_sum3A_426 = vector.multi_reduction <add>, %broadcast_in_dim3A_424, %reduce_sum3A_425 [1] : vector<1x128xf32> to vector<1xf32>
      %broadcast_in_dim3A_427 = vector.shape_cast %reduce_sum3A_426 : vector<1xf32> to vector<1x1xf32>
      %jit3A_428 = arith.constant 0.000000e+00 : f32
      %broadcast_in_dim3A_429 = vector.broadcast %jit3A_428 : f32 to vector<64x128xf32>
      %select_n3A_430 = arith.select %eq3A_418, %get3A_410, %broadcast_in_dim3A_429 : vector<64x128xi1>, vector<64x128xf32>
      %reduce_sum3A_431 = arith.constant dense<0.000000e+00> : vector<128xf32>
      %reduce_sum3A_432 = vector.multi_reduction <add>, %select_n3A_430, %reduce_sum3A_431 [0] : vector<64x128xf32> to vector<128xf32>
      %broadcast_in_dim3A_433 = vector.shape_cast %reduce_sum3A_432 : vector<128xf32> to vector<1x128xf32>
      %reduce_sum3A_434 = arith.constant dense<0.000000e+00> : vector<1xf32>
      %reduce_sum3A_435 = vector.multi_reduction <add>, %broadcast_in_dim3A_433, %reduce_sum3A_434 [1] : vector<1x128xf32> to vector<1xf32>
      %broadcast_in_dim3A_436 = vector.shape_cast %reduce_sum3A_435 : vector<1xf32> to vector<1x1xf32>
      %jit3A_437 = arith.constant 0.000000e+00 : f32
      %broadcast_in_dim3A_438 = vector.broadcast %jit3A_437 : f32 to vector<64x128xf32>
      %select_n3A_439 = arith.select %eq3A_418, %get3A_416, %broadcast_in_dim3A_438 : vector<64x128xi1>, vector<64x128xf32>
      %reduce_sum3A_440 = arith.constant dense<0.000000e+00> : vector<128xf32>
      %reduce_sum3A_441 = vector.multi_reduction <add>, %select_n3A_439, %reduce_sum3A_440 [0] : vector<64x128xf32> to vector<128xf32>
      %broadcast_in_dim3A_442 = vector.shape_cast %reduce_sum3A_441 : vector<128xf32> to vector<1x128xf32>
      %reduce_sum3A_443 = arith.constant dense<0.000000e+00> : vector<1xf32>
      %reduce_sum3A_444 = vector.multi_reduction <add>, %broadcast_in_dim3A_442, %reduce_sum3A_443 [1] : vector<1x128xf32> to vector<1xf32>
      %broadcast_in_dim3A_445 = vector.shape_cast %reduce_sum3A_444 : vector<1xf32> to vector<1x1xf32>
      %sub3A_446 = vector.broadcast %broadcast_in_dim3A_427 : vector<1x1xf32> to vector<64x128xf32>
      %sub3A_447 = arith.subf %get3A_404, %sub3A_446 : vector<64x128xf32>
      %sub3A_448 = vector.broadcast %broadcast_in_dim3A_436 : vector<1x1xf32> to vector<64x128xf32>
      %sub3A_449 = arith.subf %get3A_410, %sub3A_448 : vector<64x128xf32>
      %sub3A_450 = vector.broadcast %broadcast_in_dim3A_445 : vector<1x1xf32> to vector<64x128xf32>
      %sub3A_451 = arith.subf %get3A_416, %sub3A_450 : vector<64x128xf32>
      %mul3A_452 = arith.mulf %sub3A_447, %sub3A_447 : vector<64x128xf32>
      %mul3A_453 = arith.mulf %sub3A_449, %sub3A_449 : vector<64x128xf32>
      %add3A_454 = arith.addf %mul3A_452, %mul3A_453 : vector<64x128xf32>
      %mul3A_455 = arith.mulf %sub3A_451, %sub3A_451 : vector<64x128xf32>
      %add3A_456 = arith.addf %add3A_454, %mul3A_455 : vector<64x128xf32>
      %get3A_457 = arith.constant 3 : index
      %get3A_458 = arith.constant 0 : index
      %get3A_459 = arith.constant 0 : index
      %get3A_460 = vector.load %arg2[%get3A_457, %get3A_458, %get3A_459] : memref<16x64x128xf32, #tpu.memory_space<vmem>>, vector<1x64x128xf32>
      %get3A_461 = vector.shape_cast %get3A_460 : vector<1x64x128xf32> to vector<64x128xf32>
      %min3A_462 = arith.minimumf %get3A_461, %add3A_456 : vector<64x128xf32>
      %swap3A_463 = arith.constant 3 : index
      %swap3A_464 = arith.constant 0 : index
      %swap3A_465 = arith.constant 0 : index
      %swap3A_466 = vector.load %arg2[%swap3A_463, %swap3A_464, %swap3A_465] : memref<16x64x128xf32, #tpu.memory_space<vmem>>, vector<1x64x128xf32>
      %swap3A_467 = vector.shape_cast %swap3A_466 : vector<1x64x128xf32> to vector<64x128xf32>
      %swap3A_468 = vector.shape_cast %min3A_462 : vector<64x128xf32> to vector<1x64x128xf32>
      tpu.vector_store %arg2[%swap3A_463, %swap3A_464, %swap3A_465], %swap3A_468 {strides = array<i32>} : memref<16x64x128xf32, #tpu.memory_space<vmem>>, vector<1x64x128xf32>,
      %reduce_max3A_469 = arith.constant dense<0xFF800000> : vector<128xf32>
      %reduce_max3A_470 = vector.multi_reduction <maximumf>, %min3A_462, %reduce_max3A_469 [0] : vector<64x128xf32> to vector<128xf32>
      %broadcast_in_dim3A_471 = vector.shape_cast %reduce_max3A_470 : vector<128xf32> to vector<1x128xf32>
      %reduce_max3A_472 = arith.constant dense<0xFF800000> : vector<1xf32>
      %reduce_max3A_473 = vector.multi_reduction <maximumf>, %broadcast_in_dim3A_471, %reduce_max3A_472 [1] : vector<1x128xf32> to vector<1xf32>
      %broadcast_in_dim3A_474 = vector.shape_cast %reduce_max3A_473 : vector<1xf32> to vector<1x1xf32>
      %eq3A_475 = vector.broadcast %broadcast_in_dim3A_474 : vector<1x1xf32> to vector<64x128xf32>
      %eq3A_476 = arith.cmpf oeq, %min3A_462, %eq3A_475 : vector<64x128xf32>
      %jit3A_477 = arith.constant 8192 : i32
      %broadcast_in_dim3A_478 = vector.broadcast %jit3A_477 : i32 to vector<64x128xi32>
      %select_n3A_479 = arith.select %eq3A_476, %add3A, %broadcast_in_dim3A_478 : vector<64x128xi1>, vector<64x128xi32>
      %reduce_min3A_480 = arith.constant dense<2147483647> : vector<128xi32>
      %reduce_min3A_481 = vector.multi_reduction <minsi>, %select_n3A_479, %reduce_min3A_480 [0] : vector<64x128xi32> to vector<128xi32>
      %broadcast_in_dim3A_482 = vector.shape_cast %reduce_min3A_481 : vector<128xi32> to vector<1x128xi32>
      %reduce_min3A_483 = arith.constant dense<2147483647> : vector<1xi32>
      %reduce_min3A_484 = vector.multi_reduction <minsi>, %broadcast_in_dim3A_482, %reduce_min3A_483 [1] : vector<1x128xi32> to vector<1xi32>
      %broadcast_in_dim3A_485 = vector.shape_cast %reduce_min3A_484 : vector<1xi32> to vector<1x1xi32>
      %eq3A_486 = arith.constant 0 : i32
      %eq3A_487 = vector.broadcast %eq3A_486 : i32 to vector<8x128xi32>
      %eq3A_488 = arith.cmpi eq, %iota3A_3, %eq3A_487 : vector<8x128xi32>
      %eq3A_489 = arith.constant 1 : i32
      %eq3A_490 = vector.broadcast %eq3A_489 : i32 to vector<8x128xi32>
      %eq3A_491 = arith.cmpi eq, %iota3A_3, %eq3A_490 : vector<8x128xi32>
      %broadcast_in_dim3A_492 = vector.shape_cast %broadcast_in_dim3A_436 : vector<1x1xf32> to vector<1x1xf32>
      %broadcast_in_dim3A_493 = vector.broadcast %broadcast_in_dim3A_492 : vector<1x1xf32> to vector<8x128xf32>
      %broadcast_in_dim3A_494 = vector.shape_cast %broadcast_in_dim3A_445 : vector<1x1xf32> to vector<1x1xf32>
      %broadcast_in_dim3A_495 = vector.broadcast %broadcast_in_dim3A_494 : vector<1x1xf32> to vector<8x128xf32>
      %select_n3A_496 = arith.select %eq3A_491, %broadcast_in_dim3A_493, %broadcast_in_dim3A_495 : vector<8x128xi1>, vector<8x128xf32>
      %broadcast_in_dim3A_497 = vector.shape_cast %broadcast_in_dim3A_427 : vector<1x1xf32> to vector<1x1xf32>
      %broadcast_in_dim3A_498 = vector.broadcast %broadcast_in_dim3A_497 : vector<1x1xf32> to vector<8x128xf32>
      %select_n3A_499 = arith.select %eq3A_488, %broadcast_in_dim3A_498, %select_n3A_496 : vector<8x128xi1>, vector<8x128xf32>
      %eq3A_500 = vector.broadcast %scan3A_46 : i32 to vector<8x128xi32>
      %eq3A_501 = arith.cmpi eq, %iota3A_4, %eq3A_500 : vector<8x128xi32>
      %get3A_502 = arith.constant 3 : index
      %get3A_503 = arith.constant 0 : index
      %get3A_504 = arith.constant 0 : index
      %get3A_505 = vector.load %arg1[%get3A_502, %get3A_503, %get3A_504] : memref<16x8x128xf32, #tpu.memory_space<vmem>>, vector<1x8x128xf32>
      %get3A_506 = vector.shape_cast %get3A_505 : vector<1x8x128xf32> to vector<8x128xf32>
      %select_n3A_507 = arith.select %eq3A_501, %select_n3A_499, %get3A_506 : vector<8x128xi1>, vector<8x128xf32>
      %swap3A_508 = arith.constant 3 : index
      %swap3A_509 = arith.constant 0 : index
      %swap3A_510 = arith.constant 0 : index
      %swap3A_511 = vector.load %arg1[%swap3A_508, %swap3A_509, %swap3A_510] : memref<16x8x128xf32, #tpu.memory_space<vmem>>, vector<1x8x128xf32>
      %swap3A_512 = vector.shape_cast %swap3A_511 : vector<1x8x128xf32> to vector<8x128xf32>
      %swap3A_513 = vector.shape_cast %select_n3A_507 : vector<8x128xf32> to vector<1x8x128xf32>
      tpu.vector_store %arg1[%swap3A_508, %swap3A_509, %swap3A_510], %swap3A_513 {strides = array<i32>} : memref<16x8x128xf32, #tpu.memory_space<vmem>>, vector<1x8x128xf32>,
      %get3A_514 = arith.constant 4 : index
      %get3A_515 = arith.constant 0 : index
      %get3A_516 = arith.constant 0 : index
      %get3A_517 = arith.constant 0 : index
      %get3A_518 = vector.load %arg0[%get3A_514, %get3A_515, %get3A_516, %get3A_517] : memref<16x3x64x128xf32, #tpu.memory_space<vmem>>, vector<1x1x64x128xf32>
      %get3A_519 = vector.shape_cast %get3A_518 : vector<1x1x64x128xf32> to vector<64x128xf32>
      %get3A_520 = arith.constant 4 : index
      %get3A_521 = arith.constant 1 : index
      %get3A_522 = arith.constant 0 : index
      %get3A_523 = arith.constant 0 : index
      %get3A_524 = vector.load %arg0[%get3A_520, %get3A_521, %get3A_522, %get3A_523] : memref<16x3x64x128xf32, #tpu.memory_space<vmem>>, vector<1x1x64x128xf32>
      %get3A_525 = vector.shape_cast %get3A_524 : vector<1x1x64x128xf32> to vector<64x128xf32>
      %get3A_526 = arith.constant 4 : index
      %get3A_527 = arith.constant 2 : index
      %get3A_528 = arith.constant 0 : index
      %get3A_529 = arith.constant 0 : index
      %get3A_530 = vector.load %arg0[%get3A_526, %get3A_527, %get3A_528, %get3A_529] : memref<16x3x64x128xf32, #tpu.memory_space<vmem>>, vector<1x1x64x128xf32>
      %get3A_531 = vector.shape_cast %get3A_530 : vector<1x1x64x128xf32> to vector<64x128xf32>
      %eq3A_532 = vector.broadcast %scan3A_51 : vector<1x1xi32> to vector<64x128xi32>
      %eq3A_533 = arith.cmpi eq, %add3A, %eq3A_532 : vector<64x128xi32>
      %jit3A_534 = arith.constant 0.000000e+00 : f32
      %broadcast_in_dim3A_535 = vector.broadcast %jit3A_534 : f32 to vector<64x128xf32>
      %select_n3A_536 = arith.select %eq3A_533, %get3A_519, %broadcast_in_dim3A_535 : vector<64x128xi1>, vector<64x128xf32>
      %reduce_sum3A_537 = arith.constant dense<0.000000e+00> : vector<128xf32>
      %reduce_sum3A_538 = vector.multi_reduction <add>, %select_n3A_536, %reduce_sum3A_537 [0] : vector<64x128xf32> to vector<128xf32>
      %broadcast_in_dim3A_539 = vector.shape_cast %reduce_sum3A_538 : vector<128xf32> to vector<1x128xf32>
      %reduce_sum3A_540 = arith.constant dense<0.000000e+00> : vector<1xf32>
      %reduce_sum3A_541 = vector.multi_reduction <add>, %broadcast_in_dim3A_539, %reduce_sum3A_540 [1] : vector<1x128xf32> to vector<1xf32>
      %broadcast_in_dim3A_542 = vector.shape_cast %reduce_sum3A_541 : vector<1xf32> to vector<1x1xf32>
      %jit3A_543 = arith.constant 0.000000e+00 : f32
      %broadcast_in_dim3A_544 = vector.broadcast %jit3A_543 : f32 to vector<64x128xf32>
      %select_n3A_545 = arith.select %eq3A_533, %get3A_525, %broadcast_in_dim3A_544 : vector<64x128xi1>, vector<64x128xf32>
      %reduce_sum3A_546 = arith.constant dense<0.000000e+00> : vector<128xf32>
      %reduce_sum3A_547 = vector.multi_reduction <add>, %select_n3A_545, %reduce_sum3A_546 [0] : vector<64x128xf32> to vector<128xf32>
      %broadcast_in_dim3A_548 = vector.shape_cast %reduce_sum3A_547 : vector<128xf32> to vector<1x128xf32>
      %reduce_sum3A_549 = arith.constant dense<0.000000e+00> : vector<1xf32>
      %reduce_sum3A_550 = vector.multi_reduction <add>, %broadcast_in_dim3A_548, %reduce_sum3A_549 [1] : vector<1x128xf32> to vector<1xf32>
      %broadcast_in_dim3A_551 = vector.shape_cast %reduce_sum3A_550 : vector<1xf32> to vector<1x1xf32>
      %jit3A_552 = arith.constant 0.000000e+00 : f32
      %broadcast_in_dim3A_553 = vector.broadcast %jit3A_552 : f32 to vector<64x128xf32>
      %select_n3A_554 = arith.select %eq3A_533, %get3A_531, %broadcast_in_dim3A_553 : vector<64x128xi1>, vector<64x128xf32>
      %reduce_sum3A_555 = arith.constant dense<0.000000e+00> : vector<128xf32>
      %reduce_sum3A_556 = vector.multi_reduction <add>, %select_n3A_554, %reduce_sum3A_555 [0] : vector<64x128xf32> to vector<128xf32>
      %broadcast_in_dim3A_557 = vector.shape_cast %reduce_sum3A_556 : vector<128xf32> to vector<1x128xf32>
      %reduce_sum3A_558 = arith.constant dense<0.000000e+00> : vector<1xf32>
      %reduce_sum3A_559 = vector.multi_reduction <add>, %broadcast_in_dim3A_557, %reduce_sum3A_558 [1] : vector<1x128xf32> to vector<1xf32>
      %broadcast_in_dim3A_560 = vector.shape_cast %reduce_sum3A_559 : vector<1xf32> to vector<1x1xf32>
      %sub3A_561 = vector.broadcast %broadcast_in_dim3A_542 : vector<1x1xf32> to vector<64x128xf32>
      %sub3A_562 = arith.subf %get3A_519, %sub3A_561 : vector<64x128xf32>
      %sub3A_563 = vector.broadcast %broadcast_in_dim3A_551 : vector<1x1xf32> to vector<64x128xf32>
      %sub3A_564 = arith.subf %get3A_525, %sub3A_563 : vector<64x128xf32>
      %sub3A_565 = vector.broadcast %broadcast_in_dim3A_560 : vector<1x1xf32> to vector<64x128xf32>
      %sub3A_566 = arith.subf %get3A_531, %sub3A_565 : vector<64x128xf32>
      %mul3A_567 = arith.mulf %sub3A_562, %sub3A_562 : vector<64x128xf32>
      %mul3A_568 = arith.mulf %sub3A_564, %sub3A_564 : vector<64x128xf32>
      %add3A_569 = arith.addf %mul3A_567, %mul3A_568 : vector<64x128xf32>
      %mul3A_570 = arith.mulf %sub3A_566, %sub3A_566 : vector<64x128xf32>
      %add3A_571 = arith.addf %add3A_569, %mul3A_570 : vector<64x128xf32>
      %get3A_572 = arith.constant 4 : index
      %get3A_573 = arith.constant 0 : index
      %get3A_574 = arith.constant 0 : index
      %get3A_575 = vector.load %arg2[%get3A_572, %get3A_573, %get3A_574] : memref<16x64x128xf32, #tpu.memory_space<vmem>>, vector<1x64x128xf32>
      %get3A_576 = vector.shape_cast %get3A_575 : vector<1x64x128xf32> to vector<64x128xf32>
      %min3A_577 = arith.minimumf %get3A_576, %add3A_571 : vector<64x128xf32>
      %swap3A_578 = arith.constant 4 : index
      %swap3A_579 = arith.constant 0 : index
      %swap3A_580 = arith.constant 0 : index
      %swap3A_581 = vector.load %arg2[%swap3A_578, %swap3A_579, %swap3A_580] : memref<16x64x128xf32, #tpu.memory_space<vmem>>, vector<1x64x128xf32>
      %swap3A_582 = vector.shape_cast %swap3A_581 : vector<1x64x128xf32> to vector<64x128xf32>
      %swap3A_583 = vector.shape_cast %min3A_577 : vector<64x128xf32> to vector<1x64x128xf32>
      tpu.vector_store %arg2[%swap3A_578, %swap3A_579, %swap3A_580], %swap3A_583 {strides = array<i32>} : memref<16x64x128xf32, #tpu.memory_space<vmem>>, vector<1x64x128xf32>,
      %reduce_max3A_584 = arith.constant dense<0xFF800000> : vector<128xf32>
      %reduce_max3A_585 = vector.multi_reduction <maximumf>, %min3A_577, %reduce_max3A_584 [0] : vector<64x128xf32> to vector<128xf32>
      %broadcast_in_dim3A_586 = vector.shape_cast %reduce_max3A_585 : vector<128xf32> to vector<1x128xf32>
      %reduce_max3A_587 = arith.constant dense<0xFF800000> : vector<1xf32>
      %reduce_max3A_588 = vector.multi_reduction <maximumf>, %broadcast_in_dim3A_586, %reduce_max3A_587 [1] : vector<1x128xf32> to vector<1xf32>
      %broadcast_in_dim3A_589 = vector.shape_cast %reduce_max3A_588 : vector<1xf32> to vector<1x1xf32>
      %eq3A_590 = vector.broadcast %broadcast_in_dim3A_589 : vector<1x1xf32> to vector<64x128xf32>
      %eq3A_591 = arith.cmpf oeq, %min3A_577, %eq3A_590 : vector<64x128xf32>
      %jit3A_592 = arith.constant 8192 : i32
      %broadcast_in_dim3A_593 = vector.broadcast %jit3A_592 : i32 to vector<64x128xi32>
      %select_n3A_594 = arith.select %eq3A_591, %add3A, %broadcast_in_dim3A_593 : vector<64x128xi1>, vector<64x128xi32>
      %reduce_min3A_595 = arith.constant dense<2147483647> : vector<128xi32>
      %reduce_min3A_596 = vector.multi_reduction <minsi>, %select_n3A_594, %reduce_min3A_595 [0] : vector<64x128xi32> to vector<128xi32>
      %broadcast_in_dim3A_597 = vector.shape_cast %reduce_min3A_596 : vector<128xi32> to vector<1x128xi32>
      %reduce_min3A_598 = arith.constant dense<2147483647> : vector<1xi32>
      %reduce_min3A_599 = vector.multi_reduction <minsi>, %broadcast_in_dim3A_597, %reduce_min3A_598 [1] : vector<1x128xi32> to vector<1xi32>
      %broadcast_in_dim3A_600 = vector.shape_cast %reduce_min3A_599 : vector<1xi32> to vector<1x1xi32>
      %eq3A_601 = arith.constant 0 : i32
      %eq3A_602 = vector.broadcast %eq3A_601 : i32 to vector<8x128xi32>
      %eq3A_603 = arith.cmpi eq, %iota3A_3, %eq3A_602 : vector<8x128xi32>
      %eq3A_604 = arith.constant 1 : i32
      %eq3A_605 = vector.broadcast %eq3A_604 : i32 to vector<8x128xi32>
      %eq3A_606 = arith.cmpi eq, %iota3A_3, %eq3A_605 : vector<8x128xi32>
      %broadcast_in_dim3A_607 = vector.shape_cast %broadcast_in_dim3A_551 : vector<1x1xf32> to vector<1x1xf32>
      %broadcast_in_dim3A_608 = vector.broadcast %broadcast_in_dim3A_607 : vector<1x1xf32> to vector<8x128xf32>
      %broadcast_in_dim3A_609 = vector.shape_cast %broadcast_in_dim3A_560 : vector<1x1xf32> to vector<1x1xf32>
      %broadcast_in_dim3A_610 = vector.broadcast %broadcast_in_dim3A_609 : vector<1x1xf32> to vector<8x128xf32>
      %select_n3A_611 = arith.select %eq3A_606, %broadcast_in_dim3A_608, %broadcast_in_dim3A_610 : vector<8x128xi1>, vector<8x128xf32>
      %broadcast_in_dim3A_612 = vector.shape_cast %broadcast_in_dim3A_542 : vector<1x1xf32> to vector<1x1xf32>
      %broadcast_in_dim3A_613 = vector.broadcast %broadcast_in_dim3A_612 : vector<1x1xf32> to vector<8x128xf32>
      %select_n3A_614 = arith.select %eq3A_603, %broadcast_in_dim3A_613, %select_n3A_611 : vector<8x128xi1>, vector<8x128xf32>
      %eq3A_615 = vector.broadcast %scan3A_46 : i32 to vector<8x128xi32>
      %eq3A_616 = arith.cmpi eq, %iota3A_4, %eq3A_615 : vector<8x128xi32>
      %get3A_617 = arith.constant 4 : index
      %get3A_618 = arith.constant 0 : index
      %get3A_619 = arith.constant 0 : index
      %get3A_620 = vector.load %arg1[%get3A_617, %get3A_618, %get3A_619] : memref<16x8x128xf32, #tpu.memory_space<vmem>>, vector<1x8x128xf32>
      %get3A_621 = vector.shape_cast %get3A_620 : vector<1x8x128xf32> to vector<8x128xf32>
      %select_n3A_622 = arith.select %eq3A_616, %select_n3A_614, %get3A_621 : vector<8x128xi1>, vector<8x128xf32>
      %swap3A_623 = arith.constant 4 : index
      %swap3A_624 = arith.constant 0 : index
      %swap3A_625 = arith.constant 0 : index
      %swap3A_626 = vector.load %arg1[%swap3A_623, %swap3A_624, %swap3A_625] : memref<16x8x128xf32, #tpu.memory_space<vmem>>, vector<1x8x128xf32>
      %swap3A_627 = vector.shape_cast %swap3A_626 : vector<1x8x128xf32> to vector<8x128xf32>
      %swap3A_628 = vector.shape_cast %select_n3A_622 : vector<8x128xf32> to vector<1x8x128xf32>
      tpu.vector_store %arg1[%swap3A_623, %swap3A_624, %swap3A_625], %swap3A_628 {strides = array<i32>} : memref<16x8x128xf32, #tpu.memory_space<vmem>>, vector<1x8x128xf32>,
      %get3A_629 = arith.constant 5 : index
      %get3A_630 = arith.constant 0 : index
      %get3A_631 = arith.constant 0 : index
      %get3A_632 = arith.constant 0 : index
      %get3A_633 = vector.load %arg0[%get3A_629, %get3A_630, %get3A_631, %get3A_632] : memref<16x3x64x128xf32, #tpu.memory_space<vmem>>, vector<1x1x64x128xf32>
      %get3A_634 = vector.shape_cast %get3A_633 : vector<1x1x64x128xf32> to vector<64x128xf32>
      %get3A_635 = arith.constant 5 : index
      %get3A_636 = arith.constant 1 : index
      %get3A_637 = arith.constant 0 : index
      %get3A_638 = arith.constant 0 : index
      %get3A_639 = vector.load %arg0[%get3A_635, %get3A_636, %get3A_637, %get3A_638] : memref<16x3x64x128xf32, #tpu.memory_space<vmem>>, vector<1x1x64x128xf32>
      %get3A_640 = vector.shape_cast %get3A_639 : vector<1x1x64x128xf32> to vector<64x128xf32>
      %get3A_641 = arith.constant 5 : index
      %get3A_642 = arith.constant 2 : index
      %get3A_643 = arith.constant 0 : index
      %get3A_644 = arith.constant 0 : index
      %get3A_645 = vector.load %arg0[%get3A_641, %get3A_642, %get3A_643, %get3A_644] : memref<16x3x64x128xf32, #tpu.memory_space<vmem>>, vector<1x1x64x128xf32>
      %get3A_646 = vector.shape_cast %get3A_645 : vector<1x1x64x128xf32> to vector<64x128xf32>
      %eq3A_647 = vector.broadcast %scan3A_52 : vector<1x1xi32> to vector<64x128xi32>
      %eq3A_648 = arith.cmpi eq, %add3A, %eq3A_647 : vector<64x128xi32>
      %jit3A_649 = arith.constant 0.000000e+00 : f32
      %broadcast_in_dim3A_650 = vector.broadcast %jit3A_649 : f32 to vector<64x128xf32>
      %select_n3A_651 = arith.select %eq3A_648, %get3A_634, %broadcast_in_dim3A_650 : vector<64x128xi1>, vector<64x128xf32>
      %reduce_sum3A_652 = arith.constant dense<0.000000e+00> : vector<128xf32>
      %reduce_sum3A_653 = vector.multi_reduction <add>, %select_n3A_651, %reduce_sum3A_652 [0] : vector<64x128xf32> to vector<128xf32>
      %broadcast_in_dim3A_654 = vector.shape_cast %reduce_sum3A_653 : vector<128xf32> to vector<1x128xf32>
      %reduce_sum3A_655 = arith.constant dense<0.000000e+00> : vector<1xf32>
      %reduce_sum3A_656 = vector.multi_reduction <add>, %broadcast_in_dim3A_654, %reduce_sum3A_655 [1] : vector<1x128xf32> to vector<1xf32>
      %broadcast_in_dim3A_657 = vector.shape_cast %reduce_sum3A_656 : vector<1xf32> to vector<1x1xf32>
      %jit3A_658 = arith.constant 0.000000e+00 : f32
      %broadcast_in_dim3A_659 = vector.broadcast %jit3A_658 : f32 to vector<64x128xf32>
      %select_n3A_660 = arith.select %eq3A_648, %get3A_640, %broadcast_in_dim3A_659 : vector<64x128xi1>, vector<64x128xf32>
      %reduce_sum3A_661 = arith.constant dense<0.000000e+00> : vector<128xf32>
      %reduce_sum3A_662 = vector.multi_reduction <add>, %select_n3A_660, %reduce_sum3A_661 [0] : vector<64x128xf32> to vector<128xf32>
      %broadcast_in_dim3A_663 = vector.shape_cast %reduce_sum3A_662 : vector<128xf32> to vector<1x128xf32>
      %reduce_sum3A_664 = arith.constant dense<0.000000e+00> : vector<1xf32>
      %reduce_sum3A_665 = vector.multi_reduction <add>, %broadcast_in_dim3A_663, %reduce_sum3A_664 [1] : vector<1x128xf32> to vector<1xf32>
      %broadcast_in_dim3A_666 = vector.shape_cast %reduce_sum3A_665 : vector<1xf32> to vector<1x1xf32>
      %jit3A_667 = arith.constant 0.000000e+00 : f32
      %broadcast_in_dim3A_668 = vector.broadcast %jit3A_667 : f32 to vector<64x128xf32>
      %select_n3A_669 = arith.select %eq3A_648, %get3A_646, %broadcast_in_dim3A_668 : vector<64x128xi1>, vector<64x128xf32>
      %reduce_sum3A_670 = arith.constant dense<0.000000e+00> : vector<128xf32>
      %reduce_sum3A_671 = vector.multi_reduction <add>, %select_n3A_669, %reduce_sum3A_670 [0] : vector<64x128xf32> to vector<128xf32>
      %broadcast_in_dim3A_672 = vector.shape_cast %reduce_sum3A_671 : vector<128xf32> to vector<1x128xf32>
      %reduce_sum3A_673 = arith.constant dense<0.000000e+00> : vector<1xf32>
      %reduce_sum3A_674 = vector.multi_reduction <add>, %broadcast_in_dim3A_672, %reduce_sum3A_673 [1] : vector<1x128xf32> to vector<1xf32>
      %broadcast_in_dim3A_675 = vector.shape_cast %reduce_sum3A_674 : vector<1xf32> to vector<1x1xf32>
      %sub3A_676 = vector.broadcast %broadcast_in_dim3A_657 : vector<1x1xf32> to vector<64x128xf32>
      %sub3A_677 = arith.subf %get3A_634, %sub3A_676 : vector<64x128xf32>
      %sub3A_678 = vector.broadcast %broadcast_in_dim3A_666 : vector<1x1xf32> to vector<64x128xf32>
      %sub3A_679 = arith.subf %get3A_640, %sub3A_678 : vector<64x128xf32>
      %sub3A_680 = vector.broadcast %broadcast_in_dim3A_675 : vector<1x1xf32> to vector<64x128xf32>
      %sub3A_681 = arith.subf %get3A_646, %sub3A_680 : vector<64x128xf32>
      %mul3A_682 = arith.mulf %sub3A_677, %sub3A_677 : vector<64x128xf32>
      %mul3A_683 = arith.mulf %sub3A_679, %sub3A_679 : vector<64x128xf32>
      %add3A_684 = arith.addf %mul3A_682, %mul3A_683 : vector<64x128xf32>
      %mul3A_685 = arith.mulf %sub3A_681, %sub3A_681 : vector<64x128xf32>
      %add3A_686 = arith.addf %add3A_684, %mul3A_685 : vector<64x128xf32>
      %get3A_687 = arith.constant 5 : index
      %get3A_688 = arith.constant 0 : index
      %get3A_689 = arith.constant 0 : index
      %get3A_690 = vector.load %arg2[%get3A_687, %get3A_688, %get3A_689] : memref<16x64x128xf32, #tpu.memory_space<vmem>>, vector<1x64x128xf32>
      %get3A_691 = vector.shape_cast %get3A_690 : vector<1x64x128xf32> to vector<64x128xf32>
      %min3A_692 = arith.minimumf %get3A_691, %add3A_686 : vector<64x128xf32>
      %swap3A_693 = arith.constant 5 : index
      %swap3A_694 = arith.constant 0 : index
      %swap3A_695 = arith.constant 0 : index
      %swap3A_696 = vector.load %arg2[%swap3A_693, %swap3A_694, %swap3A_695] : memref<16x64x128xf32, #tpu.memory_space<vmem>>, vector<1x64x128xf32>
      %swap3A_697 = vector.shape_cast %swap3A_696 : vector<1x64x128xf32> to vector<64x128xf32>
      %swap3A_698 = vector.shape_cast %min3A_692 : vector<64x128xf32> to vector<1x64x128xf32>
      tpu.vector_store %arg2[%swap3A_693, %swap3A_694, %swap3A_695], %swap3A_698 {strides = array<i32>} : memref<16x64x128xf32, #tpu.memory_space<vmem>>, vector<1x64x128xf32>,
      %reduce_max3A_699 = arith.constant dense<0xFF800000> : vector<128xf32>
      %reduce_max3A_700 = vector.multi_reduction <maximumf>, %min3A_692, %reduce_max3A_699 [0] : vector<64x128xf32> to vector<128xf32>
      %broadcast_in_dim3A_701 = vector.shape_cast %reduce_max3A_700 : vector<128xf32> to vector<1x128xf32>
      %reduce_max3A_702 = arith.constant dense<0xFF800000> : vector<1xf32>
      %reduce_max3A_703 = vector.multi_reduction <maximumf>, %broadcast_in_dim3A_701, %reduce_max3A_702 [1] : vector<1x128xf32> to vector<1xf32>
      %broadcast_in_dim3A_704 = vector.shape_cast %reduce_max3A_703 : vector<1xf32> to vector<1x1xf32>
      %eq3A_705 = vector.broadcast %broadcast_in_dim3A_704 : vector<1x1xf32> to vector<64x128xf32>
      %eq3A_706 = arith.cmpf oeq, %min3A_692, %eq3A_705 : vector<64x128xf32>
      %jit3A_707 = arith.constant 8192 : i32
      %broadcast_in_dim3A_708 = vector.broadcast %jit3A_707 : i32 to vector<64x128xi32>
      %select_n3A_709 = arith.select %eq3A_706, %add3A, %broadcast_in_dim3A_708 : vector<64x128xi1>, vector<64x128xi32>
      %reduce_min3A_710 = arith.constant dense<2147483647> : vector<128xi32>
      %reduce_min3A_711 = vector.multi_reduction <minsi>, %select_n3A_709, %reduce_min3A_710 [0] : vector<64x128xi32> to vector<128xi32>
      %broadcast_in_dim3A_712 = vector.shape_cast %reduce_min3A_711 : vector<128xi32> to vector<1x128xi32>
      %reduce_min3A_713 = arith.constant dense<2147483647> : vector<1xi32>
      %reduce_min3A_714 = vector.multi_reduction <minsi>, %broadcast_in_dim3A_712, %reduce_min3A_713 [1] : vector<1x128xi32> to vector<1xi32>
      %broadcast_in_dim3A_715 = vector.shape_cast %reduce_min3A_714 : vector<1xi32> to vector<1x1xi32>
      %eq3A_716 = arith.constant 0 : i32
      %eq3A_717 = vector.broadcast %eq3A_716 : i32 to vector<8x128xi32>
      %eq3A_718 = arith.cmpi eq, %iota3A_3, %eq3A_717 : vector<8x128xi32>
      %eq3A_719 = arith.constant 1 : i32
      %eq3A_720 = vector.broadcast %eq3A_719 : i32 to vector<8x128xi32>
      %eq3A_721 = arith.cmpi eq, %iota3A_3, %eq3A_720 : vector<8x128xi32>
      %broadcast_in_dim3A_722 = vector.shape_cast %broadcast_in_dim3A_666 : vector<1x1xf32> to vector<1x1xf32>
      %broadcast_in_dim3A_723 = vector.broadcast %broadcast_in_dim3A_722 : vector<1x1xf32> to vector<8x128xf32>
      %broadcast_in_dim3A_724 = vector.shape_cast %broadcast_in_dim3A_675 : vector<1x1xf32> to vector<1x1xf32>
      %broadcast_in_dim3A_725 = vector.broadcast %broadcast_in_dim3A_724 : vector<1x1xf32> to vector<8x128xf32>
      %select_n3A_726 = arith.select %eq3A_721, %broadcast_in_dim3A_723, %broadcast_in_dim3A_725 : vector<8x128xi1>, vector<8x128xf32>
      %broadcast_in_dim3A_727 = vector.shape_cast %broadcast_in_dim3A_657 : vector<1x1xf32> to vector<1x1xf32>
      %broadcast_in_dim3A_728 = vector.broadcast %broadcast_in_dim3A_727 : vector<1x1xf32> to vector<8x128xf32>
      %select_n3A_729 = arith.select %eq3A_718, %broadcast_in_dim3A_728, %select_n3A_726 : vector<8x128xi1>, vector<8x128xf32>
      %eq3A_730 = vector.broadcast %scan3A_46 : i32 to vector<8x128xi32>
      %eq3A_731 = arith.cmpi eq, %iota3A_4, %eq3A_730 : vector<8x128xi32>
      %get3A_732 = arith.constant 5 : index
      %get3A_733 = arith.constant 0 : index
      %get3A_734 = arith.constant 0 : index
      %get3A_735 = vector.load %arg1[%get3A_732, %get3A_733, %get3A_734] : memref<16x8x128xf32, #tpu.memory_space<vmem>>, vector<1x8x128xf32>
      %get3A_736 = vector.shape_cast %get3A_735 : vector<1x8x128xf32> to vector<8x128xf32>
      %select_n3A_737 = arith.select %eq3A_731, %select_n3A_729, %get3A_736 : vector<8x128xi1>, vector<8x128xf32>
      %swap3A_738 = arith.constant 5 : index
      %swap3A_739 = arith.constant 0 : index
      %swap3A_740 = arith.constant 0 : index
      %swap3A_741 = vector.load %arg1[%swap3A_738, %swap3A_739, %swap3A_740] : memref<16x8x128xf32, #tpu.memory_space<vmem>>, vector<1x8x128xf32>
      %swap3A_742 = vector.shape_cast %swap3A_741 : vector<1x8x128xf32> to vector<8x128xf32>
      %swap3A_743 = vector.shape_cast %select_n3A_737 : vector<8x128xf32> to vector<1x8x128xf32>
      tpu.vector_store %arg1[%swap3A_738, %swap3A_739, %swap3A_740], %swap3A_743 {strides = array<i32>} : memref<16x8x128xf32, #tpu.memory_space<vmem>>, vector<1x8x128xf32>,
      %get3A_744 = arith.constant 6 : index
      %get3A_745 = arith.constant 0 : index
      %get3A_746 = arith.constant 0 : index
      %get3A_747 = arith.constant 0 : index
      %get3A_748 = vector.load %arg0[%get3A_744, %get3A_745, %get3A_746, %get3A_747] : memref<16x3x64x128xf32, #tpu.memory_space<vmem>>, vector<1x1x64x128xf32>
      %get3A_749 = vector.shape_cast %get3A_748 : vector<1x1x64x128xf32> to vector<64x128xf32>
      %get3A_750 = arith.constant 6 : index
      %get3A_751 = arith.constant 1 : index
      %get3A_752 = arith.constant 0 : index
      %get3A_753 = arith.constant 0 : index
      %get3A_754 = vector.load %arg0[%get3A_750, %get3A_751, %get3A_752, %get3A_753] : memref<16x3x64x128xf32, #tpu.memory_space<vmem>>, vector<1x1x64x128xf32>
      %get3A_755 = vector.shape_cast %get3A_754 : vector<1x1x64x128xf32> to vector<64x128xf32>
      %get3A_756 = arith.constant 6 : index
      %get3A_757 = arith.constant 2 : index
      %get3A_758 = arith.constant 0 : index
      %get3A_759 = arith.constant 0 : index
      %get3A_760 = vector.load %arg0[%get3A_756, %get3A_757, %get3A_758, %get3A_759] : memref<16x3x64x128xf32, #tpu.memory_space<vmem>>, vector<1x1x64x128xf32>
      %get3A_761 = vector.shape_cast %get3A_760 : vector<1x1x64x128xf32> to vector<64x128xf32>
      %eq3A_762 = vector.broadcast %scan3A_53 : vector<1x1xi32> to vector<64x128xi32>
      %eq3A_763 = arith.cmpi eq, %add3A, %eq3A_762 : vector<64x128xi32>
      %jit3A_764 = arith.constant 0.000000e+00 : f32
      %broadcast_in_dim3A_765 = vector.broadcast %jit3A_764 : f32 to vector<64x128xf32>
      %select_n3A_766 = arith.select %eq3A_763, %get3A_749, %broadcast_in_dim3A_765 : vector<64x128xi1>, vector<64x128xf32>
      %reduce_sum3A_767 = arith.constant dense<0.000000e+00> : vector<128xf32>
      %reduce_sum3A_768 = vector.multi_reduction <add>, %select_n3A_766, %reduce_sum3A_767 [0] : vector<64x128xf32> to vector<128xf32>
      %broadcast_in_dim3A_769 = vector.shape_cast %reduce_sum3A_768 : vector<128xf32> to vector<1x128xf32>
      %reduce_sum3A_770 = arith.constant dense<0.000000e+00> : vector<1xf32>
      %reduce_sum3A_771 = vector.multi_reduction <add>, %broadcast_in_dim3A_769, %reduce_sum3A_770 [1] : vector<1x128xf32> to vector<1xf32>
      %broadcast_in_dim3A_772 = vector.shape_cast %reduce_sum3A_771 : vector<1xf32> to vector<1x1xf32>
      %jit3A_773 = arith.constant 0.000000e+00 : f32
      %broadcast_in_dim3A_774 = vector.broadcast %jit3A_773 : f32 to vector<64x128xf32>
      %select_n3A_775 = arith.select %eq3A_763, %get3A_755, %broadcast_in_dim3A_774 : vector<64x128xi1>, vector<64x128xf32>
      %reduce_sum3A_776 = arith.constant dense<0.000000e+00> : vector<128xf32>
      %reduce_sum3A_777 = vector.multi_reduction <add>, %select_n3A_775, %reduce_sum3A_776 [0] : vector<64x128xf32> to vector<128xf32>
      %broadcast_in_dim3A_778 = vector.shape_cast %reduce_sum3A_777 : vector<128xf32> to vector<1x128xf32>
      %reduce_sum3A_779 = arith.constant dense<0.000000e+00> : vector<1xf32>
      %reduce_sum3A_780 = vector.multi_reduction <add>, %broadcast_in_dim3A_778, %reduce_sum3A_779 [1] : vector<1x128xf32> to vector<1xf32>
      %broadcast_in_dim3A_781 = vector.shape_cast %reduce_sum3A_780 : vector<1xf32> to vector<1x1xf32>
      %jit3A_782 = arith.constant 0.000000e+00 : f32
      %broadcast_in_dim3A_783 = vector.broadcast %jit3A_782 : f32 to vector<64x128xf32>
      %select_n3A_784 = arith.select %eq3A_763, %get3A_761, %broadcast_in_dim3A_783 : vector<64x128xi1>, vector<64x128xf32>
      %reduce_sum3A_785 = arith.constant dense<0.000000e+00> : vector<128xf32>
      %reduce_sum3A_786 = vector.multi_reduction <add>, %select_n3A_784, %reduce_sum3A_785 [0] : vector<64x128xf32> to vector<128xf32>
      %broadcast_in_dim3A_787 = vector.shape_cast %reduce_sum3A_786 : vector<128xf32> to vector<1x128xf32>
      %reduce_sum3A_788 = arith.constant dense<0.000000e+00> : vector<1xf32>
      %reduce_sum3A_789 = vector.multi_reduction <add>, %broadcast_in_dim3A_787, %reduce_sum3A_788 [1] : vector<1x128xf32> to vector<1xf32>
      %broadcast_in_dim3A_790 = vector.shape_cast %reduce_sum3A_789 : vector<1xf32> to vector<1x1xf32>
      %sub3A_791 = vector.broadcast %broadcast_in_dim3A_772 : vector<1x1xf32> to vector<64x128xf32>
      %sub3A_792 = arith.subf %get3A_749, %sub3A_791 : vector<64x128xf32>
      %sub3A_793 = vector.broadcast %broadcast_in_dim3A_781 : vector<1x1xf32> to vector<64x128xf32>
      %sub3A_794 = arith.subf %get3A_755, %sub3A_793 : vector<64x128xf32>
      %sub3A_795 = vector.broadcast %broadcast_in_dim3A_790 : vector<1x1xf32> to vector<64x128xf32>
      %sub3A_796 = arith.subf %get3A_761, %sub3A_795 : vector<64x128xf32>
      %mul3A_797 = arith.mulf %sub3A_792, %sub3A_792 : vector<64x128xf32>
      %mul3A_798 = arith.mulf %sub3A_794, %sub3A_794 : vector<64x128xf32>
      %add3A_799 = arith.addf %mul3A_797, %mul3A_798 : vector<64x128xf32>
      %mul3A_800 = arith.mulf %sub3A_796, %sub3A_796 : vector<64x128xf32>
      %add3A_801 = arith.addf %add3A_799, %mul3A_800 : vector<64x128xf32>
      %get3A_802 = arith.constant 6 : index
      %get3A_803 = arith.constant 0 : index
      %get3A_804 = arith.constant 0 : index
      %get3A_805 = vector.load %arg2[%get3A_802, %get3A_803, %get3A_804] : memref<16x64x128xf32, #tpu.memory_space<vmem>>, vector<1x64x128xf32>
      %get3A_806 = vector.shape_cast %get3A_805 : vector<1x64x128xf32> to vector<64x128xf32>
      %min3A_807 = arith.minimumf %get3A_806, %add3A_801 : vector<64x128xf32>
      %swap3A_808 = arith.constant 6 : index
      %swap3A_809 = arith.constant 0 : index
      %swap3A_810 = arith.constant 0 : index
      %swap3A_811 = vector.load %arg2[%swap3A_808, %swap3A_809, %swap3A_810] : memref<16x64x128xf32, #tpu.memory_space<vmem>>, vector<1x64x128xf32>
      %swap3A_812 = vector.shape_cast %swap3A_811 : vector<1x64x128xf32> to vector<64x128xf32>
      %swap3A_813 = vector.shape_cast %min3A_807 : vector<64x128xf32> to vector<1x64x128xf32>
      tpu.vector_store %arg2[%swap3A_808, %swap3A_809, %swap3A_810], %swap3A_813 {strides = array<i32>} : memref<16x64x128xf32, #tpu.memory_space<vmem>>, vector<1x64x128xf32>,
      %reduce_max3A_814 = arith.constant dense<0xFF800000> : vector<128xf32>
      %reduce_max3A_815 = vector.multi_reduction <maximumf>, %min3A_807, %reduce_max3A_814 [0] : vector<64x128xf32> to vector<128xf32>
      %broadcast_in_dim3A_816 = vector.shape_cast %reduce_max3A_815 : vector<128xf32> to vector<1x128xf32>
      %reduce_max3A_817 = arith.constant dense<0xFF800000> : vector<1xf32>
      %reduce_max3A_818 = vector.multi_reduction <maximumf>, %broadcast_in_dim3A_816, %reduce_max3A_817 [1] : vector<1x128xf32> to vector<1xf32>
      %broadcast_in_dim3A_819 = vector.shape_cast %reduce_max3A_818 : vector<1xf32> to vector<1x1xf32>
      %eq3A_820 = vector.broadcast %broadcast_in_dim3A_819 : vector<1x1xf32> to vector<64x128xf32>
      %eq3A_821 = arith.cmpf oeq, %min3A_807, %eq3A_820 : vector<64x128xf32>
      %jit3A_822 = arith.constant 8192 : i32
      %broadcast_in_dim3A_823 = vector.broadcast %jit3A_822 : i32 to vector<64x128xi32>
      %select_n3A_824 = arith.select %eq3A_821, %add3A, %broadcast_in_dim3A_823 : vector<64x128xi1>, vector<64x128xi32>
      %reduce_min3A_825 = arith.constant dense<2147483647> : vector<128xi32>
      %reduce_min3A_826 = vector.multi_reduction <minsi>, %select_n3A_824, %reduce_min3A_825 [0] : vector<64x128xi32> to vector<128xi32>
      %broadcast_in_dim3A_827 = vector.shape_cast %reduce_min3A_826 : vector<128xi32> to vector<1x128xi32>
      %reduce_min3A_828 = arith.constant dense<2147483647> : vector<1xi32>
      %reduce_min3A_829 = vector.multi_reduction <minsi>, %broadcast_in_dim3A_827, %reduce_min3A_828 [1] : vector<1x128xi32> to vector<1xi32>
      %broadcast_in_dim3A_830 = vector.shape_cast %reduce_min3A_829 : vector<1xi32> to vector<1x1xi32>
      %eq3A_831 = arith.constant 0 : i32
      %eq3A_832 = vector.broadcast %eq3A_831 : i32 to vector<8x128xi32>
      %eq3A_833 = arith.cmpi eq, %iota3A_3, %eq3A_832 : vector<8x128xi32>
      %eq3A_834 = arith.constant 1 : i32
      %eq3A_835 = vector.broadcast %eq3A_834 : i32 to vector<8x128xi32>
      %eq3A_836 = arith.cmpi eq, %iota3A_3, %eq3A_835 : vector<8x128xi32>
      %broadcast_in_dim3A_837 = vector.shape_cast %broadcast_in_dim3A_781 : vector<1x1xf32> to vector<1x1xf32>
      %broadcast_in_dim3A_838 = vector.broadcast %broadcast_in_dim3A_837 : vector<1x1xf32> to vector<8x128xf32>
      %broadcast_in_dim3A_839 = vector.shape_cast %broadcast_in_dim3A_790 : vector<1x1xf32> to vector<1x1xf32>
      %broadcast_in_dim3A_840 = vector.broadcast %broadcast_in_dim3A_839 : vector<1x1xf32> to vector<8x128xf32>
      %select_n3A_841 = arith.select %eq3A_836, %broadcast_in_dim3A_838, %broadcast_in_dim3A_840 : vector<8x128xi1>, vector<8x128xf32>
      %broadcast_in_dim3A_842 = vector.shape_cast %broadcast_in_dim3A_772 : vector<1x1xf32> to vector<1x1xf32>
      %broadcast_in_dim3A_843 = vector.broadcast %broadcast_in_dim3A_842 : vector<1x1xf32> to vector<8x128xf32>
      %select_n3A_844 = arith.select %eq3A_833, %broadcast_in_dim3A_843, %select_n3A_841 : vector<8x128xi1>, vector<8x128xf32>
      %eq3A_845 = vector.broadcast %scan3A_46 : i32 to vector<8x128xi32>
      %eq3A_846 = arith.cmpi eq, %iota3A_4, %eq3A_845 : vector<8x128xi32>
      %get3A_847 = arith.constant 6 : index
      %get3A_848 = arith.constant 0 : index
      %get3A_849 = arith.constant 0 : index
      %get3A_850 = vector.load %arg1[%get3A_847, %get3A_848, %get3A_849] : memref<16x8x128xf32, #tpu.memory_space<vmem>>, vector<1x8x128xf32>
      %get3A_851 = vector.shape_cast %get3A_850 : vector<1x8x128xf32> to vector<8x128xf32>
      %select_n3A_852 = arith.select %eq3A_846, %select_n3A_844, %get3A_851 : vector<8x128xi1>, vector<8x128xf32>
      %swap3A_853 = arith.constant 6 : index
      %swap3A_854 = arith.constant 0 : index
      %swap3A_855 = arith.constant 0 : index
      %swap3A_856 = vector.load %arg1[%swap3A_853, %swap3A_854, %swap3A_855] : memref<16x8x128xf32, #tpu.memory_space<vmem>>, vector<1x8x128xf32>
      %swap3A_857 = vector.shape_cast %swap3A_856 : vector<1x8x128xf32> to vector<8x128xf32>
      %swap3A_858 = vector.shape_cast %select_n3A_852 : vector<8x128xf32> to vector<1x8x128xf32>
      tpu.vector_store %arg1[%swap3A_853, %swap3A_854, %swap3A_855], %swap3A_858 {strides = array<i32>} : memref<16x8x128xf32, #tpu.memory_space<vmem>>, vector<1x8x128xf32>,
      %get3A_859 = arith.constant 7 : index
      %get3A_860 = arith.constant 0 : index
      %get3A_861 = arith.constant 0 : index
      %get3A_862 = arith.constant 0 : index
      %get3A_863 = vector.load %arg0[%get3A_859, %get3A_860, %get3A_861, %get3A_862] : memref<16x3x64x128xf32, #tpu.memory_space<vmem>>, vector<1x1x64x128xf32>
      %get3A_864 = vector.shape_cast %get3A_863 : vector<1x1x64x128xf32> to vector<64x128xf32>
      %get3A_865 = arith.constant 7 : index
      %get3A_866 = arith.constant 1 : index
      %get3A_867 = arith.constant 0 : index
      %get3A_868 = arith.constant 0 : index
      %get3A_869 = vector.load %arg0[%get3A_865, %get3A_866, %get3A_867, %get3A_868] : memref<16x3x64x128xf32, #tpu.memory_space<vmem>>, vector<1x1x64x128xf32>
      %get3A_870 = vector.shape_cast %get3A_869 : vector<1x1x64x128xf32> to vector<64x128xf32>
      %get3A_871 = arith.constant 7 : index
      %get3A_872 = arith.constant 2 : index
      %get3A_873 = arith.constant 0 : index
      %get3A_874 = arith.constant 0 : index
      %get3A_875 = vector.load %arg0[%get3A_871, %get3A_872, %get3A_873, %get3A_874] : memref<16x3x64x128xf32, #tpu.memory_space<vmem>>, vector<1x1x64x128xf32>
      %get3A_876 = vector.shape_cast %get3A_875 : vector<1x1x64x128xf32> to vector<64x128xf32>
      %eq3A_877 = vector.broadcast %scan3A_54 : vector<1x1xi32> to vector<64x128xi32>
      %eq3A_878 = arith.cmpi eq, %add3A, %eq3A_877 : vector<64x128xi32>
      %jit3A_879 = arith.constant 0.000000e+00 : f32
      %broadcast_in_dim3A_880 = vector.broadcast %jit3A_879 : f32 to vector<64x128xf32>
      %select_n3A_881 = arith.select %eq3A_878, %get3A_864, %broadcast_in_dim3A_880 : vector<64x128xi1>, vector<64x128xf32>
      %reduce_sum3A_882 = arith.constant dense<0.000000e+00> : vector<128xf32>
      %reduce_sum3A_883 = vector.multi_reduction <add>, %select_n3A_881, %reduce_sum3A_882 [0] : vector<64x128xf32> to vector<128xf32>
      %broadcast_in_dim3A_884 = vector.shape_cast %reduce_sum3A_883 : vector<128xf32> to vector<1x128xf32>
      %reduce_sum3A_885 = arith.constant dense<0.000000e+00> : vector<1xf32>
      %reduce_sum3A_886 = vector.multi_reduction <add>, %broadcast_in_dim3A_884, %reduce_sum3A_885 [1] : vector<1x128xf32> to vector<1xf32>
      %broadcast_in_dim3A_887 = vector.shape_cast %reduce_sum3A_886 : vector<1xf32> to vector<1x1xf32>
      %jit3A_888 = arith.constant 0.000000e+00 : f32
      %broadcast_in_dim3A_889 = vector.broadcast %jit3A_888 : f32 to vector<64x128xf32>
      %select_n3A_890 = arith.select %eq3A_878, %get3A_870, %broadcast_in_dim3A_889 : vector<64x128xi1>, vector<64x128xf32>
      %reduce_sum3A_891 = arith.constant dense<0.000000e+00> : vector<128xf32>
      %reduce_sum3A_892 = vector.multi_reduction <add>, %select_n3A_890, %reduce_sum3A_891 [0] : vector<64x128xf32> to vector<128xf32>
      %broadcast_in_dim3A_893 = vector.shape_cast %reduce_sum3A_892 : vector<128xf32> to vector<1x128xf32>
      %reduce_sum3A_894 = arith.constant dense<0.000000e+00> : vector<1xf32>
      %reduce_sum3A_895 = vector.multi_reduction <add>, %broadcast_in_dim3A_893, %reduce_sum3A_894 [1] : vector<1x128xf32> to vector<1xf32>
      %broadcast_in_dim3A_896 = vector.shape_cast %reduce_sum3A_895 : vector<1xf32> to vector<1x1xf32>
      %jit3A_897 = arith.constant 0.000000e+00 : f32
      %broadcast_in_dim3A_898 = vector.broadcast %jit3A_897 : f32 to vector<64x128xf32>
      %select_n3A_899 = arith.select %eq3A_878, %get3A_876, %broadcast_in_dim3A_898 : vector<64x128xi1>, vector<64x128xf32>
      %reduce_sum3A_900 = arith.constant dense<0.000000e+00> : vector<128xf32>
      %reduce_sum3A_901 = vector.multi_reduction <add>, %select_n3A_899, %reduce_sum3A_900 [0] : vector<64x128xf32> to vector<128xf32>
      %broadcast_in_dim3A_902 = vector.shape_cast %reduce_sum3A_901 : vector<128xf32> to vector<1x128xf32>
      %reduce_sum3A_903 = arith.constant dense<0.000000e+00> : vector<1xf32>
      %reduce_sum3A_904 = vector.multi_reduction <add>, %broadcast_in_dim3A_902, %reduce_sum3A_903 [1] : vector<1x128xf32> to vector<1xf32>
      %broadcast_in_dim3A_905 = vector.shape_cast %reduce_sum3A_904 : vector<1xf32> to vector<1x1xf32>
      %sub3A_906 = vector.broadcast %broadcast_in_dim3A_887 : vector<1x1xf32> to vector<64x128xf32>
      %sub3A_907 = arith.subf %get3A_864, %sub3A_906 : vector<64x128xf32>
      %sub3A_908 = vector.broadcast %broadcast_in_dim3A_896 : vector<1x1xf32> to vector<64x128xf32>
      %sub3A_909 = arith.subf %get3A_870, %sub3A_908 : vector<64x128xf32>
      %sub3A_910 = vector.broadcast %broadcast_in_dim3A_905 : vector<1x1xf32> to vector<64x128xf32>
      %sub3A_911 = arith.subf %get3A_876, %sub3A_910 : vector<64x128xf32>
      %mul3A_912 = arith.mulf %sub3A_907, %sub3A_907 : vector<64x128xf32>
      %mul3A_913 = arith.mulf %sub3A_909, %sub3A_909 : vector<64x128xf32>
      %add3A_914 = arith.addf %mul3A_912, %mul3A_913 : vector<64x128xf32>
      %mul3A_915 = arith.mulf %sub3A_911, %sub3A_911 : vector<64x128xf32>
      %add3A_916 = arith.addf %add3A_914, %mul3A_915 : vector<64x128xf32>
      %get3A_917 = arith.constant 7 : index
      %get3A_918 = arith.constant 0 : index
      %get3A_919 = arith.constant 0 : index
      %get3A_920 = vector.load %arg2[%get3A_917, %get3A_918, %get3A_919] : memref<16x64x128xf32, #tpu.memory_space<vmem>>, vector<1x64x128xf32>
      %get3A_921 = vector.shape_cast %get3A_920 : vector<1x64x128xf32> to vector<64x128xf32>
      %min3A_922 = arith.minimumf %get3A_921, %add3A_916 : vector<64x128xf32>
      %swap3A_923 = arith.constant 7 : index
      %swap3A_924 = arith.constant 0 : index
      %swap3A_925 = arith.constant 0 : index
      %swap3A_926 = vector.load %arg2[%swap3A_923, %swap3A_924, %swap3A_925] : memref<16x64x128xf32, #tpu.memory_space<vmem>>, vector<1x64x128xf32>
      %swap3A_927 = vector.shape_cast %swap3A_926 : vector<1x64x128xf32> to vector<64x128xf32>
      %swap3A_928 = vector.shape_cast %min3A_922 : vector<64x128xf32> to vector<1x64x128xf32>
      tpu.vector_store %arg2[%swap3A_923, %swap3A_924, %swap3A_925], %swap3A_928 {strides = array<i32>} : memref<16x64x128xf32, #tpu.memory_space<vmem>>, vector<1x64x128xf32>,
      %reduce_max3A_929 = arith.constant dense<0xFF800000> : vector<128xf32>
      %reduce_max3A_930 = vector.multi_reduction <maximumf>, %min3A_922, %reduce_max3A_929 [0] : vector<64x128xf32> to vector<128xf32>
      %broadcast_in_dim3A_931 = vector.shape_cast %reduce_max3A_930 : vector<128xf32> to vector<1x128xf32>
      %reduce_max3A_932 = arith.constant dense<0xFF800000> : vector<1xf32>
      %reduce_max3A_933 = vector.multi_reduction <maximumf>, %broadcast_in_dim3A_931, %reduce_max3A_932 [1] : vector<1x128xf32> to vector<1xf32>
      %broadcast_in_dim3A_934 = vector.shape_cast %reduce_max3A_933 : vector<1xf32> to vector<1x1xf32>
      %eq3A_935 = vector.broadcast %broadcast_in_dim3A_934 : vector<1x1xf32> to vector<64x128xf32>
      %eq3A_936 = arith.cmpf oeq, %min3A_922, %eq3A_935 : vector<64x128xf32>
      %jit3A_937 = arith.constant 8192 : i32
      %broadcast_in_dim3A_938 = vector.broadcast %jit3A_937 : i32 to vector<64x128xi32>
      %select_n3A_939 = arith.select %eq3A_936, %add3A, %broadcast_in_dim3A_938 : vector<64x128xi1>, vector<64x128xi32>
      %reduce_min3A_940 = arith.constant dense<2147483647> : vector<128xi32>
      %reduce_min3A_941 = vector.multi_reduction <minsi>, %select_n3A_939, %reduce_min3A_940 [0] : vector<64x128xi32> to vector<128xi32>
      %broadcast_in_dim3A_942 = vector.shape_cast %reduce_min3A_941 : vector<128xi32> to vector<1x128xi32>
      %reduce_min3A_943 = arith.constant dense<2147483647> : vector<1xi32>
      %reduce_min3A_944 = vector.multi_reduction <minsi>, %broadcast_in_dim3A_942, %reduce_min3A_943 [1] : vector<1x128xi32> to vector<1xi32>
      %broadcast_in_dim3A_945 = vector.shape_cast %reduce_min3A_944 : vector<1xi32> to vector<1x1xi32>
      %eq3A_946 = arith.constant 0 : i32
      %eq3A_947 = vector.broadcast %eq3A_946 : i32 to vector<8x128xi32>
      %eq3A_948 = arith.cmpi eq, %iota3A_3, %eq3A_947 : vector<8x128xi32>
      %eq3A_949 = arith.constant 1 : i32
      %eq3A_950 = vector.broadcast %eq3A_949 : i32 to vector<8x128xi32>
      %eq3A_951 = arith.cmpi eq, %iota3A_3, %eq3A_950 : vector<8x128xi32>
      %broadcast_in_dim3A_952 = vector.shape_cast %broadcast_in_dim3A_896 : vector<1x1xf32> to vector<1x1xf32>
      %broadcast_in_dim3A_953 = vector.broadcast %broadcast_in_dim3A_952 : vector<1x1xf32> to vector<8x128xf32>
      %broadcast_in_dim3A_954 = vector.shape_cast %broadcast_in_dim3A_905 : vector<1x1xf32> to vector<1x1xf32>
      %broadcast_in_dim3A_955 = vector.broadcast %broadcast_in_dim3A_954 : vector<1x1xf32> to vector<8x128xf32>
      %select_n3A_956 = arith.select %eq3A_951, %broadcast_in_dim3A_953, %broadcast_in_dim3A_955 : vector<8x128xi1>, vector<8x128xf32>
      %broadcast_in_dim3A_957 = vector.shape_cast %broadcast_in_dim3A_887 : vector<1x1xf32> to vector<1x1xf32>
      %broadcast_in_dim3A_958 = vector.broadcast %broadcast_in_dim3A_957 : vector<1x1xf32> to vector<8x128xf32>
      %select_n3A_959 = arith.select %eq3A_948, %broadcast_in_dim3A_958, %select_n3A_956 : vector<8x128xi1>, vector<8x128xf32>
      %eq3A_960 = vector.broadcast %scan3A_46 : i32 to vector<8x128xi32>
      %eq3A_961 = arith.cmpi eq, %iota3A_4, %eq3A_960 : vector<8x128xi32>
      %get3A_962 = arith.constant 7 : index
      %get3A_963 = arith.constant 0 : index
      %get3A_964 = arith.constant 0 : index
      %get3A_965 = vector.load %arg1[%get3A_962, %get3A_963, %get3A_964] : memref<16x8x128xf32, #tpu.memory_space<vmem>>, vector<1x8x128xf32>
      %get3A_966 = vector.shape_cast %get3A_965 : vector<1x8x128xf32> to vector<8x128xf32>
      %select_n3A_967 = arith.select %eq3A_961, %select_n3A_959, %get3A_966 : vector<8x128xi1>, vector<8x128xf32>
      %swap3A_968 = arith.constant 7 : index
      %swap3A_969 = arith.constant 0 : index
      %swap3A_970 = arith.constant 0 : index
      %swap3A_971 = vector.load %arg1[%swap3A_968, %swap3A_969, %swap3A_970] : memref<16x8x128xf32, #tpu.memory_space<vmem>>, vector<1x8x128xf32>
      %swap3A_972 = vector.shape_cast %swap3A_971 : vector<1x8x128xf32> to vector<8x128xf32>
      %swap3A_973 = vector.shape_cast %select_n3A_967 : vector<8x128xf32> to vector<1x8x128xf32>
      tpu.vector_store %arg1[%swap3A_968, %swap3A_969, %swap3A_970], %swap3A_973 {strides = array<i32>} : memref<16x8x128xf32, #tpu.memory_space<vmem>>, vector<1x8x128xf32>,
      %get3A_974 = arith.constant 8 : index
      %get3A_975 = arith.constant 0 : index
      %get3A_976 = arith.constant 0 : index
      %get3A_977 = arith.constant 0 : index
      %get3A_978 = vector.load %arg0[%get3A_974, %get3A_975, %get3A_976, %get3A_977] : memref<16x3x64x128xf32, #tpu.memory_space<vmem>>, vector<1x1x64x128xf32>
      %get3A_979 = vector.shape_cast %get3A_978 : vector<1x1x64x128xf32> to vector<64x128xf32>
      %get3A_980 = arith.constant 8 : index
      %get3A_981 = arith.constant 1 : index
      %get3A_982 = arith.constant 0 : index
      %get3A_983 = arith.constant 0 : index
      %get3A_984 = vector.load %arg0[%get3A_980, %get3A_981, %get3A_982, %get3A_983] : memref<16x3x64x128xf32, #tpu.memory_space<vmem>>, vector<1x1x64x128xf32>
      %get3A_985 = vector.shape_cast %get3A_984 : vector<1x1x64x128xf32> to vector<64x128xf32>
      %get3A_986 = arith.constant 8 : index
      %get3A_987 = arith.constant 2 : index
      %get3A_988 = arith.constant 0 : index
      %get3A_989 = arith.constant 0 : index
      %get3A_990 = vector.load %arg0[%get3A_986, %get3A_987, %get3A_988, %get3A_989] : memref<16x3x64x128xf32, #tpu.memory_space<vmem>>, vector<1x1x64x128xf32>
      %get3A_991 = vector.shape_cast %get3A_990 : vector<1x1x64x128xf32> to vector<64x128xf32>
      %eq3A_992 = vector.broadcast %scan3A_55 : vector<1x1xi32> to vector<64x128xi32>
      %eq3A_993 = arith.cmpi eq, %add3A, %eq3A_992 : vector<64x128xi32>
      %jit3A_994 = arith.constant 0.000000e+00 : f32
      %broadcast_in_dim3A_995 = vector.broadcast %jit3A_994 : f32 to vector<64x128xf32>
      %select_n3A_996 = arith.select %eq3A_993, %get3A_979, %broadcast_in_dim3A_995 : vector<64x128xi1>, vector<64x128xf32>
      %reduce_sum3A_997 = arith.constant dense<0.000000e+00> : vector<128xf32>
      %reduce_sum3A_998 = vector.multi_reduction <add>, %select_n3A_996, %reduce_sum3A_997 [0] : vector<64x128xf32> to vector<128xf32>
      %broadcast_in_dim3A_999 = vector.shape_cast %reduce_sum3A_998 : vector<128xf32> to vector<1x128xf32>
      %reduce_sum3A_1000 = arith.constant dense<0.000000e+00> : vector<1xf32>
      %reduce_sum3A_1001 = vector.multi_reduction <add>, %broadcast_in_dim3A_999, %reduce_sum3A_1000 [1] : vector<1x128xf32> to vector<1xf32>
      %broadcast_in_dim3A_1002 = vector.shape_cast %reduce_sum3A_1001 : vector<1xf32> to vector<1x1xf32>
      %jit3A_1003 = arith.constant 0.000000e+00 : f32
      %broadcast_in_dim3A_1004 = vector.broadcast %jit3A_1003 : f32 to vector<64x128xf32>
      %select_n3A_1005 = arith.select %eq3A_993, %get3A_985, %broadcast_in_dim3A_1004 : vector<64x128xi1>, vector<64x128xf32>
      %reduce_sum3A_1006 = arith.constant dense<0.000000e+00> : vector<128xf32>
      %reduce_sum3A_1007 = vector.multi_reduction <add>, %select_n3A_1005, %reduce_sum3A_1006 [0] : vector<64x128xf32> to vector<128xf32>
      %broadcast_in_dim3A_1008 = vector.shape_cast %reduce_sum3A_1007 : vector<128xf32> to vector<1x128xf32>
      %reduce_sum3A_1009 = arith.constant dense<0.000000e+00> : vector<1xf32>
      %reduce_sum3A_1010 = vector.multi_reduction <add>, %broadcast_in_dim3A_1008, %reduce_sum3A_1009 [1] : vector<1x128xf32> to vector<1xf32>
      %broadcast_in_dim3A_1011 = vector.shape_cast %reduce_sum3A_1010 : vector<1xf32> to vector<1x1xf32>
      %jit3A_1012 = arith.constant 0.000000e+00 : f32
      %broadcast_in_dim3A_1013 = vector.broadcast %jit3A_1012 : f32 to vector<64x128xf32>
      %select_n3A_1014 = arith.select %eq3A_993, %get3A_991, %broadcast_in_dim3A_1013 : vector<64x128xi1>, vector<64x128xf32>
      %reduce_sum3A_1015 = arith.constant dense<0.000000e+00> : vector<128xf32>
      %reduce_sum3A_1016 = vector.multi_reduction <add>, %select_n3A_1014, %reduce_sum3A_1015 [0] : vector<64x128xf32> to vector<128xf32>
      %broadcast_in_dim3A_1017 = vector.shape_cast %reduce_sum3A_1016 : vector<128xf32> to vector<1x128xf32>
      %reduce_sum3A_1018 = arith.constant dense<0.000000e+00> : vector<1xf32>
      %reduce_sum3A_1019 = vector.multi_reduction <add>, %broadcast_in_dim3A_1017, %reduce_sum3A_1018 [1] : vector<1x128xf32> to vector<1xf32>
      %broadcast_in_dim3A_1020 = vector.shape_cast %reduce_sum3A_1019 : vector<1xf32> to vector<1x1xf32>
      %sub3A_1021 = vector.broadcast %broadcast_in_dim3A_1002 : vector<1x1xf32> to vector<64x128xf32>
      %sub3A_1022 = arith.subf %get3A_979, %sub3A_1021 : vector<64x128xf32>
      %sub3A_1023 = vector.broadcast %broadcast_in_dim3A_1011 : vector<1x1xf32> to vector<64x128xf32>
      %sub3A_1024 = arith.subf %get3A_985, %sub3A_1023 : vector<64x128xf32>
      %sub3A_1025 = vector.broadcast %broadcast_in_dim3A_1020 : vector<1x1xf32> to vector<64x128xf32>
      %sub3A_1026 = arith.subf %get3A_991, %sub3A_1025 : vector<64x128xf32>
      %mul3A_1027 = arith.mulf %sub3A_1022, %sub3A_1022 : vector<64x128xf32>
      %mul3A_1028 = arith.mulf %sub3A_1024, %sub3A_1024 : vector<64x128xf32>
      %add3A_1029 = arith.addf %mul3A_1027, %mul3A_1028 : vector<64x128xf32>
      %mul3A_1030 = arith.mulf %sub3A_1026, %sub3A_1026 : vector<64x128xf32>
      %add3A_1031 = arith.addf %add3A_1029, %mul3A_1030 : vector<64x128xf32>
      %get3A_1032 = arith.constant 8 : index
      %get3A_1033 = arith.constant 0 : index
      %get3A_1034 = arith.constant 0 : index
      %get3A_1035 = vector.load %arg2[%get3A_1032, %get3A_1033, %get3A_1034] : memref<16x64x128xf32, #tpu.memory_space<vmem>>, vector<1x64x128xf32>
      %get3A_1036 = vector.shape_cast %get3A_1035 : vector<1x64x128xf32> to vector<64x128xf32>
      %min3A_1037 = arith.minimumf %get3A_1036, %add3A_1031 : vector<64x128xf32>
      %swap3A_1038 = arith.constant 8 : index
      %swap3A_1039 = arith.constant 0 : index
      %swap3A_1040 = arith.constant 0 : index
      %swap3A_1041 = vector.load %arg2[%swap3A_1038, %swap3A_1039, %swap3A_1040] : memref<16x64x128xf32, #tpu.memory_space<vmem>>, vector<1x64x128xf32>
      %swap3A_1042 = vector.shape_cast %swap3A_1041 : vector<1x64x128xf32> to vector<64x128xf32>
      %swap3A_1043 = vector.shape_cast %min3A_1037 : vector<64x128xf32> to vector<1x64x128xf32>
      tpu.vector_store %arg2[%swap3A_1038, %swap3A_1039, %swap3A_1040], %swap3A_1043 {strides = array<i32>} : memref<16x64x128xf32, #tpu.memory_space<vmem>>, vector<1x64x128xf32>,
      %reduce_max3A_1044 = arith.constant dense<0xFF800000> : vector<128xf32>
      %reduce_max3A_1045 = vector.multi_reduction <maximumf>, %min3A_1037, %reduce_max3A_1044 [0] : vector<64x128xf32> to vector<128xf32>
      %broadcast_in_dim3A_1046 = vector.shape_cast %reduce_max3A_1045 : vector<128xf32> to vector<1x128xf32>
      %reduce_max3A_1047 = arith.constant dense<0xFF800000> : vector<1xf32>
      %reduce_max3A_1048 = vector.multi_reduction <maximumf>, %broadcast_in_dim3A_1046, %reduce_max3A_1047 [1] : vector<1x128xf32> to vector<1xf32>
      %broadcast_in_dim3A_1049 = vector.shape_cast %reduce_max3A_1048 : vector<1xf32> to vector<1x1xf32>
      %eq3A_1050 = vector.broadcast %broadcast_in_dim3A_1049 : vector<1x1xf32> to vector<64x128xf32>
      %eq3A_1051 = arith.cmpf oeq, %min3A_1037, %eq3A_1050 : vector<64x128xf32>
      %jit3A_1052 = arith.constant 8192 : i32
      %broadcast_in_dim3A_1053 = vector.broadcast %jit3A_1052 : i32 to vector<64x128xi32>
      %select_n3A_1054 = arith.select %eq3A_1051, %add3A, %broadcast_in_dim3A_1053 : vector<64x128xi1>, vector<64x128xi32>
      %reduce_min3A_1055 = arith.constant dense<2147483647> : vector<128xi32>
      %reduce_min3A_1056 = vector.multi_reduction <minsi>, %select_n3A_1054, %reduce_min3A_1055 [0] : vector<64x128xi32> to vector<128xi32>
      %broadcast_in_dim3A_1057 = vector.shape_cast %reduce_min3A_1056 : vector<128xi32> to vector<1x128xi32>
      %reduce_min3A_1058 = arith.constant dense<2147483647> : vector<1xi32>
      %reduce_min3A_1059 = vector.multi_reduction <minsi>, %broadcast_in_dim3A_1057, %reduce_min3A_1058 [1] : vector<1x128xi32> to vector<1xi32>
      %broadcast_in_dim3A_1060 = vector.shape_cast %reduce_min3A_1059 : vector<1xi32> to vector<1x1xi32>
      %eq3A_1061 = arith.constant 0 : i32
      %eq3A_1062 = vector.broadcast %eq3A_1061 : i32 to vector<8x128xi32>
      %eq3A_1063 = arith.cmpi eq, %iota3A_3, %eq3A_1062 : vector<8x128xi32>
      %eq3A_1064 = arith.constant 1 : i32
      %eq3A_1065 = vector.broadcast %eq3A_1064 : i32 to vector<8x128xi32>
      %eq3A_1066 = arith.cmpi eq, %iota3A_3, %eq3A_1065 : vector<8x128xi32>
      %broadcast_in_dim3A_1067 = vector.shape_cast %broadcast_in_dim3A_1011 : vector<1x1xf32> to vector<1x1xf32>
      %broadcast_in_dim3A_1068 = vector.broadcast %broadcast_in_dim3A_1067 : vector<1x1xf32> to vector<8x128xf32>
      %broadcast_in_dim3A_1069 = vector.shape_cast %broadcast_in_dim3A_1020 : vector<1x1xf32> to vector<1x1xf32>
      %broadcast_in_dim3A_1070 = vector.broadcast %broadcast_in_dim3A_1069 : vector<1x1xf32> to vector<8x128xf32>
      %select_n3A_1071 = arith.select %eq3A_1066, %broadcast_in_dim3A_1068, %broadcast_in_dim3A_1070 : vector<8x128xi1>, vector<8x128xf32>
      %broadcast_in_dim3A_1072 = vector.shape_cast %broadcast_in_dim3A_1002 : vector<1x1xf32> to vector<1x1xf32>
      %broadcast_in_dim3A_1073 = vector.broadcast %broadcast_in_dim3A_1072 : vector<1x1xf32> to vector<8x128xf32>
      %select_n3A_1074 = arith.select %eq3A_1063, %broadcast_in_dim3A_1073, %select_n3A_1071 : vector<8x128xi1>, vector<8x128xf32>
      %eq3A_1075 = vector.broadcast %scan3A_46 : i32 to vector<8x128xi32>
      %eq3A_1076 = arith.cmpi eq, %iota3A_4, %eq3A_1075 : vector<8x128xi32>
      %get3A_1077 = arith.constant 8 : index
      %get3A_1078 = arith.constant 0 : index
      %get3A_1079 = arith.constant 0 : index
      %get3A_1080 = vector.load %arg1[%get3A_1077, %get3A_1078, %get3A_1079] : memref<16x8x128xf32, #tpu.memory_space<vmem>>, vector<1x8x128xf32>
      %get3A_1081 = vector.shape_cast %get3A_1080 : vector<1x8x128xf32> to vector<8x128xf32>
      %select_n3A_1082 = arith.select %eq3A_1076, %select_n3A_1074, %get3A_1081 : vector<8x128xi1>, vector<8x128xf32>
      %swap3A_1083 = arith.constant 8 : index
      %swap3A_1084 = arith.constant 0 : index
      %swap3A_1085 = arith.constant 0 : index
      %swap3A_1086 = vector.load %arg1[%swap3A_1083, %swap3A_1084, %swap3A_1085] : memref<16x8x128xf32, #tpu.memory_space<vmem>>, vector<1x8x128xf32>
      %swap3A_1087 = vector.shape_cast %swap3A_1086 : vector<1x8x128xf32> to vector<8x128xf32>
      %swap3A_1088 = vector.shape_cast %select_n3A_1082 : vector<8x128xf32> to vector<1x8x128xf32>
      tpu.vector_store %arg1[%swap3A_1083, %swap3A_1084, %swap3A_1085], %swap3A_1088 {strides = array<i32>} : memref<16x8x128xf32, #tpu.memory_space<vmem>>, vector<1x8x128xf32>,
      %get3A_1089 = arith.constant 9 : index
      %get3A_1090 = arith.constant 0 : index
      %get3A_1091 = arith.constant 0 : index
      %get3A_1092 = arith.constant 0 : index
      %get3A_1093 = vector.load %arg0[%get3A_1089, %get3A_1090, %get3A_1091, %get3A_1092] : memref<16x3x64x128xf32, #tpu.memory_space<vmem>>, vector<1x1x64x128xf32>
      %get3A_1094 = vector.shape_cast %get3A_1093 : vector<1x1x64x128xf32> to vector<64x128xf32>
      %get3A_1095 = arith.constant 9 : index
      %get3A_1096 = arith.constant 1 : index
      %get3A_1097 = arith.constant 0 : index
      %get3A_1098 = arith.constant 0 : index
      %get3A_1099 = vector.load %arg0[%get3A_1095, %get3A_1096, %get3A_1097, %get3A_1098] : memref<16x3x64x128xf32, #tpu.memory_space<vmem>>, vector<1x1x64x128xf32>
      %get3A_1100 = vector.shape_cast %get3A_1099 : vector<1x1x64x128xf32> to vector<64x128xf32>
      %get3A_1101 = arith.constant 9 : index
      %get3A_1102 = arith.constant 2 : index
      %get3A_1103 = arith.constant 0 : index
      %get3A_1104 = arith.constant 0 : index
      %get3A_1105 = vector.load %arg0[%get3A_1101, %get3A_1102, %get3A_1103, %get3A_1104] : memref<16x3x64x128xf32, #tpu.memory_space<vmem>>, vector<1x1x64x128xf32>
      %get3A_1106 = vector.shape_cast %get3A_1105 : vector<1x1x64x128xf32> to vector<64x128xf32>
      %eq3A_1107 = vector.broadcast %scan3A_56 : vector<1x1xi32> to vector<64x128xi32>
      %eq3A_1108 = arith.cmpi eq, %add3A, %eq3A_1107 : vector<64x128xi32>
      %jit3A_1109 = arith.constant 0.000000e+00 : f32
      %broadcast_in_dim3A_1110 = vector.broadcast %jit3A_1109 : f32 to vector<64x128xf32>
      %select_n3A_1111 = arith.select %eq3A_1108, %get3A_1094, %broadcast_in_dim3A_1110 : vector<64x128xi1>, vector<64x128xf32>
      %reduce_sum3A_1112 = arith.constant dense<0.000000e+00> : vector<128xf32>
      %reduce_sum3A_1113 = vector.multi_reduction <add>, %select_n3A_1111, %reduce_sum3A_1112 [0] : vector<64x128xf32> to vector<128xf32>
      %broadcast_in_dim3A_1114 = vector.shape_cast %reduce_sum3A_1113 : vector<128xf32> to vector<1x128xf32>
      %reduce_sum3A_1115 = arith.constant dense<0.000000e+00> : vector<1xf32>
      %reduce_sum3A_1116 = vector.multi_reduction <add>, %broadcast_in_dim3A_1114, %reduce_sum3A_1115 [1] : vector<1x128xf32> to vector<1xf32>
      %broadcast_in_dim3A_1117 = vector.shape_cast %reduce_sum3A_1116 : vector<1xf32> to vector<1x1xf32>
      %jit3A_1118 = arith.constant 0.000000e+00 : f32
      %broadcast_in_dim3A_1119 = vector.broadcast %jit3A_1118 : f32 to vector<64x128xf32>
      %select_n3A_1120 = arith.select %eq3A_1108, %get3A_1100, %broadcast_in_dim3A_1119 : vector<64x128xi1>, vector<64x128xf32>
      %reduce_sum3A_1121 = arith.constant dense<0.000000e+00> : vector<128xf32>
      %reduce_sum3A_1122 = vector.multi_reduction <add>, %select_n3A_1120, %reduce_sum3A_1121 [0] : vector<64x128xf32> to vector<128xf32>
      %broadcast_in_dim3A_1123 = vector.shape_cast %reduce_sum3A_1122 : vector<128xf32> to vector<1x128xf32>
      %reduce_sum3A_1124 = arith.constant dense<0.000000e+00> : vector<1xf32>
      %reduce_sum3A_1125 = vector.multi_reduction <add>, %broadcast_in_dim3A_1123, %reduce_sum3A_1124 [1] : vector<1x128xf32> to vector<1xf32>
      %broadcast_in_dim3A_1126 = vector.shape_cast %reduce_sum3A_1125 : vector<1xf32> to vector<1x1xf32>
      %jit3A_1127 = arith.constant 0.000000e+00 : f32
      %broadcast_in_dim3A_1128 = vector.broadcast %jit3A_1127 : f32 to vector<64x128xf32>
      %select_n3A_1129 = arith.select %eq3A_1108, %get3A_1106, %broadcast_in_dim3A_1128 : vector<64x128xi1>, vector<64x128xf32>
      %reduce_sum3A_1130 = arith.constant dense<0.000000e+00> : vector<128xf32>
      %reduce_sum3A_1131 = vector.multi_reduction <add>, %select_n3A_1129, %reduce_sum3A_1130 [0] : vector<64x128xf32> to vector<128xf32>
      %broadcast_in_dim3A_1132 = vector.shape_cast %reduce_sum3A_1131 : vector<128xf32> to vector<1x128xf32>
      %reduce_sum3A_1133 = arith.constant dense<0.000000e+00> : vector<1xf32>
      %reduce_sum3A_1134 = vector.multi_reduction <add>, %broadcast_in_dim3A_1132, %reduce_sum3A_1133 [1] : vector<1x128xf32> to vector<1xf32>
      %broadcast_in_dim3A_1135 = vector.shape_cast %reduce_sum3A_1134 : vector<1xf32> to vector<1x1xf32>
      %sub3A_1136 = vector.broadcast %broadcast_in_dim3A_1117 : vector<1x1xf32> to vector<64x128xf32>
      %sub3A_1137 = arith.subf %get3A_1094, %sub3A_1136 : vector<64x128xf32>
      %sub3A_1138 = vector.broadcast %broadcast_in_dim3A_1126 : vector<1x1xf32> to vector<64x128xf32>
      %sub3A_1139 = arith.subf %get3A_1100, %sub3A_1138 : vector<64x128xf32>
      %sub3A_1140 = vector.broadcast %broadcast_in_dim3A_1135 : vector<1x1xf32> to vector<64x128xf32>
      %sub3A_1141 = arith.subf %get3A_1106, %sub3A_1140 : vector<64x128xf32>
      %mul3A_1142 = arith.mulf %sub3A_1137, %sub3A_1137 : vector<64x128xf32>
      %mul3A_1143 = arith.mulf %sub3A_1139, %sub3A_1139 : vector<64x128xf32>
      %add3A_1144 = arith.addf %mul3A_1142, %mul3A_1143 : vector<64x128xf32>
      %mul3A_1145 = arith.mulf %sub3A_1141, %sub3A_1141 : vector<64x128xf32>
      %add3A_1146 = arith.addf %add3A_1144, %mul3A_1145 : vector<64x128xf32>
      %get3A_1147 = arith.constant 9 : index
      %get3A_1148 = arith.constant 0 : index
      %get3A_1149 = arith.constant 0 : index
      %get3A_1150 = vector.load %arg2[%get3A_1147, %get3A_1148, %get3A_1149] : memref<16x64x128xf32, #tpu.memory_space<vmem>>, vector<1x64x128xf32>
      %get3A_1151 = vector.shape_cast %get3A_1150 : vector<1x64x128xf32> to vector<64x128xf32>
      %min3A_1152 = arith.minimumf %get3A_1151, %add3A_1146 : vector<64x128xf32>
      %swap3A_1153 = arith.constant 9 : index
      %swap3A_1154 = arith.constant 0 : index
      %swap3A_1155 = arith.constant 0 : index
      %swap3A_1156 = vector.load %arg2[%swap3A_1153, %swap3A_1154, %swap3A_1155] : memref<16x64x128xf32, #tpu.memory_space<vmem>>, vector<1x64x128xf32>
      %swap3A_1157 = vector.shape_cast %swap3A_1156 : vector<1x64x128xf32> to vector<64x128xf32>
      %swap3A_1158 = vector.shape_cast %min3A_1152 : vector<64x128xf32> to vector<1x64x128xf32>
      tpu.vector_store %arg2[%swap3A_1153, %swap3A_1154, %swap3A_1155], %swap3A_1158 {strides = array<i32>} : memref<16x64x128xf32, #tpu.memory_space<vmem>>, vector<1x64x128xf32>,
      %reduce_max3A_1159 = arith.constant dense<0xFF800000> : vector<128xf32>
      %reduce_max3A_1160 = vector.multi_reduction <maximumf>, %min3A_1152, %reduce_max3A_1159 [0] : vector<64x128xf32> to vector<128xf32>
      %broadcast_in_dim3A_1161 = vector.shape_cast %reduce_max3A_1160 : vector<128xf32> to vector<1x128xf32>
      %reduce_max3A_1162 = arith.constant dense<0xFF800000> : vector<1xf32>
      %reduce_max3A_1163 = vector.multi_reduction <maximumf>, %broadcast_in_dim3A_1161, %reduce_max3A_1162 [1] : vector<1x128xf32> to vector<1xf32>
      %broadcast_in_dim3A_1164 = vector.shape_cast %reduce_max3A_1163 : vector<1xf32> to vector<1x1xf32>
      %eq3A_1165 = vector.broadcast %broadcast_in_dim3A_1164 : vector<1x1xf32> to vector<64x128xf32>
      %eq3A_1166 = arith.cmpf oeq, %min3A_1152, %eq3A_1165 : vector<64x128xf32>
      %jit3A_1167 = arith.constant 8192 : i32
      %broadcast_in_dim3A_1168 = vector.broadcast %jit3A_1167 : i32 to vector<64x128xi32>
      %select_n3A_1169 = arith.select %eq3A_1166, %add3A, %broadcast_in_dim3A_1168 : vector<64x128xi1>, vector<64x128xi32>
      %reduce_min3A_1170 = arith.constant dense<2147483647> : vector<128xi32>
      %reduce_min3A_1171 = vector.multi_reduction <minsi>, %select_n3A_1169, %reduce_min3A_1170 [0] : vector<64x128xi32> to vector<128xi32>
      %broadcast_in_dim3A_1172 = vector.shape_cast %reduce_min3A_1171 : vector<128xi32> to vector<1x128xi32>
      %reduce_min3A_1173 = arith.constant dense<2147483647> : vector<1xi32>
      %reduce_min3A_1174 = vector.multi_reduction <minsi>, %broadcast_in_dim3A_1172, %reduce_min3A_1173 [1] : vector<1x128xi32> to vector<1xi32>
      %broadcast_in_dim3A_1175 = vector.shape_cast %reduce_min3A_1174 : vector<1xi32> to vector<1x1xi32>
      %eq3A_1176 = arith.constant 0 : i32
      %eq3A_1177 = vector.broadcast %eq3A_1176 : i32 to vector<8x128xi32>
      %eq3A_1178 = arith.cmpi eq, %iota3A_3, %eq3A_1177 : vector<8x128xi32>
      %eq3A_1179 = arith.constant 1 : i32
      %eq3A_1180 = vector.broadcast %eq3A_1179 : i32 to vector<8x128xi32>
      %eq3A_1181 = arith.cmpi eq, %iota3A_3, %eq3A_1180 : vector<8x128xi32>
      %broadcast_in_dim3A_1182 = vector.shape_cast %broadcast_in_dim3A_1126 : vector<1x1xf32> to vector<1x1xf32>
      %broadcast_in_dim3A_1183 = vector.broadcast %broadcast_in_dim3A_1182 : vector<1x1xf32> to vector<8x128xf32>
      %broadcast_in_dim3A_1184 = vector.shape_cast %broadcast_in_dim3A_1135 : vector<1x1xf32> to vector<1x1xf32>
      %broadcast_in_dim3A_1185 = vector.broadcast %broadcast_in_dim3A_1184 : vector<1x1xf32> to vector<8x128xf32>
      %select_n3A_1186 = arith.select %eq3A_1181, %broadcast_in_dim3A_1183, %broadcast_in_dim3A_1185 : vector<8x128xi1>, vector<8x128xf32>
      %broadcast_in_dim3A_1187 = vector.shape_cast %broadcast_in_dim3A_1117 : vector<1x1xf32> to vector<1x1xf32>
      %broadcast_in_dim3A_1188 = vector.broadcast %broadcast_in_dim3A_1187 : vector<1x1xf32> to vector<8x128xf32>
      %select_n3A_1189 = arith.select %eq3A_1178, %broadcast_in_dim3A_1188, %select_n3A_1186 : vector<8x128xi1>, vector<8x128xf32>
      %eq3A_1190 = vector.broadcast %scan3A_46 : i32 to vector<8x128xi32>
      %eq3A_1191 = arith.cmpi eq, %iota3A_4, %eq3A_1190 : vector<8x128xi32>
      %get3A_1192 = arith.constant 9 : index
      %get3A_1193 = arith.constant 0 : index
      %get3A_1194 = arith.constant 0 : index
      %get3A_1195 = vector.load %arg1[%get3A_1192, %get3A_1193, %get3A_1194] : memref<16x8x128xf32, #tpu.memory_space<vmem>>, vector<1x8x128xf32>
      %get3A_1196 = vector.shape_cast %get3A_1195 : vector<1x8x128xf32> to vector<8x128xf32>
      %select_n3A_1197 = arith.select %eq3A_1191, %select_n3A_1189, %get3A_1196 : vector<8x128xi1>, vector<8x128xf32>
      %swap3A_1198 = arith.constant 9 : index
      %swap3A_1199 = arith.constant 0 : index
      %swap3A_1200 = arith.constant 0 : index
      %swap3A_1201 = vector.load %arg1[%swap3A_1198, %swap3A_1199, %swap3A_1200] : memref<16x8x128xf32, #tpu.memory_space<vmem>>, vector<1x8x128xf32>
      %swap3A_1202 = vector.shape_cast %swap3A_1201 : vector<1x8x128xf32> to vector<8x128xf32>
      %swap3A_1203 = vector.shape_cast %select_n3A_1197 : vector<8x128xf32> to vector<1x8x128xf32>
      tpu.vector_store %arg1[%swap3A_1198, %swap3A_1199, %swap3A_1200], %swap3A_1203 {strides = array<i32>} : memref<16x8x128xf32, #tpu.memory_space<vmem>>, vector<1x8x128xf32>,
      %get3A_1204 = arith.constant 10 : index
      %get3A_1205 = arith.constant 0 : index
      %get3A_1206 = arith.constant 0 : index
      %get3A_1207 = arith.constant 0 : index
      %get3A_1208 = vector.load %arg0[%get3A_1204, %get3A_1205, %get3A_1206, %get3A_1207] : memref<16x3x64x128xf32, #tpu.memory_space<vmem>>, vector<1x1x64x128xf32>
      %get3A_1209 = vector.shape_cast %get3A_1208 : vector<1x1x64x128xf32> to vector<64x128xf32>
      %get3A_1210 = arith.constant 10 : index
      %get3A_1211 = arith.constant 1 : index
      %get3A_1212 = arith.constant 0 : index
      %get3A_1213 = arith.constant 0 : index
      %get3A_1214 = vector.load %arg0[%get3A_1210, %get3A_1211, %get3A_1212, %get3A_1213] : memref<16x3x64x128xf32, #tpu.memory_space<vmem>>, vector<1x1x64x128xf32>
      %get3A_1215 = vector.shape_cast %get3A_1214 : vector<1x1x64x128xf32> to vector<64x128xf32>
      %get3A_1216 = arith.constant 10 : index
      %get3A_1217 = arith.constant 2 : index
      %get3A_1218 = arith.constant 0 : index
      %get3A_1219 = arith.constant 0 : index
      %get3A_1220 = vector.load %arg0[%get3A_1216, %get3A_1217, %get3A_1218, %get3A_1219] : memref<16x3x64x128xf32, #tpu.memory_space<vmem>>, vector<1x1x64x128xf32>
      %get3A_1221 = vector.shape_cast %get3A_1220 : vector<1x1x64x128xf32> to vector<64x128xf32>
      %eq3A_1222 = vector.broadcast %scan3A_57 : vector<1x1xi32> to vector<64x128xi32>
      %eq3A_1223 = arith.cmpi eq, %add3A, %eq3A_1222 : vector<64x128xi32>
      %jit3A_1224 = arith.constant 0.000000e+00 : f32
      %broadcast_in_dim3A_1225 = vector.broadcast %jit3A_1224 : f32 to vector<64x128xf32>
      %select_n3A_1226 = arith.select %eq3A_1223, %get3A_1209, %broadcast_in_dim3A_1225 : vector<64x128xi1>, vector<64x128xf32>
      %reduce_sum3A_1227 = arith.constant dense<0.000000e+00> : vector<128xf32>
      %reduce_sum3A_1228 = vector.multi_reduction <add>, %select_n3A_1226, %reduce_sum3A_1227 [0] : vector<64x128xf32> to vector<128xf32>
      %broadcast_in_dim3A_1229 = vector.shape_cast %reduce_sum3A_1228 : vector<128xf32> to vector<1x128xf32>
      %reduce_sum3A_1230 = arith.constant dense<0.000000e+00> : vector<1xf32>
      %reduce_sum3A_1231 = vector.multi_reduction <add>, %broadcast_in_dim3A_1229, %reduce_sum3A_1230 [1] : vector<1x128xf32> to vector<1xf32>
      %broadcast_in_dim3A_1232 = vector.shape_cast %reduce_sum3A_1231 : vector<1xf32> to vector<1x1xf32>
      %jit3A_1233 = arith.constant 0.000000e+00 : f32
      %broadcast_in_dim3A_1234 = vector.broadcast %jit3A_1233 : f32 to vector<64x128xf32>
      %select_n3A_1235 = arith.select %eq3A_1223, %get3A_1215, %broadcast_in_dim3A_1234 : vector<64x128xi1>, vector<64x128xf32>
      %reduce_sum3A_1236 = arith.constant dense<0.000000e+00> : vector<128xf32>
      %reduce_sum3A_1237 = vector.multi_reduction <add>, %select_n3A_1235, %reduce_sum3A_1236 [0] : vector<64x128xf32> to vector<128xf32>
      %broadcast_in_dim3A_1238 = vector.shape_cast %reduce_sum3A_1237 : vector<128xf32> to vector<1x128xf32>
      %reduce_sum3A_1239 = arith.constant dense<0.000000e+00> : vector<1xf32>
      %reduce_sum3A_1240 = vector.multi_reduction <add>, %broadcast_in_dim3A_1238, %reduce_sum3A_1239 [1] : vector<1x128xf32> to vector<1xf32>
      %broadcast_in_dim3A_1241 = vector.shape_cast %reduce_sum3A_1240 : vector<1xf32> to vector<1x1xf32>
      %jit3A_1242 = arith.constant 0.000000e+00 : f32
      %broadcast_in_dim3A_1243 = vector.broadcast %jit3A_1242 : f32 to vector<64x128xf32>
      %select_n3A_1244 = arith.select %eq3A_1223, %get3A_1221, %broadcast_in_dim3A_1243 : vector<64x128xi1>, vector<64x128xf32>
      %reduce_sum3A_1245 = arith.constant dense<0.000000e+00> : vector<128xf32>
      %reduce_sum3A_1246 = vector.multi_reduction <add>, %select_n3A_1244, %reduce_sum3A_1245 [0] : vector<64x128xf32> to vector<128xf32>
      %broadcast_in_dim3A_1247 = vector.shape_cast %reduce_sum3A_1246 : vector<128xf32> to vector<1x128xf32>
      %reduce_sum3A_1248 = arith.constant dense<0.000000e+00> : vector<1xf32>
      %reduce_sum3A_1249 = vector.multi_reduction <add>, %broadcast_in_dim3A_1247, %reduce_sum3A_1248 [1] : vector<1x128xf32> to vector<1xf32>
      %broadcast_in_dim3A_1250 = vector.shape_cast %reduce_sum3A_1249 : vector<1xf32> to vector<1x1xf32>
      %sub3A_1251 = vector.broadcast %broadcast_in_dim3A_1232 : vector<1x1xf32> to vector<64x128xf32>
      %sub3A_1252 = arith.subf %get3A_1209, %sub3A_1251 : vector<64x128xf32>
      %sub3A_1253 = vector.broadcast %broadcast_in_dim3A_1241 : vector<1x1xf32> to vector<64x128xf32>
      %sub3A_1254 = arith.subf %get3A_1215, %sub3A_1253 : vector<64x128xf32>
      %sub3A_1255 = vector.broadcast %broadcast_in_dim3A_1250 : vector<1x1xf32> to vector<64x128xf32>
      %sub3A_1256 = arith.subf %get3A_1221, %sub3A_1255 : vector<64x128xf32>
      %mul3A_1257 = arith.mulf %sub3A_1252, %sub3A_1252 : vector<64x128xf32>
      %mul3A_1258 = arith.mulf %sub3A_1254, %sub3A_1254 : vector<64x128xf32>
      %add3A_1259 = arith.addf %mul3A_1257, %mul3A_1258 : vector<64x128xf32>
      %mul3A_1260 = arith.mulf %sub3A_1256, %sub3A_1256 : vector<64x128xf32>
      %add3A_1261 = arith.addf %add3A_1259, %mul3A_1260 : vector<64x128xf32>
      %get3A_1262 = arith.constant 10 : index
      %get3A_1263 = arith.constant 0 : index
      %get3A_1264 = arith.constant 0 : index
      %get3A_1265 = vector.load %arg2[%get3A_1262, %get3A_1263, %get3A_1264] : memref<16x64x128xf32, #tpu.memory_space<vmem>>, vector<1x64x128xf32>
      %get3A_1266 = vector.shape_cast %get3A_1265 : vector<1x64x128xf32> to vector<64x128xf32>
      %min3A_1267 = arith.minimumf %get3A_1266, %add3A_1261 : vector<64x128xf32>
      %swap3A_1268 = arith.constant 10 : index
      %swap3A_1269 = arith.constant 0 : index
      %swap3A_1270 = arith.constant 0 : index
      %swap3A_1271 = vector.load %arg2[%swap3A_1268, %swap3A_1269, %swap3A_1270] : memref<16x64x128xf32, #tpu.memory_space<vmem>>, vector<1x64x128xf32>
      %swap3A_1272 = vector.shape_cast %swap3A_1271 : vector<1x64x128xf32> to vector<64x128xf32>
      %swap3A_1273 = vector.shape_cast %min3A_1267 : vector<64x128xf32> to vector<1x64x128xf32>
      tpu.vector_store %arg2[%swap3A_1268, %swap3A_1269, %swap3A_1270], %swap3A_1273 {strides = array<i32>} : memref<16x64x128xf32, #tpu.memory_space<vmem>>, vector<1x64x128xf32>,
      %reduce_max3A_1274 = arith.constant dense<0xFF800000> : vector<128xf32>
      %reduce_max3A_1275 = vector.multi_reduction <maximumf>, %min3A_1267, %reduce_max3A_1274 [0] : vector<64x128xf32> to vector<128xf32>
      %broadcast_in_dim3A_1276 = vector.shape_cast %reduce_max3A_1275 : vector<128xf32> to vector<1x128xf32>
      %reduce_max3A_1277 = arith.constant dense<0xFF800000> : vector<1xf32>
      %reduce_max3A_1278 = vector.multi_reduction <maximumf>, %broadcast_in_dim3A_1276, %reduce_max3A_1277 [1] : vector<1x128xf32> to vector<1xf32>
      %broadcast_in_dim3A_1279 = vector.shape_cast %reduce_max3A_1278 : vector<1xf32> to vector<1x1xf32>
      %eq3A_1280 = vector.broadcast %broadcast_in_dim3A_1279 : vector<1x1xf32> to vector<64x128xf32>
      %eq3A_1281 = arith.cmpf oeq, %min3A_1267, %eq3A_1280 : vector<64x128xf32>
      %jit3A_1282 = arith.constant 8192 : i32
      %broadcast_in_dim3A_1283 = vector.broadcast %jit3A_1282 : i32 to vector<64x128xi32>
      %select_n3A_1284 = arith.select %eq3A_1281, %add3A, %broadcast_in_dim3A_1283 : vector<64x128xi1>, vector<64x128xi32>
      %reduce_min3A_1285 = arith.constant dense<2147483647> : vector<128xi32>
      %reduce_min3A_1286 = vector.multi_reduction <minsi>, %select_n3A_1284, %reduce_min3A_1285 [0] : vector<64x128xi32> to vector<128xi32>
      %broadcast_in_dim3A_1287 = vector.shape_cast %reduce_min3A_1286 : vector<128xi32> to vector<1x128xi32>
      %reduce_min3A_1288 = arith.constant dense<2147483647> : vector<1xi32>
      %reduce_min3A_1289 = vector.multi_reduction <minsi>, %broadcast_in_dim3A_1287, %reduce_min3A_1288 [1] : vector<1x128xi32> to vector<1xi32>
      %broadcast_in_dim3A_1290 = vector.shape_cast %reduce_min3A_1289 : vector<1xi32> to vector<1x1xi32>
      %eq3A_1291 = arith.constant 0 : i32
      %eq3A_1292 = vector.broadcast %eq3A_1291 : i32 to vector<8x128xi32>
      %eq3A_1293 = arith.cmpi eq, %iota3A_3, %eq3A_1292 : vector<8x128xi32>
      %eq3A_1294 = arith.constant 1 : i32
      %eq3A_1295 = vector.broadcast %eq3A_1294 : i32 to vector<8x128xi32>
      %eq3A_1296 = arith.cmpi eq, %iota3A_3, %eq3A_1295 : vector<8x128xi32>
      %broadcast_in_dim3A_1297 = vector.shape_cast %broadcast_in_dim3A_1241 : vector<1x1xf32> to vector<1x1xf32>
      %broadcast_in_dim3A_1298 = vector.broadcast %broadcast_in_dim3A_1297 : vector<1x1xf32> to vector<8x128xf32>
      %broadcast_in_dim3A_1299 = vector.shape_cast %broadcast_in_dim3A_1250 : vector<1x1xf32> to vector<1x1xf32>
      %broadcast_in_dim3A_1300 = vector.broadcast %broadcast_in_dim3A_1299 : vector<1x1xf32> to vector<8x128xf32>
      %select_n3A_1301 = arith.select %eq3A_1296, %broadcast_in_dim3A_1298, %broadcast_in_dim3A_1300 : vector<8x128xi1>, vector<8x128xf32>
      %broadcast_in_dim3A_1302 = vector.shape_cast %broadcast_in_dim3A_1232 : vector<1x1xf32> to vector<1x1xf32>
      %broadcast_in_dim3A_1303 = vector.broadcast %broadcast_in_dim3A_1302 : vector<1x1xf32> to vector<8x128xf32>
      %select_n3A_1304 = arith.select %eq3A_1293, %broadcast_in_dim3A_1303, %select_n3A_1301 : vector<8x128xi1>, vector<8x128xf32>
      %eq3A_1305 = vector.broadcast %scan3A_46 : i32 to vector<8x128xi32>
      %eq3A_1306 = arith.cmpi eq, %iota3A_4, %eq3A_1305 : vector<8x128xi32>
      %get3A_1307 = arith.constant 10 : index
      %get3A_1308 = arith.constant 0 : index
      %get3A_1309 = arith.constant 0 : index
      %get3A_1310 = vector.load %arg1[%get3A_1307, %get3A_1308, %get3A_1309] : memref<16x8x128xf32, #tpu.memory_space<vmem>>, vector<1x8x128xf32>
      %get3A_1311 = vector.shape_cast %get3A_1310 : vector<1x8x128xf32> to vector<8x128xf32>
      %select_n3A_1312 = arith.select %eq3A_1306, %select_n3A_1304, %get3A_1311 : vector<8x128xi1>, vector<8x128xf32>
      %swap3A_1313 = arith.constant 10 : index
      %swap3A_1314 = arith.constant 0 : index
      %swap3A_1315 = arith.constant 0 : index
      %swap3A_1316 = vector.load %arg1[%swap3A_1313, %swap3A_1314, %swap3A_1315] : memref<16x8x128xf32, #tpu.memory_space<vmem>>, vector<1x8x128xf32>
      %swap3A_1317 = vector.shape_cast %swap3A_1316 : vector<1x8x128xf32> to vector<8x128xf32>
      %swap3A_1318 = vector.shape_cast %select_n3A_1312 : vector<8x128xf32> to vector<1x8x128xf32>
      tpu.vector_store %arg1[%swap3A_1313, %swap3A_1314, %swap3A_1315], %swap3A_1318 {strides = array<i32>} : memref<16x8x128xf32, #tpu.memory_space<vmem>>, vector<1x8x128xf32>,
      %get3A_1319 = arith.constant 11 : index
      %get3A_1320 = arith.constant 0 : index
      %get3A_1321 = arith.constant 0 : index
      %get3A_1322 = arith.constant 0 : index
      %get3A_1323 = vector.load %arg0[%get3A_1319, %get3A_1320, %get3A_1321, %get3A_1322] : memref<16x3x64x128xf32, #tpu.memory_space<vmem>>, vector<1x1x64x128xf32>
      %get3A_1324 = vector.shape_cast %get3A_1323 : vector<1x1x64x128xf32> to vector<64x128xf32>
      %get3A_1325 = arith.constant 11 : index
      %get3A_1326 = arith.constant 1 : index
      %get3A_1327 = arith.constant 0 : index
      %get3A_1328 = arith.constant 0 : index
      %get3A_1329 = vector.load %arg0[%get3A_1325, %get3A_1326, %get3A_1327, %get3A_1328] : memref<16x3x64x128xf32, #tpu.memory_space<vmem>>, vector<1x1x64x128xf32>
      %get3A_1330 = vector.shape_cast %get3A_1329 : vector<1x1x64x128xf32> to vector<64x128xf32>
      %get3A_1331 = arith.constant 11 : index
      %get3A_1332 = arith.constant 2 : index
      %get3A_1333 = arith.constant 0 : index
      %get3A_1334 = arith.constant 0 : index
      %get3A_1335 = vector.load %arg0[%get3A_1331, %get3A_1332, %get3A_1333, %get3A_1334] : memref<16x3x64x128xf32, #tpu.memory_space<vmem>>, vector<1x1x64x128xf32>
      %get3A_1336 = vector.shape_cast %get3A_1335 : vector<1x1x64x128xf32> to vector<64x128xf32>
      %eq3A_1337 = vector.broadcast %scan3A_58 : vector<1x1xi32> to vector<64x128xi32>
      %eq3A_1338 = arith.cmpi eq, %add3A, %eq3A_1337 : vector<64x128xi32>
      %jit3A_1339 = arith.constant 0.000000e+00 : f32
      %broadcast_in_dim3A_1340 = vector.broadcast %jit3A_1339 : f32 to vector<64x128xf32>
      %select_n3A_1341 = arith.select %eq3A_1338, %get3A_1324, %broadcast_in_dim3A_1340 : vector<64x128xi1>, vector<64x128xf32>
      %reduce_sum3A_1342 = arith.constant dense<0.000000e+00> : vector<128xf32>
      %reduce_sum3A_1343 = vector.multi_reduction <add>, %select_n3A_1341, %reduce_sum3A_1342 [0] : vector<64x128xf32> to vector<128xf32>
      %broadcast_in_dim3A_1344 = vector.shape_cast %reduce_sum3A_1343 : vector<128xf32> to vector<1x128xf32>
      %reduce_sum3A_1345 = arith.constant dense<0.000000e+00> : vector<1xf32>
      %reduce_sum3A_1346 = vector.multi_reduction <add>, %broadcast_in_dim3A_1344, %reduce_sum3A_1345 [1] : vector<1x128xf32> to vector<1xf32>
      %broadcast_in_dim3A_1347 = vector.shape_cast %reduce_sum3A_1346 : vector<1xf32> to vector<1x1xf32>
      %jit3A_1348 = arith.constant 0.000000e+00 : f32
      %broadcast_in_dim3A_1349 = vector.broadcast %jit3A_1348 : f32 to vector<64x128xf32>
      %select_n3A_1350 = arith.select %eq3A_1338, %get3A_1330, %broadcast_in_dim3A_1349 : vector<64x128xi1>, vector<64x128xf32>
      %reduce_sum3A_1351 = arith.constant dense<0.000000e+00> : vector<128xf32>
      %reduce_sum3A_1352 = vector.multi_reduction <add>, %select_n3A_1350, %reduce_sum3A_1351 [0] : vector<64x128xf32> to vector<128xf32>
      %broadcast_in_dim3A_1353 = vector.shape_cast %reduce_sum3A_1352 : vector<128xf32> to vector<1x128xf32>
      %reduce_sum3A_1354 = arith.constant dense<0.000000e+00> : vector<1xf32>
      %reduce_sum3A_1355 = vector.multi_reduction <add>, %broadcast_in_dim3A_1353, %reduce_sum3A_1354 [1] : vector<1x128xf32> to vector<1xf32>
      %broadcast_in_dim3A_1356 = vector.shape_cast %reduce_sum3A_1355 : vector<1xf32> to vector<1x1xf32>
      %jit3A_1357 = arith.constant 0.000000e+00 : f32
      %broadcast_in_dim3A_1358 = vector.broadcast %jit3A_1357 : f32 to vector<64x128xf32>
      %select_n3A_1359 = arith.select %eq3A_1338, %get3A_1336, %broadcast_in_dim3A_1358 : vector<64x128xi1>, vector<64x128xf32>
      %reduce_sum3A_1360 = arith.constant dense<0.000000e+00> : vector<128xf32>
      %reduce_sum3A_1361 = vector.multi_reduction <add>, %select_n3A_1359, %reduce_sum3A_1360 [0] : vector<64x128xf32> to vector<128xf32>
      %broadcast_in_dim3A_1362 = vector.shape_cast %reduce_sum3A_1361 : vector<128xf32> to vector<1x128xf32>
      %reduce_sum3A_1363 = arith.constant dense<0.000000e+00> : vector<1xf32>
      %reduce_sum3A_1364 = vector.multi_reduction <add>, %broadcast_in_dim3A_1362, %reduce_sum3A_1363 [1] : vector<1x128xf32> to vector<1xf32>
      %broadcast_in_dim3A_1365 = vector.shape_cast %reduce_sum3A_1364 : vector<1xf32> to vector<1x1xf32>
      %sub3A_1366 = vector.broadcast %broadcast_in_dim3A_1347 : vector<1x1xf32> to vector<64x128xf32>
      %sub3A_1367 = arith.subf %get3A_1324, %sub3A_1366 : vector<64x128xf32>
      %sub3A_1368 = vector.broadcast %broadcast_in_dim3A_1356 : vector<1x1xf32> to vector<64x128xf32>
      %sub3A_1369 = arith.subf %get3A_1330, %sub3A_1368 : vector<64x128xf32>
      %sub3A_1370 = vector.broadcast %broadcast_in_dim3A_1365 : vector<1x1xf32> to vector<64x128xf32>
      %sub3A_1371 = arith.subf %get3A_1336, %sub3A_1370 : vector<64x128xf32>
      %mul3A_1372 = arith.mulf %sub3A_1367, %sub3A_1367 : vector<64x128xf32>
      %mul3A_1373 = arith.mulf %sub3A_1369, %sub3A_1369 : vector<64x128xf32>
      %add3A_1374 = arith.addf %mul3A_1372, %mul3A_1373 : vector<64x128xf32>
      %mul3A_1375 = arith.mulf %sub3A_1371, %sub3A_1371 : vector<64x128xf32>
      %add3A_1376 = arith.addf %add3A_1374, %mul3A_1375 : vector<64x128xf32>
      %get3A_1377 = arith.constant 11 : index
      %get3A_1378 = arith.constant 0 : index
      %get3A_1379 = arith.constant 0 : index
      %get3A_1380 = vector.load %arg2[%get3A_1377, %get3A_1378, %get3A_1379] : memref<16x64x128xf32, #tpu.memory_space<vmem>>, vector<1x64x128xf32>
      %get3A_1381 = vector.shape_cast %get3A_1380 : vector<1x64x128xf32> to vector<64x128xf32>
      %min3A_1382 = arith.minimumf %get3A_1381, %add3A_1376 : vector<64x128xf32>
      %swap3A_1383 = arith.constant 11 : index
      %swap3A_1384 = arith.constant 0 : index
      %swap3A_1385 = arith.constant 0 : index
      %swap3A_1386 = vector.load %arg2[%swap3A_1383, %swap3A_1384, %swap3A_1385] : memref<16x64x128xf32, #tpu.memory_space<vmem>>, vector<1x64x128xf32>
      %swap3A_1387 = vector.shape_cast %swap3A_1386 : vector<1x64x128xf32> to vector<64x128xf32>
      %swap3A_1388 = vector.shape_cast %min3A_1382 : vector<64x128xf32> to vector<1x64x128xf32>
      tpu.vector_store %arg2[%swap3A_1383, %swap3A_1384, %swap3A_1385], %swap3A_1388 {strides = array<i32>} : memref<16x64x128xf32, #tpu.memory_space<vmem>>, vector<1x64x128xf32>,
      %reduce_max3A_1389 = arith.constant dense<0xFF800000> : vector<128xf32>
      %reduce_max3A_1390 = vector.multi_reduction <maximumf>, %min3A_1382, %reduce_max3A_1389 [0] : vector<64x128xf32> to vector<128xf32>
      %broadcast_in_dim3A_1391 = vector.shape_cast %reduce_max3A_1390 : vector<128xf32> to vector<1x128xf32>
      %reduce_max3A_1392 = arith.constant dense<0xFF800000> : vector<1xf32>
      %reduce_max3A_1393 = vector.multi_reduction <maximumf>, %broadcast_in_dim3A_1391, %reduce_max3A_1392 [1] : vector<1x128xf32> to vector<1xf32>
      %broadcast_in_dim3A_1394 = vector.shape_cast %reduce_max3A_1393 : vector<1xf32> to vector<1x1xf32>
      %eq3A_1395 = vector.broadcast %broadcast_in_dim3A_1394 : vector<1x1xf32> to vector<64x128xf32>
      %eq3A_1396 = arith.cmpf oeq, %min3A_1382, %eq3A_1395 : vector<64x128xf32>
      %jit3A_1397 = arith.constant 8192 : i32
      %broadcast_in_dim3A_1398 = vector.broadcast %jit3A_1397 : i32 to vector<64x128xi32>
      %select_n3A_1399 = arith.select %eq3A_1396, %add3A, %broadcast_in_dim3A_1398 : vector<64x128xi1>, vector<64x128xi32>
      %reduce_min3A_1400 = arith.constant dense<2147483647> : vector<128xi32>
      %reduce_min3A_1401 = vector.multi_reduction <minsi>, %select_n3A_1399, %reduce_min3A_1400 [0] : vector<64x128xi32> to vector<128xi32>
      %broadcast_in_dim3A_1402 = vector.shape_cast %reduce_min3A_1401 : vector<128xi32> to vector<1x128xi32>
      %reduce_min3A_1403 = arith.constant dense<2147483647> : vector<1xi32>
      %reduce_min3A_1404 = vector.multi_reduction <minsi>, %broadcast_in_dim3A_1402, %reduce_min3A_1403 [1] : vector<1x128xi32> to vector<1xi32>
      %broadcast_in_dim3A_1405 = vector.shape_cast %reduce_min3A_1404 : vector<1xi32> to vector<1x1xi32>
      %eq3A_1406 = arith.constant 0 : i32
      %eq3A_1407 = vector.broadcast %eq3A_1406 : i32 to vector<8x128xi32>
      %eq3A_1408 = arith.cmpi eq, %iota3A_3, %eq3A_1407 : vector<8x128xi32>
      %eq3A_1409 = arith.constant 1 : i32
      %eq3A_1410 = vector.broadcast %eq3A_1409 : i32 to vector<8x128xi32>
      %eq3A_1411 = arith.cmpi eq, %iota3A_3, %eq3A_1410 : vector<8x128xi32>
      %broadcast_in_dim3A_1412 = vector.shape_cast %broadcast_in_dim3A_1356 : vector<1x1xf32> to vector<1x1xf32>
      %broadcast_in_dim3A_1413 = vector.broadcast %broadcast_in_dim3A_1412 : vector<1x1xf32> to vector<8x128xf32>
      %broadcast_in_dim3A_1414 = vector.shape_cast %broadcast_in_dim3A_1365 : vector<1x1xf32> to vector<1x1xf32>
      %broadcast_in_dim3A_1415 = vector.broadcast %broadcast_in_dim3A_1414 : vector<1x1xf32> to vector<8x128xf32>
      %select_n3A_1416 = arith.select %eq3A_1411, %broadcast_in_dim3A_1413, %broadcast_in_dim3A_1415 : vector<8x128xi1>, vector<8x128xf32>
      %broadcast_in_dim3A_1417 = vector.shape_cast %broadcast_in_dim3A_1347 : vector<1x1xf32> to vector<1x1xf32>
      %broadcast_in_dim3A_1418 = vector.broadcast %broadcast_in_dim3A_1417 : vector<1x1xf32> to vector<8x128xf32>
      %select_n3A_1419 = arith.select %eq3A_1408, %broadcast_in_dim3A_1418, %select_n3A_1416 : vector<8x128xi1>, vector<8x128xf32>
      %eq3A_1420 = vector.broadcast %scan3A_46 : i32 to vector<8x128xi32>
      %eq3A_1421 = arith.cmpi eq, %iota3A_4, %eq3A_1420 : vector<8x128xi32>
      %get3A_1422 = arith.constant 11 : index
      %get3A_1423 = arith.constant 0 : index
      %get3A_1424 = arith.constant 0 : index
      %get3A_1425 = vector.load %arg1[%get3A_1422, %get3A_1423, %get3A_1424] : memref<16x8x128xf32, #tpu.memory_space<vmem>>, vector<1x8x128xf32>
      %get3A_1426 = vector.shape_cast %get3A_1425 : vector<1x8x128xf32> to vector<8x128xf32>
      %select_n3A_1427 = arith.select %eq3A_1421, %select_n3A_1419, %get3A_1426 : vector<8x128xi1>, vector<8x128xf32>
      %swap3A_1428 = arith.constant 11 : index
      %swap3A_1429 = arith.constant 0 : index
      %swap3A_1430 = arith.constant 0 : index
      %swap3A_1431 = vector.load %arg1[%swap3A_1428, %swap3A_1429, %swap3A_1430] : memref<16x8x128xf32, #tpu.memory_space<vmem>>, vector<1x8x128xf32>
      %swap3A_1432 = vector.shape_cast %swap3A_1431 : vector<1x8x128xf32> to vector<8x128xf32>
      %swap3A_1433 = vector.shape_cast %select_n3A_1427 : vector<8x128xf32> to vector<1x8x128xf32>
      tpu.vector_store %arg1[%swap3A_1428, %swap3A_1429, %swap3A_1430], %swap3A_1433 {strides = array<i32>} : memref<16x8x128xf32, #tpu.memory_space<vmem>>, vector<1x8x128xf32>,
      %get3A_1434 = arith.constant 12 : index
      %get3A_1435 = arith.constant 0 : index
      %get3A_1436 = arith.constant 0 : index
      %get3A_1437 = arith.constant 0 : index
      %get3A_1438 = vector.load %arg0[%get3A_1434, %get3A_1435, %get3A_1436, %get3A_1437] : memref<16x3x64x128xf32, #tpu.memory_space<vmem>>, vector<1x1x64x128xf32>
      %get3A_1439 = vector.shape_cast %get3A_1438 : vector<1x1x64x128xf32> to vector<64x128xf32>
      %get3A_1440 = arith.constant 12 : index
      %get3A_1441 = arith.constant 1 : index
      %get3A_1442 = arith.constant 0 : index
      %get3A_1443 = arith.constant 0 : index
      %get3A_1444 = vector.load %arg0[%get3A_1440, %get3A_1441, %get3A_1442, %get3A_1443] : memref<16x3x64x128xf32, #tpu.memory_space<vmem>>, vector<1x1x64x128xf32>
      %get3A_1445 = vector.shape_cast %get3A_1444 : vector<1x1x64x128xf32> to vector<64x128xf32>
      %get3A_1446 = arith.constant 12 : index
      %get3A_1447 = arith.constant 2 : index
      %get3A_1448 = arith.constant 0 : index
      %get3A_1449 = arith.constant 0 : index
      %get3A_1450 = vector.load %arg0[%get3A_1446, %get3A_1447, %get3A_1448, %get3A_1449] : memref<16x3x64x128xf32, #tpu.memory_space<vmem>>, vector<1x1x64x128xf32>
      %get3A_1451 = vector.shape_cast %get3A_1450 : vector<1x1x64x128xf32> to vector<64x128xf32>
      %eq3A_1452 = vector.broadcast %scan3A_59 : vector<1x1xi32> to vector<64x128xi32>
      %eq3A_1453 = arith.cmpi eq, %add3A, %eq3A_1452 : vector<64x128xi32>
      %jit3A_1454 = arith.constant 0.000000e+00 : f32
      %broadcast_in_dim3A_1455 = vector.broadcast %jit3A_1454 : f32 to vector<64x128xf32>
      %select_n3A_1456 = arith.select %eq3A_1453, %get3A_1439, %broadcast_in_dim3A_1455 : vector<64x128xi1>, vector<64x128xf32>
      %reduce_sum3A_1457 = arith.constant dense<0.000000e+00> : vector<128xf32>
      %reduce_sum3A_1458 = vector.multi_reduction <add>, %select_n3A_1456, %reduce_sum3A_1457 [0] : vector<64x128xf32> to vector<128xf32>
      %broadcast_in_dim3A_1459 = vector.shape_cast %reduce_sum3A_1458 : vector<128xf32> to vector<1x128xf32>
      %reduce_sum3A_1460 = arith.constant dense<0.000000e+00> : vector<1xf32>
      %reduce_sum3A_1461 = vector.multi_reduction <add>, %broadcast_in_dim3A_1459, %reduce_sum3A_1460 [1] : vector<1x128xf32> to vector<1xf32>
      %broadcast_in_dim3A_1462 = vector.shape_cast %reduce_sum3A_1461 : vector<1xf32> to vector<1x1xf32>
      %jit3A_1463 = arith.constant 0.000000e+00 : f32
      %broadcast_in_dim3A_1464 = vector.broadcast %jit3A_1463 : f32 to vector<64x128xf32>
      %select_n3A_1465 = arith.select %eq3A_1453, %get3A_1445, %broadcast_in_dim3A_1464 : vector<64x128xi1>, vector<64x128xf32>
      %reduce_sum3A_1466 = arith.constant dense<0.000000e+00> : vector<128xf32>
      %reduce_sum3A_1467 = vector.multi_reduction <add>, %select_n3A_1465, %reduce_sum3A_1466 [0] : vector<64x128xf32> to vector<128xf32>
      %broadcast_in_dim3A_1468 = vector.shape_cast %reduce_sum3A_1467 : vector<128xf32> to vector<1x128xf32>
      %reduce_sum3A_1469 = arith.constant dense<0.000000e+00> : vector<1xf32>
      %reduce_sum3A_1470 = vector.multi_reduction <add>, %broadcast_in_dim3A_1468, %reduce_sum3A_1469 [1] : vector<1x128xf32> to vector<1xf32>
      %broadcast_in_dim3A_1471 = vector.shape_cast %reduce_sum3A_1470 : vector<1xf32> to vector<1x1xf32>
      %jit3A_1472 = arith.constant 0.000000e+00 : f32
      %broadcast_in_dim3A_1473 = vector.broadcast %jit3A_1472 : f32 to vector<64x128xf32>
      %select_n3A_1474 = arith.select %eq3A_1453, %get3A_1451, %broadcast_in_dim3A_1473 : vector<64x128xi1>, vector<64x128xf32>
      %reduce_sum3A_1475 = arith.constant dense<0.000000e+00> : vector<128xf32>
      %reduce_sum3A_1476 = vector.multi_reduction <add>, %select_n3A_1474, %reduce_sum3A_1475 [0] : vector<64x128xf32> to vector<128xf32>
      %broadcast_in_dim3A_1477 = vector.shape_cast %reduce_sum3A_1476 : vector<128xf32> to vector<1x128xf32>
      %reduce_sum3A_1478 = arith.constant dense<0.000000e+00> : vector<1xf32>
      %reduce_sum3A_1479 = vector.multi_reduction <add>, %broadcast_in_dim3A_1477, %reduce_sum3A_1478 [1] : vector<1x128xf32> to vector<1xf32>
      %broadcast_in_dim3A_1480 = vector.shape_cast %reduce_sum3A_1479 : vector<1xf32> to vector<1x1xf32>
      %sub3A_1481 = vector.broadcast %broadcast_in_dim3A_1462 : vector<1x1xf32> to vector<64x128xf32>
      %sub3A_1482 = arith.subf %get3A_1439, %sub3A_1481 : vector<64x128xf32>
      %sub3A_1483 = vector.broadcast %broadcast_in_dim3A_1471 : vector<1x1xf32> to vector<64x128xf32>
      %sub3A_1484 = arith.subf %get3A_1445, %sub3A_1483 : vector<64x128xf32>
      %sub3A_1485 = vector.broadcast %broadcast_in_dim3A_1480 : vector<1x1xf32> to vector<64x128xf32>
      %sub3A_1486 = arith.subf %get3A_1451, %sub3A_1485 : vector<64x128xf32>
      %mul3A_1487 = arith.mulf %sub3A_1482, %sub3A_1482 : vector<64x128xf32>
      %mul3A_1488 = arith.mulf %sub3A_1484, %sub3A_1484 : vector<64x128xf32>
      %add3A_1489 = arith.addf %mul3A_1487, %mul3A_1488 : vector<64x128xf32>
      %mul3A_1490 = arith.mulf %sub3A_1486, %sub3A_1486 : vector<64x128xf32>
      %add3A_1491 = arith.addf %add3A_1489, %mul3A_1490 : vector<64x128xf32>
      %get3A_1492 = arith.constant 12 : index
      %get3A_1493 = arith.constant 0 : index
      %get3A_1494 = arith.constant 0 : index
      %get3A_1495 = vector.load %arg2[%get3A_1492, %get3A_1493, %get3A_1494] : memref<16x64x128xf32, #tpu.memory_space<vmem>>, vector<1x64x128xf32>
      %get3A_1496 = vector.shape_cast %get3A_1495 : vector<1x64x128xf32> to vector<64x128xf32>
      %min3A_1497 = arith.minimumf %get3A_1496, %add3A_1491 : vector<64x128xf32>
      %swap3A_1498 = arith.constant 12 : index
      %swap3A_1499 = arith.constant 0 : index
      %swap3A_1500 = arith.constant 0 : index
      %swap3A_1501 = vector.load %arg2[%swap3A_1498, %swap3A_1499, %swap3A_1500] : memref<16x64x128xf32, #tpu.memory_space<vmem>>, vector<1x64x128xf32>
      %swap3A_1502 = vector.shape_cast %swap3A_1501 : vector<1x64x128xf32> to vector<64x128xf32>
      %swap3A_1503 = vector.shape_cast %min3A_1497 : vector<64x128xf32> to vector<1x64x128xf32>
      tpu.vector_store %arg2[%swap3A_1498, %swap3A_1499, %swap3A_1500], %swap3A_1503 {strides = array<i32>} : memref<16x64x128xf32, #tpu.memory_space<vmem>>, vector<1x64x128xf32>,
      %reduce_max3A_1504 = arith.constant dense<0xFF800000> : vector<128xf32>
      %reduce_max3A_1505 = vector.multi_reduction <maximumf>, %min3A_1497, %reduce_max3A_1504 [0] : vector<64x128xf32> to vector<128xf32>
      %broadcast_in_dim3A_1506 = vector.shape_cast %reduce_max3A_1505 : vector<128xf32> to vector<1x128xf32>
      %reduce_max3A_1507 = arith.constant dense<0xFF800000> : vector<1xf32>
      %reduce_max3A_1508 = vector.multi_reduction <maximumf>, %broadcast_in_dim3A_1506, %reduce_max3A_1507 [1] : vector<1x128xf32> to vector<1xf32>
      %broadcast_in_dim3A_1509 = vector.shape_cast %reduce_max3A_1508 : vector<1xf32> to vector<1x1xf32>
      %eq3A_1510 = vector.broadcast %broadcast_in_dim3A_1509 : vector<1x1xf32> to vector<64x128xf32>
      %eq3A_1511 = arith.cmpf oeq, %min3A_1497, %eq3A_1510 : vector<64x128xf32>
      %jit3A_1512 = arith.constant 8192 : i32
      %broadcast_in_dim3A_1513 = vector.broadcast %jit3A_1512 : i32 to vector<64x128xi32>
      %select_n3A_1514 = arith.select %eq3A_1511, %add3A, %broadcast_in_dim3A_1513 : vector<64x128xi1>, vector<64x128xi32>
      %reduce_min3A_1515 = arith.constant dense<2147483647> : vector<128xi32>
      %reduce_min3A_1516 = vector.multi_reduction <minsi>, %select_n3A_1514, %reduce_min3A_1515 [0] : vector<64x128xi32> to vector<128xi32>
      %broadcast_in_dim3A_1517 = vector.shape_cast %reduce_min3A_1516 : vector<128xi32> to vector<1x128xi32>
      %reduce_min3A_1518 = arith.constant dense<2147483647> : vector<1xi32>
      %reduce_min3A_1519 = vector.multi_reduction <minsi>, %broadcast_in_dim3A_1517, %reduce_min3A_1518 [1] : vector<1x128xi32> to vector<1xi32>
      %broadcast_in_dim3A_1520 = vector.shape_cast %reduce_min3A_1519 : vector<1xi32> to vector<1x1xi32>
      %eq3A_1521 = arith.constant 0 : i32
      %eq3A_1522 = vector.broadcast %eq3A_1521 : i32 to vector<8x128xi32>
      %eq3A_1523 = arith.cmpi eq, %iota3A_3, %eq3A_1522 : vector<8x128xi32>
      %eq3A_1524 = arith.constant 1 : i32
      %eq3A_1525 = vector.broadcast %eq3A_1524 : i32 to vector<8x128xi32>
      %eq3A_1526 = arith.cmpi eq, %iota3A_3, %eq3A_1525 : vector<8x128xi32>
      %broadcast_in_dim3A_1527 = vector.shape_cast %broadcast_in_dim3A_1471 : vector<1x1xf32> to vector<1x1xf32>
      %broadcast_in_dim3A_1528 = vector.broadcast %broadcast_in_dim3A_1527 : vector<1x1xf32> to vector<8x128xf32>
      %broadcast_in_dim3A_1529 = vector.shape_cast %broadcast_in_dim3A_1480 : vector<1x1xf32> to vector<1x1xf32>
      %broadcast_in_dim3A_1530 = vector.broadcast %broadcast_in_dim3A_1529 : vector<1x1xf32> to vector<8x128xf32>
      %select_n3A_1531 = arith.select %eq3A_1526, %broadcast_in_dim3A_1528, %broadcast_in_dim3A_1530 : vector<8x128xi1>, vector<8x128xf32>
      %broadcast_in_dim3A_1532 = vector.shape_cast %broadcast_in_dim3A_1462 : vector<1x1xf32> to vector<1x1xf32>
      %broadcast_in_dim3A_1533 = vector.broadcast %broadcast_in_dim3A_1532 : vector<1x1xf32> to vector<8x128xf32>
      %select_n3A_1534 = arith.select %eq3A_1523, %broadcast_in_dim3A_1533, %select_n3A_1531 : vector<8x128xi1>, vector<8x128xf32>
      %eq3A_1535 = vector.broadcast %scan3A_46 : i32 to vector<8x128xi32>
      %eq3A_1536 = arith.cmpi eq, %iota3A_4, %eq3A_1535 : vector<8x128xi32>
      %get3A_1537 = arith.constant 12 : index
      %get3A_1538 = arith.constant 0 : index
      %get3A_1539 = arith.constant 0 : index
      %get3A_1540 = vector.load %arg1[%get3A_1537, %get3A_1538, %get3A_1539] : memref<16x8x128xf32, #tpu.memory_space<vmem>>, vector<1x8x128xf32>
      %get3A_1541 = vector.shape_cast %get3A_1540 : vector<1x8x128xf32> to vector<8x128xf32>
      %select_n3A_1542 = arith.select %eq3A_1536, %select_n3A_1534, %get3A_1541 : vector<8x128xi1>, vector<8x128xf32>
      %swap3A_1543 = arith.constant 12 : index
      %swap3A_1544 = arith.constant 0 : index
      %swap3A_1545 = arith.constant 0 : index
      %swap3A_1546 = vector.load %arg1[%swap3A_1543, %swap3A_1544, %swap3A_1545] : memref<16x8x128xf32, #tpu.memory_space<vmem>>, vector<1x8x128xf32>
      %swap3A_1547 = vector.shape_cast %swap3A_1546 : vector<1x8x128xf32> to vector<8x128xf32>
      %swap3A_1548 = vector.shape_cast %select_n3A_1542 : vector<8x128xf32> to vector<1x8x128xf32>
      tpu.vector_store %arg1[%swap3A_1543, %swap3A_1544, %swap3A_1545], %swap3A_1548 {strides = array<i32>} : memref<16x8x128xf32, #tpu.memory_space<vmem>>, vector<1x8x128xf32>,
      %get3A_1549 = arith.constant 13 : index
      %get3A_1550 = arith.constant 0 : index
      %get3A_1551 = arith.constant 0 : index
      %get3A_1552 = arith.constant 0 : index
      %get3A_1553 = vector.load %arg0[%get3A_1549, %get3A_1550, %get3A_1551, %get3A_1552] : memref<16x3x64x128xf32, #tpu.memory_space<vmem>>, vector<1x1x64x128xf32>
      %get3A_1554 = vector.shape_cast %get3A_1553 : vector<1x1x64x128xf32> to vector<64x128xf32>
      %get3A_1555 = arith.constant 13 : index
      %get3A_1556 = arith.constant 1 : index
      %get3A_1557 = arith.constant 0 : index
      %get3A_1558 = arith.constant 0 : index
      %get3A_1559 = vector.load %arg0[%get3A_1555, %get3A_1556, %get3A_1557, %get3A_1558] : memref<16x3x64x128xf32, #tpu.memory_space<vmem>>, vector<1x1x64x128xf32>
      %get3A_1560 = vector.shape_cast %get3A_1559 : vector<1x1x64x128xf32> to vector<64x128xf32>
      %get3A_1561 = arith.constant 13 : index
      %get3A_1562 = arith.constant 2 : index
      %get3A_1563 = arith.constant 0 : index
      %get3A_1564 = arith.constant 0 : index
      %get3A_1565 = vector.load %arg0[%get3A_1561, %get3A_1562, %get3A_1563, %get3A_1564] : memref<16x3x64x128xf32, #tpu.memory_space<vmem>>, vector<1x1x64x128xf32>
      %get3A_1566 = vector.shape_cast %get3A_1565 : vector<1x1x64x128xf32> to vector<64x128xf32>
      %eq3A_1567 = vector.broadcast %scan3A_60 : vector<1x1xi32> to vector<64x128xi32>
      %eq3A_1568 = arith.cmpi eq, %add3A, %eq3A_1567 : vector<64x128xi32>
      %jit3A_1569 = arith.constant 0.000000e+00 : f32
      %broadcast_in_dim3A_1570 = vector.broadcast %jit3A_1569 : f32 to vector<64x128xf32>
      %select_n3A_1571 = arith.select %eq3A_1568, %get3A_1554, %broadcast_in_dim3A_1570 : vector<64x128xi1>, vector<64x128xf32>
      %reduce_sum3A_1572 = arith.constant dense<0.000000e+00> : vector<128xf32>
      %reduce_sum3A_1573 = vector.multi_reduction <add>, %select_n3A_1571, %reduce_sum3A_1572 [0] : vector<64x128xf32> to vector<128xf32>
      %broadcast_in_dim3A_1574 = vector.shape_cast %reduce_sum3A_1573 : vector<128xf32> to vector<1x128xf32>
      %reduce_sum3A_1575 = arith.constant dense<0.000000e+00> : vector<1xf32>
      %reduce_sum3A_1576 = vector.multi_reduction <add>, %broadcast_in_dim3A_1574, %reduce_sum3A_1575 [1] : vector<1x128xf32> to vector<1xf32>
      %broadcast_in_dim3A_1577 = vector.shape_cast %reduce_sum3A_1576 : vector<1xf32> to vector<1x1xf32>
      %jit3A_1578 = arith.constant 0.000000e+00 : f32
      %broadcast_in_dim3A_1579 = vector.broadcast %jit3A_1578 : f32 to vector<64x128xf32>
      %select_n3A_1580 = arith.select %eq3A_1568, %get3A_1560, %broadcast_in_dim3A_1579 : vector<64x128xi1>, vector<64x128xf32>
      %reduce_sum3A_1581 = arith.constant dense<0.000000e+00> : vector<128xf32>
      %reduce_sum3A_1582 = vector.multi_reduction <add>, %select_n3A_1580, %reduce_sum3A_1581 [0] : vector<64x128xf32> to vector<128xf32>
      %broadcast_in_dim3A_1583 = vector.shape_cast %reduce_sum3A_1582 : vector<128xf32> to vector<1x128xf32>
      %reduce_sum3A_1584 = arith.constant dense<0.000000e+00> : vector<1xf32>
      %reduce_sum3A_1585 = vector.multi_reduction <add>, %broadcast_in_dim3A_1583, %reduce_sum3A_1584 [1] : vector<1x128xf32> to vector<1xf32>
      %broadcast_in_dim3A_1586 = vector.shape_cast %reduce_sum3A_1585 : vector<1xf32> to vector<1x1xf32>
      %jit3A_1587 = arith.constant 0.000000e+00 : f32
      %broadcast_in_dim3A_1588 = vector.broadcast %jit3A_1587 : f32 to vector<64x128xf32>
      %select_n3A_1589 = arith.select %eq3A_1568, %get3A_1566, %broadcast_in_dim3A_1588 : vector<64x128xi1>, vector<64x128xf32>
      %reduce_sum3A_1590 = arith.constant dense<0.000000e+00> : vector<128xf32>
      %reduce_sum3A_1591 = vector.multi_reduction <add>, %select_n3A_1589, %reduce_sum3A_1590 [0] : vector<64x128xf32> to vector<128xf32>
      %broadcast_in_dim3A_1592 = vector.shape_cast %reduce_sum3A_1591 : vector<128xf32> to vector<1x128xf32>
      %reduce_sum3A_1593 = arith.constant dense<0.000000e+00> : vector<1xf32>
      %reduce_sum3A_1594 = vector.multi_reduction <add>, %broadcast_in_dim3A_1592, %reduce_sum3A_1593 [1] : vector<1x128xf32> to vector<1xf32>
      %broadcast_in_dim3A_1595 = vector.shape_cast %reduce_sum3A_1594 : vector<1xf32> to vector<1x1xf32>
      %sub3A_1596 = vector.broadcast %broadcast_in_dim3A_1577 : vector<1x1xf32> to vector<64x128xf32>
      %sub3A_1597 = arith.subf %get3A_1554, %sub3A_1596 : vector<64x128xf32>
      %sub3A_1598 = vector.broadcast %broadcast_in_dim3A_1586 : vector<1x1xf32> to vector<64x128xf32>
      %sub3A_1599 = arith.subf %get3A_1560, %sub3A_1598 : vector<64x128xf32>
      %sub3A_1600 = vector.broadcast %broadcast_in_dim3A_1595 : vector<1x1xf32> to vector<64x128xf32>
      %sub3A_1601 = arith.subf %get3A_1566, %sub3A_1600 : vector<64x128xf32>
      %mul3A_1602 = arith.mulf %sub3A_1597, %sub3A_1597 : vector<64x128xf32>
      %mul3A_1603 = arith.mulf %sub3A_1599, %sub3A_1599 : vector<64x128xf32>
      %add3A_1604 = arith.addf %mul3A_1602, %mul3A_1603 : vector<64x128xf32>
      %mul3A_1605 = arith.mulf %sub3A_1601, %sub3A_1601 : vector<64x128xf32>
      %add3A_1606 = arith.addf %add3A_1604, %mul3A_1605 : vector<64x128xf32>
      %get3A_1607 = arith.constant 13 : index
      %get3A_1608 = arith.constant 0 : index
      %get3A_1609 = arith.constant 0 : index
      %get3A_1610 = vector.load %arg2[%get3A_1607, %get3A_1608, %get3A_1609] : memref<16x64x128xf32, #tpu.memory_space<vmem>>, vector<1x64x128xf32>
      %get3A_1611 = vector.shape_cast %get3A_1610 : vector<1x64x128xf32> to vector<64x128xf32>
      %min3A_1612 = arith.minimumf %get3A_1611, %add3A_1606 : vector<64x128xf32>
      %swap3A_1613 = arith.constant 13 : index
      %swap3A_1614 = arith.constant 0 : index
      %swap3A_1615 = arith.constant 0 : index
      %swap3A_1616 = vector.load %arg2[%swap3A_1613, %swap3A_1614, %swap3A_1615] : memref<16x64x128xf32, #tpu.memory_space<vmem>>, vector<1x64x128xf32>
      %swap3A_1617 = vector.shape_cast %swap3A_1616 : vector<1x64x128xf32> to vector<64x128xf32>
      %swap3A_1618 = vector.shape_cast %min3A_1612 : vector<64x128xf32> to vector<1x64x128xf32>
      tpu.vector_store %arg2[%swap3A_1613, %swap3A_1614, %swap3A_1615], %swap3A_1618 {strides = array<i32>} : memref<16x64x128xf32, #tpu.memory_space<vmem>>, vector<1x64x128xf32>,
      %reduce_max3A_1619 = arith.constant dense<0xFF800000> : vector<128xf32>
      %reduce_max3A_1620 = vector.multi_reduction <maximumf>, %min3A_1612, %reduce_max3A_1619 [0] : vector<64x128xf32> to vector<128xf32>
      %broadcast_in_dim3A_1621 = vector.shape_cast %reduce_max3A_1620 : vector<128xf32> to vector<1x128xf32>
      %reduce_max3A_1622 = arith.constant dense<0xFF800000> : vector<1xf32>
      %reduce_max3A_1623 = vector.multi_reduction <maximumf>, %broadcast_in_dim3A_1621, %reduce_max3A_1622 [1] : vector<1x128xf32> to vector<1xf32>
      %broadcast_in_dim3A_1624 = vector.shape_cast %reduce_max3A_1623 : vector<1xf32> to vector<1x1xf32>
      %eq3A_1625 = vector.broadcast %broadcast_in_dim3A_1624 : vector<1x1xf32> to vector<64x128xf32>
      %eq3A_1626 = arith.cmpf oeq, %min3A_1612, %eq3A_1625 : vector<64x128xf32>
      %jit3A_1627 = arith.constant 8192 : i32
      %broadcast_in_dim3A_1628 = vector.broadcast %jit3A_1627 : i32 to vector<64x128xi32>
      %select_n3A_1629 = arith.select %eq3A_1626, %add3A, %broadcast_in_dim3A_1628 : vector<64x128xi1>, vector<64x128xi32>
      %reduce_min3A_1630 = arith.constant dense<2147483647> : vector<128xi32>
      %reduce_min3A_1631 = vector.multi_reduction <minsi>, %select_n3A_1629, %reduce_min3A_1630 [0] : vector<64x128xi32> to vector<128xi32>
      %broadcast_in_dim3A_1632 = vector.shape_cast %reduce_min3A_1631 : vector<128xi32> to vector<1x128xi32>
      %reduce_min3A_1633 = arith.constant dense<2147483647> : vector<1xi32>
      %reduce_min3A_1634 = vector.multi_reduction <minsi>, %broadcast_in_dim3A_1632, %reduce_min3A_1633 [1] : vector<1x128xi32> to vector<1xi32>
      %broadcast_in_dim3A_1635 = vector.shape_cast %reduce_min3A_1634 : vector<1xi32> to vector<1x1xi32>
      %eq3A_1636 = arith.constant 0 : i32
      %eq3A_1637 = vector.broadcast %eq3A_1636 : i32 to vector<8x128xi32>
      %eq3A_1638 = arith.cmpi eq, %iota3A_3, %eq3A_1637 : vector<8x128xi32>
      %eq3A_1639 = arith.constant 1 : i32
      %eq3A_1640 = vector.broadcast %eq3A_1639 : i32 to vector<8x128xi32>
      %eq3A_1641 = arith.cmpi eq, %iota3A_3, %eq3A_1640 : vector<8x128xi32>
      %broadcast_in_dim3A_1642 = vector.shape_cast %broadcast_in_dim3A_1586 : vector<1x1xf32> to vector<1x1xf32>
      %broadcast_in_dim3A_1643 = vector.broadcast %broadcast_in_dim3A_1642 : vector<1x1xf32> to vector<8x128xf32>
      %broadcast_in_dim3A_1644 = vector.shape_cast %broadcast_in_dim3A_1595 : vector<1x1xf32> to vector<1x1xf32>
      %broadcast_in_dim3A_1645 = vector.broadcast %broadcast_in_dim3A_1644 : vector<1x1xf32> to vector<8x128xf32>
      %select_n3A_1646 = arith.select %eq3A_1641, %broadcast_in_dim3A_1643, %broadcast_in_dim3A_1645 : vector<8x128xi1>, vector<8x128xf32>
      %broadcast_in_dim3A_1647 = vector.shape_cast %broadcast_in_dim3A_1577 : vector<1x1xf32> to vector<1x1xf32>
      %broadcast_in_dim3A_1648 = vector.broadcast %broadcast_in_dim3A_1647 : vector<1x1xf32> to vector<8x128xf32>
      %select_n3A_1649 = arith.select %eq3A_1638, %broadcast_in_dim3A_1648, %select_n3A_1646 : vector<8x128xi1>, vector<8x128xf32>
      %eq3A_1650 = vector.broadcast %scan3A_46 : i32 to vector<8x128xi32>
      %eq3A_1651 = arith.cmpi eq, %iota3A_4, %eq3A_1650 : vector<8x128xi32>
      %get3A_1652 = arith.constant 13 : index
      %get3A_1653 = arith.constant 0 : index
      %get3A_1654 = arith.constant 0 : index
      %get3A_1655 = vector.load %arg1[%get3A_1652, %get3A_1653, %get3A_1654] : memref<16x8x128xf32, #tpu.memory_space<vmem>>, vector<1x8x128xf32>
      %get3A_1656 = vector.shape_cast %get3A_1655 : vector<1x8x128xf32> to vector<8x128xf32>
      %select_n3A_1657 = arith.select %eq3A_1651, %select_n3A_1649, %get3A_1656 : vector<8x128xi1>, vector<8x128xf32>
      %swap3A_1658 = arith.constant 13 : index
      %swap3A_1659 = arith.constant 0 : index
      %swap3A_1660 = arith.constant 0 : index
      %swap3A_1661 = vector.load %arg1[%swap3A_1658, %swap3A_1659, %swap3A_1660] : memref<16x8x128xf32, #tpu.memory_space<vmem>>, vector<1x8x128xf32>
      %swap3A_1662 = vector.shape_cast %swap3A_1661 : vector<1x8x128xf32> to vector<8x128xf32>
      %swap3A_1663 = vector.shape_cast %select_n3A_1657 : vector<8x128xf32> to vector<1x8x128xf32>
      tpu.vector_store %arg1[%swap3A_1658, %swap3A_1659, %swap3A_1660], %swap3A_1663 {strides = array<i32>} : memref<16x8x128xf32, #tpu.memory_space<vmem>>, vector<1x8x128xf32>,
      %get3A_1664 = arith.constant 14 : index
      %get3A_1665 = arith.constant 0 : index
      %get3A_1666 = arith.constant 0 : index
      %get3A_1667 = arith.constant 0 : index
      %get3A_1668 = vector.load %arg0[%get3A_1664, %get3A_1665, %get3A_1666, %get3A_1667] : memref<16x3x64x128xf32, #tpu.memory_space<vmem>>, vector<1x1x64x128xf32>
      %get3A_1669 = vector.shape_cast %get3A_1668 : vector<1x1x64x128xf32> to vector<64x128xf32>
      %get3A_1670 = arith.constant 14 : index
      %get3A_1671 = arith.constant 1 : index
      %get3A_1672 = arith.constant 0 : index
      %get3A_1673 = arith.constant 0 : index
      %get3A_1674 = vector.load %arg0[%get3A_1670, %get3A_1671, %get3A_1672, %get3A_1673] : memref<16x3x64x128xf32, #tpu.memory_space<vmem>>, vector<1x1x64x128xf32>
      %get3A_1675 = vector.shape_cast %get3A_1674 : vector<1x1x64x128xf32> to vector<64x128xf32>
      %get3A_1676 = arith.constant 14 : index
      %get3A_1677 = arith.constant 2 : index
      %get3A_1678 = arith.constant 0 : index
      %get3A_1679 = arith.constant 0 : index
      %get3A_1680 = vector.load %arg0[%get3A_1676, %get3A_1677, %get3A_1678, %get3A_1679] : memref<16x3x64x128xf32, #tpu.memory_space<vmem>>, vector<1x1x64x128xf32>
      %get3A_1681 = vector.shape_cast %get3A_1680 : vector<1x1x64x128xf32> to vector<64x128xf32>
      %eq3A_1682 = vector.broadcast %scan3A_61 : vector<1x1xi32> to vector<64x128xi32>
      %eq3A_1683 = arith.cmpi eq, %add3A, %eq3A_1682 : vector<64x128xi32>
      %jit3A_1684 = arith.constant 0.000000e+00 : f32
      %broadcast_in_dim3A_1685 = vector.broadcast %jit3A_1684 : f32 to vector<64x128xf32>
      %select_n3A_1686 = arith.select %eq3A_1683, %get3A_1669, %broadcast_in_dim3A_1685 : vector<64x128xi1>, vector<64x128xf32>
      %reduce_sum3A_1687 = arith.constant dense<0.000000e+00> : vector<128xf32>
      %reduce_sum3A_1688 = vector.multi_reduction <add>, %select_n3A_1686, %reduce_sum3A_1687 [0] : vector<64x128xf32> to vector<128xf32>
      %broadcast_in_dim3A_1689 = vector.shape_cast %reduce_sum3A_1688 : vector<128xf32> to vector<1x128xf32>
      %reduce_sum3A_1690 = arith.constant dense<0.000000e+00> : vector<1xf32>
      %reduce_sum3A_1691 = vector.multi_reduction <add>, %broadcast_in_dim3A_1689, %reduce_sum3A_1690 [1] : vector<1x128xf32> to vector<1xf32>
      %broadcast_in_dim3A_1692 = vector.shape_cast %reduce_sum3A_1691 : vector<1xf32> to vector<1x1xf32>
      %jit3A_1693 = arith.constant 0.000000e+00 : f32
      %broadcast_in_dim3A_1694 = vector.broadcast %jit3A_1693 : f32 to vector<64x128xf32>
      %select_n3A_1695 = arith.select %eq3A_1683, %get3A_1675, %broadcast_in_dim3A_1694 : vector<64x128xi1>, vector<64x128xf32>
      %reduce_sum3A_1696 = arith.constant dense<0.000000e+00> : vector<128xf32>
      %reduce_sum3A_1697 = vector.multi_reduction <add>, %select_n3A_1695, %reduce_sum3A_1696 [0] : vector<64x128xf32> to vector<128xf32>
      %broadcast_in_dim3A_1698 = vector.shape_cast %reduce_sum3A_1697 : vector<128xf32> to vector<1x128xf32>
      %reduce_sum3A_1699 = arith.constant dense<0.000000e+00> : vector<1xf32>
      %reduce_sum3A_1700 = vector.multi_reduction <add>, %broadcast_in_dim3A_1698, %reduce_sum3A_1699 [1] : vector<1x128xf32> to vector<1xf32>
      %broadcast_in_dim3A_1701 = vector.shape_cast %reduce_sum3A_1700 : vector<1xf32> to vector<1x1xf32>
      %jit3A_1702 = arith.constant 0.000000e+00 : f32
      %broadcast_in_dim3A_1703 = vector.broadcast %jit3A_1702 : f32 to vector<64x128xf32>
      %select_n3A_1704 = arith.select %eq3A_1683, %get3A_1681, %broadcast_in_dim3A_1703 : vector<64x128xi1>, vector<64x128xf32>
      %reduce_sum3A_1705 = arith.constant dense<0.000000e+00> : vector<128xf32>
      %reduce_sum3A_1706 = vector.multi_reduction <add>, %select_n3A_1704, %reduce_sum3A_1705 [0] : vector<64x128xf32> to vector<128xf32>
      %broadcast_in_dim3A_1707 = vector.shape_cast %reduce_sum3A_1706 : vector<128xf32> to vector<1x128xf32>
      %reduce_sum3A_1708 = arith.constant dense<0.000000e+00> : vector<1xf32>
      %reduce_sum3A_1709 = vector.multi_reduction <add>, %broadcast_in_dim3A_1707, %reduce_sum3A_1708 [1] : vector<1x128xf32> to vector<1xf32>
      %broadcast_in_dim3A_1710 = vector.shape_cast %reduce_sum3A_1709 : vector<1xf32> to vector<1x1xf32>
      %sub3A_1711 = vector.broadcast %broadcast_in_dim3A_1692 : vector<1x1xf32> to vector<64x128xf32>
      %sub3A_1712 = arith.subf %get3A_1669, %sub3A_1711 : vector<64x128xf32>
      %sub3A_1713 = vector.broadcast %broadcast_in_dim3A_1701 : vector<1x1xf32> to vector<64x128xf32>
      %sub3A_1714 = arith.subf %get3A_1675, %sub3A_1713 : vector<64x128xf32>
      %sub3A_1715 = vector.broadcast %broadcast_in_dim3A_1710 : vector<1x1xf32> to vector<64x128xf32>
      %sub3A_1716 = arith.subf %get3A_1681, %sub3A_1715 : vector<64x128xf32>
      %mul3A_1717 = arith.mulf %sub3A_1712, %sub3A_1712 : vector<64x128xf32>
      %mul3A_1718 = arith.mulf %sub3A_1714, %sub3A_1714 : vector<64x128xf32>
      %add3A_1719 = arith.addf %mul3A_1717, %mul3A_1718 : vector<64x128xf32>
      %mul3A_1720 = arith.mulf %sub3A_1716, %sub3A_1716 : vector<64x128xf32>
      %add3A_1721 = arith.addf %add3A_1719, %mul3A_1720 : vector<64x128xf32>
      %get3A_1722 = arith.constant 14 : index
      %get3A_1723 = arith.constant 0 : index
      %get3A_1724 = arith.constant 0 : index
      %get3A_1725 = vector.load %arg2[%get3A_1722, %get3A_1723, %get3A_1724] : memref<16x64x128xf32, #tpu.memory_space<vmem>>, vector<1x64x128xf32>
      %get3A_1726 = vector.shape_cast %get3A_1725 : vector<1x64x128xf32> to vector<64x128xf32>
      %min3A_1727 = arith.minimumf %get3A_1726, %add3A_1721 : vector<64x128xf32>
      %swap3A_1728 = arith.constant 14 : index
      %swap3A_1729 = arith.constant 0 : index
      %swap3A_1730 = arith.constant 0 : index
      %swap3A_1731 = vector.load %arg2[%swap3A_1728, %swap3A_1729, %swap3A_1730] : memref<16x64x128xf32, #tpu.memory_space<vmem>>, vector<1x64x128xf32>
      %swap3A_1732 = vector.shape_cast %swap3A_1731 : vector<1x64x128xf32> to vector<64x128xf32>
      %swap3A_1733 = vector.shape_cast %min3A_1727 : vector<64x128xf32> to vector<1x64x128xf32>
      tpu.vector_store %arg2[%swap3A_1728, %swap3A_1729, %swap3A_1730], %swap3A_1733 {strides = array<i32>} : memref<16x64x128xf32, #tpu.memory_space<vmem>>, vector<1x64x128xf32>,
      %reduce_max3A_1734 = arith.constant dense<0xFF800000> : vector<128xf32>
      %reduce_max3A_1735 = vector.multi_reduction <maximumf>, %min3A_1727, %reduce_max3A_1734 [0] : vector<64x128xf32> to vector<128xf32>
      %broadcast_in_dim3A_1736 = vector.shape_cast %reduce_max3A_1735 : vector<128xf32> to vector<1x128xf32>
      %reduce_max3A_1737 = arith.constant dense<0xFF800000> : vector<1xf32>
      %reduce_max3A_1738 = vector.multi_reduction <maximumf>, %broadcast_in_dim3A_1736, %reduce_max3A_1737 [1] : vector<1x128xf32> to vector<1xf32>
      %broadcast_in_dim3A_1739 = vector.shape_cast %reduce_max3A_1738 : vector<1xf32> to vector<1x1xf32>
      %eq3A_1740 = vector.broadcast %broadcast_in_dim3A_1739 : vector<1x1xf32> to vector<64x128xf32>
      %eq3A_1741 = arith.cmpf oeq, %min3A_1727, %eq3A_1740 : vector<64x128xf32>
      %jit3A_1742 = arith.constant 8192 : i32
      %broadcast_in_dim3A_1743 = vector.broadcast %jit3A_1742 : i32 to vector<64x128xi32>
      %select_n3A_1744 = arith.select %eq3A_1741, %add3A, %broadcast_in_dim3A_1743 : vector<64x128xi1>, vector<64x128xi32>
      %reduce_min3A_1745 = arith.constant dense<2147483647> : vector<128xi32>
      %reduce_min3A_1746 = vector.multi_reduction <minsi>, %select_n3A_1744, %reduce_min3A_1745 [0] : vector<64x128xi32> to vector<128xi32>
      %broadcast_in_dim3A_1747 = vector.shape_cast %reduce_min3A_1746 : vector<128xi32> to vector<1x128xi32>
      %reduce_min3A_1748 = arith.constant dense<2147483647> : vector<1xi32>
      %reduce_min3A_1749 = vector.multi_reduction <minsi>, %broadcast_in_dim3A_1747, %reduce_min3A_1748 [1] : vector<1x128xi32> to vector<1xi32>
      %broadcast_in_dim3A_1750 = vector.shape_cast %reduce_min3A_1749 : vector<1xi32> to vector<1x1xi32>
      %eq3A_1751 = arith.constant 0 : i32
      %eq3A_1752 = vector.broadcast %eq3A_1751 : i32 to vector<8x128xi32>
      %eq3A_1753 = arith.cmpi eq, %iota3A_3, %eq3A_1752 : vector<8x128xi32>
      %eq3A_1754 = arith.constant 1 : i32
      %eq3A_1755 = vector.broadcast %eq3A_1754 : i32 to vector<8x128xi32>
      %eq3A_1756 = arith.cmpi eq, %iota3A_3, %eq3A_1755 : vector<8x128xi32>
      %broadcast_in_dim3A_1757 = vector.shape_cast %broadcast_in_dim3A_1701 : vector<1x1xf32> to vector<1x1xf32>
      %broadcast_in_dim3A_1758 = vector.broadcast %broadcast_in_dim3A_1757 : vector<1x1xf32> to vector<8x128xf32>
      %broadcast_in_dim3A_1759 = vector.shape_cast %broadcast_in_dim3A_1710 : vector<1x1xf32> to vector<1x1xf32>
      %broadcast_in_dim3A_1760 = vector.broadcast %broadcast_in_dim3A_1759 : vector<1x1xf32> to vector<8x128xf32>
      %select_n3A_1761 = arith.select %eq3A_1756, %broadcast_in_dim3A_1758, %broadcast_in_dim3A_1760 : vector<8x128xi1>, vector<8x128xf32>
      %broadcast_in_dim3A_1762 = vector.shape_cast %broadcast_in_dim3A_1692 : vector<1x1xf32> to vector<1x1xf32>
      %broadcast_in_dim3A_1763 = vector.broadcast %broadcast_in_dim3A_1762 : vector<1x1xf32> to vector<8x128xf32>
      %select_n3A_1764 = arith.select %eq3A_1753, %broadcast_in_dim3A_1763, %select_n3A_1761 : vector<8x128xi1>, vector<8x128xf32>
      %eq3A_1765 = vector.broadcast %scan3A_46 : i32 to vector<8x128xi32>
      %eq3A_1766 = arith.cmpi eq, %iota3A_4, %eq3A_1765 : vector<8x128xi32>
      %get3A_1767 = arith.constant 14 : index
      %get3A_1768 = arith.constant 0 : index
      %get3A_1769 = arith.constant 0 : index
      %get3A_1770 = vector.load %arg1[%get3A_1767, %get3A_1768, %get3A_1769] : memref<16x8x128xf32, #tpu.memory_space<vmem>>, vector<1x8x128xf32>
      %get3A_1771 = vector.shape_cast %get3A_1770 : vector<1x8x128xf32> to vector<8x128xf32>
      %select_n3A_1772 = arith.select %eq3A_1766, %select_n3A_1764, %get3A_1771 : vector<8x128xi1>, vector<8x128xf32>
      %swap3A_1773 = arith.constant 14 : index
      %swap3A_1774 = arith.constant 0 : index
      %swap3A_1775 = arith.constant 0 : index
      %swap3A_1776 = vector.load %arg1[%swap3A_1773, %swap3A_1774, %swap3A_1775] : memref<16x8x128xf32, #tpu.memory_space<vmem>>, vector<1x8x128xf32>
      %swap3A_1777 = vector.shape_cast %swap3A_1776 : vector<1x8x128xf32> to vector<8x128xf32>
      %swap3A_1778 = vector.shape_cast %select_n3A_1772 : vector<8x128xf32> to vector<1x8x128xf32>
      tpu.vector_store %arg1[%swap3A_1773, %swap3A_1774, %swap3A_1775], %swap3A_1778 {strides = array<i32>} : memref<16x8x128xf32, #tpu.memory_space<vmem>>, vector<1x8x128xf32>,
      %get3A_1779 = arith.constant 15 : index
      %get3A_1780 = arith.constant 0 : index
      %get3A_1781 = arith.constant 0 : index
      %get3A_1782 = arith.constant 0 : index
      %get3A_1783 = vector.load %arg0[%get3A_1779, %get3A_1780, %get3A_1781, %get3A_1782] : memref<16x3x64x128xf32, #tpu.memory_space<vmem>>, vector<1x1x64x128xf32>
      %get3A_1784 = vector.shape_cast %get3A_1783 : vector<1x1x64x128xf32> to vector<64x128xf32>
      %get3A_1785 = arith.constant 15 : index
      %get3A_1786 = arith.constant 1 : index
      %get3A_1787 = arith.constant 0 : index
      %get3A_1788 = arith.constant 0 : index
      %get3A_1789 = vector.load %arg0[%get3A_1785, %get3A_1786, %get3A_1787, %get3A_1788] : memref<16x3x64x128xf32, #tpu.memory_space<vmem>>, vector<1x1x64x128xf32>
      %get3A_1790 = vector.shape_cast %get3A_1789 : vector<1x1x64x128xf32> to vector<64x128xf32>
      %get3A_1791 = arith.constant 15 : index
      %get3A_1792 = arith.constant 2 : index
      %get3A_1793 = arith.constant 0 : index
      %get3A_1794 = arith.constant 0 : index
      %get3A_1795 = vector.load %arg0[%get3A_1791, %get3A_1792, %get3A_1793, %get3A_1794] : memref<16x3x64x128xf32, #tpu.memory_space<vmem>>, vector<1x1x64x128xf32>
      %get3A_1796 = vector.shape_cast %get3A_1795 : vector<1x1x64x128xf32> to vector<64x128xf32>
      %eq3A_1797 = vector.broadcast %scan3A_62 : vector<1x1xi32> to vector<64x128xi32>
      %eq3A_1798 = arith.cmpi eq, %add3A, %eq3A_1797 : vector<64x128xi32>
      %jit3A_1799 = arith.constant 0.000000e+00 : f32
      %broadcast_in_dim3A_1800 = vector.broadcast %jit3A_1799 : f32 to vector<64x128xf32>
      %select_n3A_1801 = arith.select %eq3A_1798, %get3A_1784, %broadcast_in_dim3A_1800 : vector<64x128xi1>, vector<64x128xf32>
      %reduce_sum3A_1802 = arith.constant dense<0.000000e+00> : vector<128xf32>
      %reduce_sum3A_1803 = vector.multi_reduction <add>, %select_n3A_1801, %reduce_sum3A_1802 [0] : vector<64x128xf32> to vector<128xf32>
      %broadcast_in_dim3A_1804 = vector.shape_cast %reduce_sum3A_1803 : vector<128xf32> to vector<1x128xf32>
      %reduce_sum3A_1805 = arith.constant dense<0.000000e+00> : vector<1xf32>
      %reduce_sum3A_1806 = vector.multi_reduction <add>, %broadcast_in_dim3A_1804, %reduce_sum3A_1805 [1] : vector<1x128xf32> to vector<1xf32>
      %broadcast_in_dim3A_1807 = vector.shape_cast %reduce_sum3A_1806 : vector<1xf32> to vector<1x1xf32>
      %jit3A_1808 = arith.constant 0.000000e+00 : f32
      %broadcast_in_dim3A_1809 = vector.broadcast %jit3A_1808 : f32 to vector<64x128xf32>
      %select_n3A_1810 = arith.select %eq3A_1798, %get3A_1790, %broadcast_in_dim3A_1809 : vector<64x128xi1>, vector<64x128xf32>
      %reduce_sum3A_1811 = arith.constant dense<0.000000e+00> : vector<128xf32>
      %reduce_sum3A_1812 = vector.multi_reduction <add>, %select_n3A_1810, %reduce_sum3A_1811 [0] : vector<64x128xf32> to vector<128xf32>
      %broadcast_in_dim3A_1813 = vector.shape_cast %reduce_sum3A_1812 : vector<128xf32> to vector<1x128xf32>
      %reduce_sum3A_1814 = arith.constant dense<0.000000e+00> : vector<1xf32>
      %reduce_sum3A_1815 = vector.multi_reduction <add>, %broadcast_in_dim3A_1813, %reduce_sum3A_1814 [1] : vector<1x128xf32> to vector<1xf32>
      %broadcast_in_dim3A_1816 = vector.shape_cast %reduce_sum3A_1815 : vector<1xf32> to vector<1x1xf32>
      %jit3A_1817 = arith.constant 0.000000e+00 : f32
      %broadcast_in_dim3A_1818 = vector.broadcast %jit3A_1817 : f32 to vector<64x128xf32>
      %select_n3A_1819 = arith.select %eq3A_1798, %get3A_1796, %broadcast_in_dim3A_1818 : vector<64x128xi1>, vector<64x128xf32>
      %reduce_sum3A_1820 = arith.constant dense<0.000000e+00> : vector<128xf32>
      %reduce_sum3A_1821 = vector.multi_reduction <add>, %select_n3A_1819, %reduce_sum3A_1820 [0] : vector<64x128xf32> to vector<128xf32>
      %broadcast_in_dim3A_1822 = vector.shape_cast %reduce_sum3A_1821 : vector<128xf32> to vector<1x128xf32>
      %reduce_sum3A_1823 = arith.constant dense<0.000000e+00> : vector<1xf32>
      %reduce_sum3A_1824 = vector.multi_reduction <add>, %broadcast_in_dim3A_1822, %reduce_sum3A_1823 [1] : vector<1x128xf32> to vector<1xf32>
      %broadcast_in_dim3A_1825 = vector.shape_cast %reduce_sum3A_1824 : vector<1xf32> to vector<1x1xf32>
      %sub3A_1826 = vector.broadcast %broadcast_in_dim3A_1807 : vector<1x1xf32> to vector<64x128xf32>
      %sub3A_1827 = arith.subf %get3A_1784, %sub3A_1826 : vector<64x128xf32>
      %sub3A_1828 = vector.broadcast %broadcast_in_dim3A_1816 : vector<1x1xf32> to vector<64x128xf32>
      %sub3A_1829 = arith.subf %get3A_1790, %sub3A_1828 : vector<64x128xf32>
      %sub3A_1830 = vector.broadcast %broadcast_in_dim3A_1825 : vector<1x1xf32> to vector<64x128xf32>
      %sub3A_1831 = arith.subf %get3A_1796, %sub3A_1830 : vector<64x128xf32>
      %mul3A_1832 = arith.mulf %sub3A_1827, %sub3A_1827 : vector<64x128xf32>
      %mul3A_1833 = arith.mulf %sub3A_1829, %sub3A_1829 : vector<64x128xf32>
      %add3A_1834 = arith.addf %mul3A_1832, %mul3A_1833 : vector<64x128xf32>
      %mul3A_1835 = arith.mulf %sub3A_1831, %sub3A_1831 : vector<64x128xf32>
      %add3A_1836 = arith.addf %add3A_1834, %mul3A_1835 : vector<64x128xf32>
      %get3A_1837 = arith.constant 15 : index
      %get3A_1838 = arith.constant 0 : index
      %get3A_1839 = arith.constant 0 : index
      %get3A_1840 = vector.load %arg2[%get3A_1837, %get3A_1838, %get3A_1839] : memref<16x64x128xf32, #tpu.memory_space<vmem>>, vector<1x64x128xf32>
      %get3A_1841 = vector.shape_cast %get3A_1840 : vector<1x64x128xf32> to vector<64x128xf32>
      %min3A_1842 = arith.minimumf %get3A_1841, %add3A_1836 : vector<64x128xf32>
      %swap3A_1843 = arith.constant 15 : index
      %swap3A_1844 = arith.constant 0 : index
      %swap3A_1845 = arith.constant 0 : index
      %swap3A_1846 = vector.load %arg2[%swap3A_1843, %swap3A_1844, %swap3A_1845] : memref<16x64x128xf32, #tpu.memory_space<vmem>>, vector<1x64x128xf32>
      %swap3A_1847 = vector.shape_cast %swap3A_1846 : vector<1x64x128xf32> to vector<64x128xf32>
      %swap3A_1848 = vector.shape_cast %min3A_1842 : vector<64x128xf32> to vector<1x64x128xf32>
      tpu.vector_store %arg2[%swap3A_1843, %swap3A_1844, %swap3A_1845], %swap3A_1848 {strides = array<i32>} : memref<16x64x128xf32, #tpu.memory_space<vmem>>, vector<1x64x128xf32>,
      %reduce_max3A_1849 = arith.constant dense<0xFF800000> : vector<128xf32>
      %reduce_max3A_1850 = vector.multi_reduction <maximumf>, %min3A_1842, %reduce_max3A_1849 [0] : vector<64x128xf32> to vector<128xf32>
      %broadcast_in_dim3A_1851 = vector.shape_cast %reduce_max3A_1850 : vector<128xf32> to vector<1x128xf32>
      %reduce_max3A_1852 = arith.constant dense<0xFF800000> : vector<1xf32>
      %reduce_max3A_1853 = vector.multi_reduction <maximumf>, %broadcast_in_dim3A_1851, %reduce_max3A_1852 [1] : vector<1x128xf32> to vector<1xf32>
      %broadcast_in_dim3A_1854 = vector.shape_cast %reduce_max3A_1853 : vector<1xf32> to vector<1x1xf32>
      %eq3A_1855 = vector.broadcast %broadcast_in_dim3A_1854 : vector<1x1xf32> to vector<64x128xf32>
      %eq3A_1856 = arith.cmpf oeq, %min3A_1842, %eq3A_1855 : vector<64x128xf32>
      %jit3A_1857 = arith.constant 8192 : i32
      %broadcast_in_dim3A_1858 = vector.broadcast %jit3A_1857 : i32 to vector<64x128xi32>
      %select_n3A_1859 = arith.select %eq3A_1856, %add3A, %broadcast_in_dim3A_1858 : vector<64x128xi1>, vector<64x128xi32>
      %reduce_min3A_1860 = arith.constant dense<2147483647> : vector<128xi32>
      %reduce_min3A_1861 = vector.multi_reduction <minsi>, %select_n3A_1859, %reduce_min3A_1860 [0] : vector<64x128xi32> to vector<128xi32>
      %broadcast_in_dim3A_1862 = vector.shape_cast %reduce_min3A_1861 : vector<128xi32> to vector<1x128xi32>
      %reduce_min3A_1863 = arith.constant dense<2147483647> : vector<1xi32>
      %reduce_min3A_1864 = vector.multi_reduction <minsi>, %broadcast_in_dim3A_1862, %reduce_min3A_1863 [1] : vector<1x128xi32> to vector<1xi32>
      %broadcast_in_dim3A_1865 = vector.shape_cast %reduce_min3A_1864 : vector<1xi32> to vector<1x1xi32>
      %eq3A_1866 = arith.constant 0 : i32
      %eq3A_1867 = vector.broadcast %eq3A_1866 : i32 to vector<8x128xi32>
      %eq3A_1868 = arith.cmpi eq, %iota3A_3, %eq3A_1867 : vector<8x128xi32>
      %eq3A_1869 = arith.constant 1 : i32
      %eq3A_1870 = vector.broadcast %eq3A_1869 : i32 to vector<8x128xi32>
      %eq3A_1871 = arith.cmpi eq, %iota3A_3, %eq3A_1870 : vector<8x128xi32>
      %broadcast_in_dim3A_1872 = vector.shape_cast %broadcast_in_dim3A_1816 : vector<1x1xf32> to vector<1x1xf32>
      %broadcast_in_dim3A_1873 = vector.broadcast %broadcast_in_dim3A_1872 : vector<1x1xf32> to vector<8x128xf32>
      %broadcast_in_dim3A_1874 = vector.shape_cast %broadcast_in_dim3A_1825 : vector<1x1xf32> to vector<1x1xf32>
      %broadcast_in_dim3A_1875 = vector.broadcast %broadcast_in_dim3A_1874 : vector<1x1xf32> to vector<8x128xf32>
      %select_n3A_1876 = arith.select %eq3A_1871, %broadcast_in_dim3A_1873, %broadcast_in_dim3A_1875 : vector<8x128xi1>, vector<8x128xf32>
      %broadcast_in_dim3A_1877 = vector.shape_cast %broadcast_in_dim3A_1807 : vector<1x1xf32> to vector<1x1xf32>
      %broadcast_in_dim3A_1878 = vector.broadcast %broadcast_in_dim3A_1877 : vector<1x1xf32> to vector<8x128xf32>
      %select_n3A_1879 = arith.select %eq3A_1868, %broadcast_in_dim3A_1878, %select_n3A_1876 : vector<8x128xi1>, vector<8x128xf32>
      %eq3A_1880 = vector.broadcast %scan3A_46 : i32 to vector<8x128xi32>
      %eq3A_1881 = arith.cmpi eq, %iota3A_4, %eq3A_1880 : vector<8x128xi32>
      %get3A_1882 = arith.constant 15 : index
      %get3A_1883 = arith.constant 0 : index
      %get3A_1884 = arith.constant 0 : index
      %get3A_1885 = vector.load %arg1[%get3A_1882, %get3A_1883, %get3A_1884] : memref<16x8x128xf32, #tpu.memory_space<vmem>>, vector<1x8x128xf32>
      %get3A_1886 = vector.shape_cast %get3A_1885 : vector<1x8x128xf32> to vector<8x128xf32>
      %select_n3A_1887 = arith.select %eq3A_1881, %select_n3A_1879, %get3A_1886 : vector<8x128xi1>, vector<8x128xf32>
      %swap3A_1888 = arith.constant 15 : index
      %swap3A_1889 = arith.constant 0 : index
      %swap3A_1890 = arith.constant 0 : index
      %swap3A_1891 = vector.load %arg1[%swap3A_1888, %swap3A_1889, %swap3A_1890] : memref<16x8x128xf32, #tpu.memory_space<vmem>>, vector<1x8x128xf32>
      %swap3A_1892 = vector.shape_cast %swap3A_1891 : vector<1x8x128xf32> to vector<8x128xf32>
      %swap3A_1893 = vector.shape_cast %select_n3A_1887 : vector<8x128xf32> to vector<1x8x128xf32>
      tpu.vector_store %arg1[%swap3A_1888, %swap3A_1889, %swap3A_1890], %swap3A_1893 {strides = array<i32>} : memref<16x8x128xf32, #tpu.memory_space<vmem>>, vector<1x8x128xf32>,
      scf.yield %broadcast_in_dim3A_140, %broadcast_in_dim3A_255, %broadcast_in_dim3A_370, %broadcast_in_dim3A_485, %broadcast_in_dim3A_600, %broadcast_in_dim3A_715, %broadcast_in_dim3A_830, %broadcast_in_dim3A_945, %broadcast_in_dim3A_1060, %broadcast_in_dim3A_1175, %broadcast_in_dim3A_1290, %broadcast_in_dim3A_1405, %broadcast_in_dim3A_1520, %broadcast_in_dim3A_1635, %broadcast_in_dim3A_1750, %broadcast_in_dim3A_1865 : vector<1x1xi32>, vector<1x1xi32>, vector<1x1xi32>, vector<1x1xi32>, vector<1x1xi32>, vector<1x1xi32>, vector<1x1xi32>, vector<1x1xi32>, vector<1x1xi32>, vector<1x1xi32>, vector<1x1xi32>, vector<1x1xi32>, vector<1x1xi32>, vector<1x1xi32>, vector<1x1xi32>, vector<1x1xi32>
    }
    %scan3A_45 = arith.constant 128 : i32
    return
  }
}

module attributes {stable_mosaic.version = 14 : i64} {
  func.func @_topk_body(%arg0: i32, %arg1: memref<4x8x8192xf32, #tpu.memory_space<vmem>>, %arg2: memref<4x128x8xf32, #tpu.memory_space<vmem>>, %arg3: memref<4x128x32xi32, #tpu.memory_space<vmem>>, %arg4: memref<4x128x8192xf32, #tpu.memory_space<vmem>>) attributes {dimension_semantics = [#tpu.dimension_semantics<arbitrary>], iteration_bounds = array<i64: 4>, scalar_prefetch = 0 : i64, scratch_operands = 1 : i64, tpu.core_type = #tpu.core_type<tc>, window_params = [{transform_indices = @transform_0, window_bounds = array<i64: 4, 8, 8192>}, {transform_indices = @transform_1, window_bounds = array<i64: 4, 128, 8>}, {transform_indices = @transform_2, window_bounds = array<i64: 4, 128, 32>}]} {
    %get3A = arith.constant 0 : index
    %get3A_0 = arith.constant 0 : index
    %get3A_1 = arith.constant 0 : index
    %get3A_2 = vector.load %arg2[%get3A, %get3A_0, %get3A_1] : memref<4x128x8xf32, #tpu.memory_space<vmem>>, vector<1x128x1xf32>
    %get3A_3 = vector.shape_cast %get3A_2 : vector<1x128x1xf32> to vector<128x1xf32>
    %get3A_4 = arith.constant 0 : index
    %get3A_5 = arith.constant 0 : index
    %get3A_6 = arith.constant 1 : index
    %get3A_7 = vector.load %arg2[%get3A_4, %get3A_5, %get3A_6] : memref<4x128x8xf32, #tpu.memory_space<vmem>>, vector<1x128x1xf32>
    %get3A_8 = vector.shape_cast %get3A_7 : vector<1x128x1xf32> to vector<128x1xf32>
    %get3A_9 = arith.constant 0 : index
    %get3A_10 = arith.constant 0 : index
    %get3A_11 = arith.constant 2 : index
    %get3A_12 = vector.load %arg2[%get3A_9, %get3A_10, %get3A_11] : memref<4x128x8xf32, #tpu.memory_space<vmem>>, vector<1x128x1xf32>
    %get3A_13 = vector.shape_cast %get3A_12 : vector<1x128x1xf32> to vector<128x1xf32>
    %get3A_14 = arith.constant 0 : index
    %get3A_15 = arith.constant 0 : index
    %get3A_16 = arith.constant 0 : index
    %get3A_17 = vector.load %arg1[%get3A_14, %get3A_15, %get3A_16] : memref<4x8x8192xf32, #tpu.memory_space<vmem>>, vector<1x1x8192xf32>
    %get3A_18 = vector.shape_cast %get3A_17 : vector<1x1x8192xf32> to vector<1x8192xf32>
    %get3A_19 = arith.constant 0 : index
    %get3A_20 = arith.constant 1 : index
    %get3A_21 = arith.constant 0 : index
    %get3A_22 = vector.load %arg1[%get3A_19, %get3A_20, %get3A_21] : memref<4x8x8192xf32, #tpu.memory_space<vmem>>, vector<1x1x8192xf32>
    %get3A_23 = vector.shape_cast %get3A_22 : vector<1x1x8192xf32> to vector<1x8192xf32>
    %get3A_24 = arith.constant 0 : index
    %get3A_25 = arith.constant 2 : index
    %get3A_26 = arith.constant 0 : index
    %get3A_27 = vector.load %arg1[%get3A_24, %get3A_25, %get3A_26] : memref<4x8x8192xf32, #tpu.memory_space<vmem>>, vector<1x1x8192xf32>
    %get3A_28 = vector.shape_cast %get3A_27 : vector<1x1x8192xf32> to vector<1x8192xf32>
    %sub3A = vector.broadcast %get3A_3 : vector<128x1xf32> to vector<128x8192xf32>
    %sub3A_29 = vector.broadcast %get3A_18 : vector<1x8192xf32> to vector<128x8192xf32>
    %sub3A_30 = arith.subf %sub3A, %sub3A_29 : vector<128x8192xf32>
    %sub3A_31 = vector.broadcast %get3A_8 : vector<128x1xf32> to vector<128x8192xf32>
    %sub3A_32 = vector.broadcast %get3A_23 : vector<1x8192xf32> to vector<128x8192xf32>
    %sub3A_33 = arith.subf %sub3A_31, %sub3A_32 : vector<128x8192xf32>
    %sub3A_34 = vector.broadcast %get3A_13 : vector<128x1xf32> to vector<128x8192xf32>
    %sub3A_35 = vector.broadcast %get3A_28 : vector<1x8192xf32> to vector<128x8192xf32>
    %sub3A_36 = arith.subf %sub3A_34, %sub3A_35 : vector<128x8192xf32>
    %mul3A = arith.mulf %sub3A_30, %sub3A_30 : vector<128x8192xf32>
    %mul3A_37 = arith.mulf %sub3A_33, %sub3A_33 : vector<128x8192xf32>
    %add3A = arith.addf %mul3A, %mul3A_37 : vector<128x8192xf32>
    %mul3A_38 = arith.mulf %sub3A_36, %sub3A_36 : vector<128x8192xf32>
    %add3A_39 = arith.addf %add3A, %mul3A_38 : vector<128x8192xf32>
    %sqrt3A = math.sqrt %add3A_39 : vector<128x8192xf32>
    %swap3A = arith.constant 0 : index
    %swap3A_40 = arith.constant 0 : index
    %swap3A_41 = arith.constant 0 : index
    %swap3A_42 = vector.load %arg4[%swap3A, %swap3A_40, %swap3A_41] : memref<4x128x8192xf32, #tpu.memory_space<vmem>>, vector<1x128x8192xf32>
    %swap3A_43 = vector.shape_cast %swap3A_42 : vector<1x128x8192xf32> to vector<128x8192xf32>
    %swap3A_44 = vector.shape_cast %sqrt3A : vector<128x8192xf32> to vector<1x128x8192xf32>
    tpu.vector_store %arg4[%swap3A, %swap3A_40, %swap3A_41], %swap3A_44 {strides = array<i32>} : memref<4x128x8192xf32, #tpu.memory_space<vmem>>, vector<1x128x8192xf32>,
    %get3A_45 = arith.constant 1 : index
    %get3A_46 = arith.constant 0 : index
    %get3A_47 = arith.constant 0 : index
    %get3A_48 = vector.load %arg2[%get3A_45, %get3A_46, %get3A_47] : memref<4x128x8xf32, #tpu.memory_space<vmem>>, vector<1x128x1xf32>
    %get3A_49 = vector.shape_cast %get3A_48 : vector<1x128x1xf32> to vector<128x1xf32>
    %get3A_50 = arith.constant 1 : index
    %get3A_51 = arith.constant 0 : index
    %get3A_52 = arith.constant 1 : index
    %get3A_53 = vector.load %arg2[%get3A_50, %get3A_51, %get3A_52] : memref<4x128x8xf32, #tpu.memory_space<vmem>>, vector<1x128x1xf32>
    %get3A_54 = vector.shape_cast %get3A_53 : vector<1x128x1xf32> to vector<128x1xf32>
    %get3A_55 = arith.constant 1 : index
    %get3A_56 = arith.constant 0 : index
    %get3A_57 = arith.constant 2 : index
    %get3A_58 = vector.load %arg2[%get3A_55, %get3A_56, %get3A_57] : memref<4x128x8xf32, #tpu.memory_space<vmem>>, vector<1x128x1xf32>
    %get3A_59 = vector.shape_cast %get3A_58 : vector<1x128x1xf32> to vector<128x1xf32>
    %get3A_60 = arith.constant 1 : index
    %get3A_61 = arith.constant 0 : index
    %get3A_62 = arith.constant 0 : index
    %get3A_63 = vector.load %arg1[%get3A_60, %get3A_61, %get3A_62] : memref<4x8x8192xf32, #tpu.memory_space<vmem>>, vector<1x1x8192xf32>
    %get3A_64 = vector.shape_cast %get3A_63 : vector<1x1x8192xf32> to vector<1x8192xf32>
    %get3A_65 = arith.constant 1 : index
    %get3A_66 = arith.constant 1 : index
    %get3A_67 = arith.constant 0 : index
    %get3A_68 = vector.load %arg1[%get3A_65, %get3A_66, %get3A_67] : memref<4x8x8192xf32, #tpu.memory_space<vmem>>, vector<1x1x8192xf32>
    %get3A_69 = vector.shape_cast %get3A_68 : vector<1x1x8192xf32> to vector<1x8192xf32>
    %get3A_70 = arith.constant 1 : index
    %get3A_71 = arith.constant 2 : index
    %get3A_72 = arith.constant 0 : index
    %get3A_73 = vector.load %arg1[%get3A_70, %get3A_71, %get3A_72] : memref<4x8x8192xf32, #tpu.memory_space<vmem>>, vector<1x1x8192xf32>
    %get3A_74 = vector.shape_cast %get3A_73 : vector<1x1x8192xf32> to vector<1x8192xf32>
    %sub3A_75 = vector.broadcast %get3A_49 : vector<128x1xf32> to vector<128x8192xf32>
    %sub3A_76 = vector.broadcast %get3A_64 : vector<1x8192xf32> to vector<128x8192xf32>
    %sub3A_77 = arith.subf %sub3A_75, %sub3A_76 : vector<128x8192xf32>
    %sub3A_78 = vector.broadcast %get3A_54 : vector<128x1xf32> to vector<128x8192xf32>
    %sub3A_79 = vector.broadcast %get3A_69 : vector<1x8192xf32> to vector<128x8192xf32>
    %sub3A_80 = arith.subf %sub3A_78, %sub3A_79 : vector<128x8192xf32>
    %sub3A_81 = vector.broadcast %get3A_59 : vector<128x1xf32> to vector<128x8192xf32>
    %sub3A_82 = vector.broadcast %get3A_74 : vector<1x8192xf32> to vector<128x8192xf32>
    %sub3A_83 = arith.subf %sub3A_81, %sub3A_82 : vector<128x8192xf32>
    %mul3A_84 = arith.mulf %sub3A_77, %sub3A_77 : vector<128x8192xf32>
    %mul3A_85 = arith.mulf %sub3A_80, %sub3A_80 : vector<128x8192xf32>
    %add3A_86 = arith.addf %mul3A_84, %mul3A_85 : vector<128x8192xf32>
    %mul3A_87 = arith.mulf %sub3A_83, %sub3A_83 : vector<128x8192xf32>
    %add3A_88 = arith.addf %add3A_86, %mul3A_87 : vector<128x8192xf32>
    %sqrt3A_89 = math.sqrt %add3A_88 : vector<128x8192xf32>
    %swap3A_90 = arith.constant 1 : index
    %swap3A_91 = arith.constant 0 : index
    %swap3A_92 = arith.constant 0 : index
    %swap3A_93 = vector.load %arg4[%swap3A_90, %swap3A_91, %swap3A_92] : memref<4x128x8192xf32, #tpu.memory_space<vmem>>, vector<1x128x8192xf32>
    %swap3A_94 = vector.shape_cast %swap3A_93 : vector<1x128x8192xf32> to vector<128x8192xf32>
    %swap3A_95 = vector.shape_cast %sqrt3A_89 : vector<128x8192xf32> to vector<1x128x8192xf32>
    tpu.vector_store %arg4[%swap3A_90, %swap3A_91, %swap3A_92], %swap3A_95 {strides = array<i32>} : memref<4x128x8192xf32, #tpu.memory_space<vmem>>, vector<1x128x8192xf32>,
    %get3A_96 = arith.constant 2 : index
    %get3A_97 = arith.constant 0 : index
    %get3A_98 = arith.constant 0 : index
    %get3A_99 = vector.load %arg2[%get3A_96, %get3A_97, %get3A_98] : memref<4x128x8xf32, #tpu.memory_space<vmem>>, vector<1x128x1xf32>
    %get3A_100 = vector.shape_cast %get3A_99 : vector<1x128x1xf32> to vector<128x1xf32>
    %get3A_101 = arith.constant 2 : index
    %get3A_102 = arith.constant 0 : index
    %get3A_103 = arith.constant 1 : index
    %get3A_104 = vector.load %arg2[%get3A_101, %get3A_102, %get3A_103] : memref<4x128x8xf32, #tpu.memory_space<vmem>>, vector<1x128x1xf32>
    %get3A_105 = vector.shape_cast %get3A_104 : vector<1x128x1xf32> to vector<128x1xf32>
    %get3A_106 = arith.constant 2 : index
    %get3A_107 = arith.constant 0 : index
    %get3A_108 = arith.constant 2 : index
    %get3A_109 = vector.load %arg2[%get3A_106, %get3A_107, %get3A_108] : memref<4x128x8xf32, #tpu.memory_space<vmem>>, vector<1x128x1xf32>
    %get3A_110 = vector.shape_cast %get3A_109 : vector<1x128x1xf32> to vector<128x1xf32>
    %get3A_111 = arith.constant 2 : index
    %get3A_112 = arith.constant 0 : index
    %get3A_113 = arith.constant 0 : index
    %get3A_114 = vector.load %arg1[%get3A_111, %get3A_112, %get3A_113] : memref<4x8x8192xf32, #tpu.memory_space<vmem>>, vector<1x1x8192xf32>
    %get3A_115 = vector.shape_cast %get3A_114 : vector<1x1x8192xf32> to vector<1x8192xf32>
    %get3A_116 = arith.constant 2 : index
    %get3A_117 = arith.constant 1 : index
    %get3A_118 = arith.constant 0 : index
    %get3A_119 = vector.load %arg1[%get3A_116, %get3A_117, %get3A_118] : memref<4x8x8192xf32, #tpu.memory_space<vmem>>, vector<1x1x8192xf32>
    %get3A_120 = vector.shape_cast %get3A_119 : vector<1x1x8192xf32> to vector<1x8192xf32>
    %get3A_121 = arith.constant 2 : index
    %get3A_122 = arith.constant 2 : index
    %get3A_123 = arith.constant 0 : index
    %get3A_124 = vector.load %arg1[%get3A_121, %get3A_122, %get3A_123] : memref<4x8x8192xf32, #tpu.memory_space<vmem>>, vector<1x1x8192xf32>
    %get3A_125 = vector.shape_cast %get3A_124 : vector<1x1x8192xf32> to vector<1x8192xf32>
    %sub3A_126 = vector.broadcast %get3A_100 : vector<128x1xf32> to vector<128x8192xf32>
    %sub3A_127 = vector.broadcast %get3A_115 : vector<1x8192xf32> to vector<128x8192xf32>
    %sub3A_128 = arith.subf %sub3A_126, %sub3A_127 : vector<128x8192xf32>
    %sub3A_129 = vector.broadcast %get3A_105 : vector<128x1xf32> to vector<128x8192xf32>
    %sub3A_130 = vector.broadcast %get3A_120 : vector<1x8192xf32> to vector<128x8192xf32>
    %sub3A_131 = arith.subf %sub3A_129, %sub3A_130 : vector<128x8192xf32>
    %sub3A_132 = vector.broadcast %get3A_110 : vector<128x1xf32> to vector<128x8192xf32>
    %sub3A_133 = vector.broadcast %get3A_125 : vector<1x8192xf32> to vector<128x8192xf32>
    %sub3A_134 = arith.subf %sub3A_132, %sub3A_133 : vector<128x8192xf32>
    %mul3A_135 = arith.mulf %sub3A_128, %sub3A_128 : vector<128x8192xf32>
    %mul3A_136 = arith.mulf %sub3A_131, %sub3A_131 : vector<128x8192xf32>
    %add3A_137 = arith.addf %mul3A_135, %mul3A_136 : vector<128x8192xf32>
    %mul3A_138 = arith.mulf %sub3A_134, %sub3A_134 : vector<128x8192xf32>
    %add3A_139 = arith.addf %add3A_137, %mul3A_138 : vector<128x8192xf32>
    %sqrt3A_140 = math.sqrt %add3A_139 : vector<128x8192xf32>
    %swap3A_141 = arith.constant 2 : index
    %swap3A_142 = arith.constant 0 : index
    %swap3A_143 = arith.constant 0 : index
    %swap3A_144 = vector.load %arg4[%swap3A_141, %swap3A_142, %swap3A_143] : memref<4x128x8192xf32, #tpu.memory_space<vmem>>, vector<1x128x8192xf32>
    %swap3A_145 = vector.shape_cast %swap3A_144 : vector<1x128x8192xf32> to vector<128x8192xf32>
    %swap3A_146 = vector.shape_cast %sqrt3A_140 : vector<128x8192xf32> to vector<1x128x8192xf32>
    tpu.vector_store %arg4[%swap3A_141, %swap3A_142, %swap3A_143], %swap3A_146 {strides = array<i32>} : memref<4x128x8192xf32, #tpu.memory_space<vmem>>, vector<1x128x8192xf32>,
    %get3A_147 = arith.constant 3 : index
    %get3A_148 = arith.constant 0 : index
    %get3A_149 = arith.constant 0 : index
    %get3A_150 = vector.load %arg2[%get3A_147, %get3A_148, %get3A_149] : memref<4x128x8xf32, #tpu.memory_space<vmem>>, vector<1x128x1xf32>
    %get3A_151 = vector.shape_cast %get3A_150 : vector<1x128x1xf32> to vector<128x1xf32>
    %get3A_152 = arith.constant 3 : index
    %get3A_153 = arith.constant 0 : index
    %get3A_154 = arith.constant 1 : index
    %get3A_155 = vector.load %arg2[%get3A_152, %get3A_153, %get3A_154] : memref<4x128x8xf32, #tpu.memory_space<vmem>>, vector<1x128x1xf32>
    %get3A_156 = vector.shape_cast %get3A_155 : vector<1x128x1xf32> to vector<128x1xf32>
    %get3A_157 = arith.constant 3 : index
    %get3A_158 = arith.constant 0 : index
    %get3A_159 = arith.constant 2 : index
    %get3A_160 = vector.load %arg2[%get3A_157, %get3A_158, %get3A_159] : memref<4x128x8xf32, #tpu.memory_space<vmem>>, vector<1x128x1xf32>
    %get3A_161 = vector.shape_cast %get3A_160 : vector<1x128x1xf32> to vector<128x1xf32>
    %get3A_162 = arith.constant 3 : index
    %get3A_163 = arith.constant 0 : index
    %get3A_164 = arith.constant 0 : index
    %get3A_165 = vector.load %arg1[%get3A_162, %get3A_163, %get3A_164] : memref<4x8x8192xf32, #tpu.memory_space<vmem>>, vector<1x1x8192xf32>
    %get3A_166 = vector.shape_cast %get3A_165 : vector<1x1x8192xf32> to vector<1x8192xf32>
    %get3A_167 = arith.constant 3 : index
    %get3A_168 = arith.constant 1 : index
    %get3A_169 = arith.constant 0 : index
    %get3A_170 = vector.load %arg1[%get3A_167, %get3A_168, %get3A_169] : memref<4x8x8192xf32, #tpu.memory_space<vmem>>, vector<1x1x8192xf32>
    %get3A_171 = vector.shape_cast %get3A_170 : vector<1x1x8192xf32> to vector<1x8192xf32>
    %get3A_172 = arith.constant 3 : index
    %get3A_173 = arith.constant 2 : index
    %get3A_174 = arith.constant 0 : index
    %get3A_175 = vector.load %arg1[%get3A_172, %get3A_173, %get3A_174] : memref<4x8x8192xf32, #tpu.memory_space<vmem>>, vector<1x1x8192xf32>
    %get3A_176 = vector.shape_cast %get3A_175 : vector<1x1x8192xf32> to vector<1x8192xf32>
    %sub3A_177 = vector.broadcast %get3A_151 : vector<128x1xf32> to vector<128x8192xf32>
    %sub3A_178 = vector.broadcast %get3A_166 : vector<1x8192xf32> to vector<128x8192xf32>
    %sub3A_179 = arith.subf %sub3A_177, %sub3A_178 : vector<128x8192xf32>
    %sub3A_180 = vector.broadcast %get3A_156 : vector<128x1xf32> to vector<128x8192xf32>
    %sub3A_181 = vector.broadcast %get3A_171 : vector<1x8192xf32> to vector<128x8192xf32>
    %sub3A_182 = arith.subf %sub3A_180, %sub3A_181 : vector<128x8192xf32>
    %sub3A_183 = vector.broadcast %get3A_161 : vector<128x1xf32> to vector<128x8192xf32>
    %sub3A_184 = vector.broadcast %get3A_176 : vector<1x8192xf32> to vector<128x8192xf32>
    %sub3A_185 = arith.subf %sub3A_183, %sub3A_184 : vector<128x8192xf32>
    %mul3A_186 = arith.mulf %sub3A_179, %sub3A_179 : vector<128x8192xf32>
    %mul3A_187 = arith.mulf %sub3A_182, %sub3A_182 : vector<128x8192xf32>
    %add3A_188 = arith.addf %mul3A_186, %mul3A_187 : vector<128x8192xf32>
    %mul3A_189 = arith.mulf %sub3A_185, %sub3A_185 : vector<128x8192xf32>
    %add3A_190 = arith.addf %add3A_188, %mul3A_189 : vector<128x8192xf32>
    %sqrt3A_191 = math.sqrt %add3A_190 : vector<128x8192xf32>
    %swap3A_192 = arith.constant 3 : index
    %swap3A_193 = arith.constant 0 : index
    %swap3A_194 = arith.constant 0 : index
    %swap3A_195 = vector.load %arg4[%swap3A_192, %swap3A_193, %swap3A_194] : memref<4x128x8192xf32, #tpu.memory_space<vmem>>, vector<1x128x8192xf32>
    %swap3A_196 = vector.shape_cast %swap3A_195 : vector<1x128x8192xf32> to vector<128x8192xf32>
    %swap3A_197 = vector.shape_cast %sqrt3A_191 : vector<128x8192xf32> to vector<1x128x8192xf32>
    tpu.vector_store %arg4[%swap3A_192, %swap3A_193, %swap3A_194], %swap3A_197 {strides = array<i32>} : memref<4x128x8192xf32, #tpu.memory_space<vmem>>, vector<1x128x8192xf32>,
    %iota3A = tpu.iota {dimensions = array<i32: 1>} : vector<1x8192xi32>
    %iota3A_198 = tpu.iota {dimensions = array<i32: 1>} : vector<128x32xi32>
    %get3A_199 = arith.constant 0 : index
    %get3A_200 = arith.constant 0 : index
    %get3A_201 = arith.constant 0 : index
    %get3A_202 = vector.load %arg4[%get3A_199, %get3A_200, %get3A_201] : memref<4x128x8192xf32, #tpu.memory_space<vmem>>, vector<1x128x8192xf32>
    %get3A_203 = vector.shape_cast %get3A_202 : vector<1x128x8192xf32> to vector<128x8192xf32>
    %reduce_min3A = arith.constant dense<0x7F800000> : vector<128xf32>
    %reduce_min3A_204 = vector.multi_reduction <minimumf>, %get3A_203, %reduce_min3A [1] : vector<128x8192xf32> to vector<128xf32>
    %broadcast_in_dim3A = vector.shape_cast %reduce_min3A_204 : vector<128xf32> to vector<128x1xf32>
    %get3A_205 = arith.constant 1 : index
    %get3A_206 = arith.constant 0 : index
    %get3A_207 = arith.constant 0 : index
    %get3A_208 = vector.load %arg4[%get3A_205, %get3A_206, %get3A_207] : memref<4x128x8192xf32, #tpu.memory_space<vmem>>, vector<1x128x8192xf32>
    %get3A_209 = vector.shape_cast %get3A_208 : vector<1x128x8192xf32> to vector<128x8192xf32>
    %reduce_min3A_210 = arith.constant dense<0x7F800000> : vector<128xf32>
    %reduce_min3A_211 = vector.multi_reduction <minimumf>, %get3A_209, %reduce_min3A_210 [1] : vector<128x8192xf32> to vector<128xf32>
    %broadcast_in_dim3A_212 = vector.shape_cast %reduce_min3A_211 : vector<128xf32> to vector<128x1xf32>
    %get3A_213 = arith.constant 2 : index
    %get3A_214 = arith.constant 0 : index
    %get3A_215 = arith.constant 0 : index
    %get3A_216 = vector.load %arg4[%get3A_213, %get3A_214, %get3A_215] : memref<4x128x8192xf32, #tpu.memory_space<vmem>>, vector<1x128x8192xf32>
    %get3A_217 = vector.shape_cast %get3A_216 : vector<1x128x8192xf32> to vector<128x8192xf32>
    %reduce_min3A_218 = arith.constant dense<0x7F800000> : vector<128xf32>
    %reduce_min3A_219 = vector.multi_reduction <minimumf>, %get3A_217, %reduce_min3A_218 [1] : vector<128x8192xf32> to vector<128xf32>
    %broadcast_in_dim3A_220 = vector.shape_cast %reduce_min3A_219 : vector<128xf32> to vector<128x1xf32>
    %get3A_221 = arith.constant 3 : index
    %get3A_222 = arith.constant 0 : index
    %get3A_223 = arith.constant 0 : index
    %get3A_224 = vector.load %arg4[%get3A_221, %get3A_222, %get3A_223] : memref<4x128x8192xf32, #tpu.memory_space<vmem>>, vector<1x128x8192xf32>
    %get3A_225 = vector.shape_cast %get3A_224 : vector<1x128x8192xf32> to vector<128x8192xf32>
    %reduce_min3A_226 = arith.constant dense<0x7F800000> : vector<128xf32>
    %reduce_min3A_227 = vector.multi_reduction <minimumf>, %get3A_225, %reduce_min3A_226 [1] : vector<128x8192xf32> to vector<128xf32>
    %broadcast_in_dim3A_228 = vector.shape_cast %reduce_min3A_227 : vector<128xf32> to vector<128x1xf32>
    %broadcast_in_dim3A_229 = arith.constant 0 : i32
    %broadcast_in_dim3A_230 = vector.broadcast %broadcast_in_dim3A_229 : i32 to vector<128x32xi32>
    %broadcast_in_dim3A_231 = arith.constant 0 : i32
    %broadcast_in_dim3A_232 = vector.broadcast %broadcast_in_dim3A_231 : i32 to vector<128x32xi32>
    %broadcast_in_dim3A_233 = arith.constant 0 : i32
    %broadcast_in_dim3A_234 = vector.broadcast %broadcast_in_dim3A_233 : i32 to vector<128x32xi32>
    %broadcast_in_dim3A_235 = arith.constant 0 : i32
    %broadcast_in_dim3A_236 = vector.broadcast %broadcast_in_dim3A_235 : i32 to vector<128x32xi32>
    %scan3A = arith.constant 0 : i32
    %scan3A_237 = arith.constant 32 : i32
    %scan3A_238 = arith.addi %scan3A, %scan3A_237 : i32
    %scan3A_239 = arith.constant 1 : i32
    %scan3A_240:8 = scf.for %scan3A_266 = %scan3A to %scan3A_238 step %scan3A_239 iter_args(%scan3A_267 = %broadcast_in_dim3A_230, %scan3A_268 = %broadcast_in_dim3A_232, %scan3A_269 = %broadcast_in_dim3A_234, %scan3A_270 = %broadcast_in_dim3A_236, %scan3A_271 = %broadcast_in_dim3A, %scan3A_272 = %broadcast_in_dim3A_212, %scan3A_273 = %broadcast_in_dim3A_220, %scan3A_274 = %broadcast_in_dim3A_228) -> (vector<128x32xi32>, vector<128x32xi32>, vector<128x32xi32>, vector<128x32xi32>, vector<128x1xf32>, vector<128x1xf32>, vector<128x1xf32>, vector<128x1xf32>)  : i32 {
      %get3A_275 = arith.constant 0 : index
      %get3A_276 = arith.constant 0 : index
      %get3A_277 = arith.constant 0 : index
      %get3A_278 = vector.load %arg4[%get3A_275, %get3A_276, %get3A_277] : memref<4x128x8192xf32, #tpu.memory_space<vmem>>, vector<1x128x8192xf32>
      %get3A_279 = vector.shape_cast %get3A_278 : vector<1x128x8192xf32> to vector<128x8192xf32>
      %eq3A = vector.broadcast %scan3A_271 : vector<128x1xf32> to vector<128x8192xf32>
      %eq3A_280 = arith.cmpf oeq, %get3A_279, %eq3A : vector<128x8192xf32>
      %jit3A = arith.constant 8192 : i32
      %broadcast_in_dim3A_281 = vector.shape_cast %iota3A : vector<1x8192xi32> to vector<1x8192xi32>
      %broadcast_in_dim3A_282 = vector.broadcast %broadcast_in_dim3A_281 : vector<1x8192xi32> to vector<128x8192xi32>
      %broadcast_in_dim3A_283 = vector.broadcast %jit3A : i32 to vector<128x8192xi32>
      %select_n3A = arith.select %eq3A_280, %broadcast_in_dim3A_282, %broadcast_in_dim3A_283 : vector<128x8192xi1>, vector<128x8192xi32>
      %reduce_min3A_284 = arith.constant dense<2147483647> : vector<128xi32>
      %reduce_min3A_285 = vector.multi_reduction <minsi>, %select_n3A, %reduce_min3A_284 [1] : vector<128x8192xi32> to vector<128xi32>
      %broadcast_in_dim3A_286 = vector.shape_cast %reduce_min3A_285 : vector<128xi32> to vector<128x1xi32>
      %eq3A_287 = vector.broadcast %iota3A : vector<1x8192xi32> to vector<128x8192xi32>
      %eq3A_288 = vector.broadcast %broadcast_in_dim3A_286 : vector<128x1xi32> to vector<128x8192xi32>
      %eq3A_289 = arith.cmpi eq, %eq3A_287, %eq3A_288 : vector<128x8192xi32>
      %jit3A_290 = arith.constant 0x7F800000 : f32
      %broadcast_in_dim3A_291 = vector.broadcast %jit3A_290 : f32 to vector<128x8192xf32>
      %select_n3A_292 = arith.select %eq3A_289, %broadcast_in_dim3A_291, %get3A_279 : vector<128x8192xi1>, vector<128x8192xf32>
      %swap3A_293 = arith.constant 0 : index
      %swap3A_294 = arith.constant 0 : index
      %swap3A_295 = arith.constant 0 : index
      %swap3A_296 = vector.load %arg4[%swap3A_293, %swap3A_294, %swap3A_295] : memref<4x128x8192xf32, #tpu.memory_space<vmem>>, vector<1x128x8192xf32>
      %swap3A_297 = vector.shape_cast %swap3A_296 : vector<1x128x8192xf32> to vector<128x8192xf32>
      %swap3A_298 = vector.shape_cast %select_n3A_292 : vector<128x8192xf32> to vector<1x128x8192xf32>
      tpu.vector_store %arg4[%swap3A_293, %swap3A_294, %swap3A_295], %swap3A_298 {strides = array<i32>} : memref<4x128x8192xf32, #tpu.memory_space<vmem>>, vector<1x128x8192xf32>,
      %reduce_min3A_299 = arith.constant dense<0x7F800000> : vector<128xf32>
      %reduce_min3A_300 = vector.multi_reduction <minimumf>, %select_n3A_292, %reduce_min3A_299 [1] : vector<128x8192xf32> to vector<128xf32>
      %broadcast_in_dim3A_301 = vector.shape_cast %reduce_min3A_300 : vector<128xf32> to vector<128x1xf32>
      %eq3A_302 = vector.broadcast %scan3A_266 : i32 to vector<128x32xi32>
      %eq3A_303 = arith.cmpi eq, %iota3A_198, %eq3A_302 : vector<128x32xi32>
      %broadcast_in_dim3A_304 = vector.shape_cast %broadcast_in_dim3A_286 : vector<128x1xi32> to vector<128x1xi32>
      %broadcast_in_dim3A_305 = vector.broadcast %broadcast_in_dim3A_304 : vector<128x1xi32> to vector<128x32xi32>
      %select_n3A_306 = arith.select %eq3A_303, %broadcast_in_dim3A_305, %scan3A_267 : vector<128x32xi1>, vector<128x32xi32>
      %get3A_307 = arith.constant 1 : index
      %get3A_308 = arith.constant 0 : index
      %get3A_309 = arith.constant 0 : index
      %get3A_310 = vector.load %arg4[%get3A_307, %get3A_308, %get3A_309] : memref<4x128x8192xf32, #tpu.memory_space<vmem>>, vector<1x128x8192xf32>
      %get3A_311 = vector.shape_cast %get3A_310 : vector<1x128x8192xf32> to vector<128x8192xf32>
      %eq3A_312 = vector.broadcast %scan3A_272 : vector<128x1xf32> to vector<128x8192xf32>
      %eq3A_313 = arith.cmpf oeq, %get3A_311, %eq3A_312 : vector<128x8192xf32>
      %jit3A_314 = arith.constant 8192 : i32
      %broadcast_in_dim3A_315 = vector.shape_cast %iota3A : vector<1x8192xi32> to vector<1x8192xi32>
      %broadcast_in_dim3A_316 = vector.broadcast %broadcast_in_dim3A_315 : vector<1x8192xi32> to vector<128x8192xi32>
      %broadcast_in_dim3A_317 = vector.broadcast %jit3A_314 : i32 to vector<128x8192xi32>
      %select_n3A_318 = arith.select %eq3A_313, %broadcast_in_dim3A_316, %broadcast_in_dim3A_317 : vector<128x8192xi1>, vector<128x8192xi32>
      %reduce_min3A_319 = arith.constant dense<2147483647> : vector<128xi32>
      %reduce_min3A_320 = vector.multi_reduction <minsi>, %select_n3A_318, %reduce_min3A_319 [1] : vector<128x8192xi32> to vector<128xi32>
      %broadcast_in_dim3A_321 = vector.shape_cast %reduce_min3A_320 : vector<128xi32> to vector<128x1xi32>
      %eq3A_322 = vector.broadcast %iota3A : vector<1x8192xi32> to vector<128x8192xi32>
      %eq3A_323 = vector.broadcast %broadcast_in_dim3A_321 : vector<128x1xi32> to vector<128x8192xi32>
      %eq3A_324 = arith.cmpi eq, %eq3A_322, %eq3A_323 : vector<128x8192xi32>
      %jit3A_325 = arith.constant 0x7F800000 : f32
      %broadcast_in_dim3A_326 = vector.broadcast %jit3A_325 : f32 to vector<128x8192xf32>
      %select_n3A_327 = arith.select %eq3A_324, %broadcast_in_dim3A_326, %get3A_311 : vector<128x8192xi1>, vector<128x8192xf32>
      %swap3A_328 = arith.constant 1 : index
      %swap3A_329 = arith.constant 0 : index
      %swap3A_330 = arith.constant 0 : index
      %swap3A_331 = vector.load %arg4[%swap3A_328, %swap3A_329, %swap3A_330] : memref<4x128x8192xf32, #tpu.memory_space<vmem>>, vector<1x128x8192xf32>
      %swap3A_332 = vector.shape_cast %swap3A_331 : vector<1x128x8192xf32> to vector<128x8192xf32>
      %swap3A_333 = vector.shape_cast %select_n3A_327 : vector<128x8192xf32> to vector<1x128x8192xf32>
      tpu.vector_store %arg4[%swap3A_328, %swap3A_329, %swap3A_330], %swap3A_333 {strides = array<i32>} : memref<4x128x8192xf32, #tpu.memory_space<vmem>>, vector<1x128x8192xf32>,
      %reduce_min3A_334 = arith.constant dense<0x7F800000> : vector<128xf32>
      %reduce_min3A_335 = vector.multi_reduction <minimumf>, %select_n3A_327, %reduce_min3A_334 [1] : vector<128x8192xf32> to vector<128xf32>
      %broadcast_in_dim3A_336 = vector.shape_cast %reduce_min3A_335 : vector<128xf32> to vector<128x1xf32>
      %eq3A_337 = vector.broadcast %scan3A_266 : i32 to vector<128x32xi32>
      %eq3A_338 = arith.cmpi eq, %iota3A_198, %eq3A_337 : vector<128x32xi32>
      %broadcast_in_dim3A_339 = vector.shape_cast %broadcast_in_dim3A_321 : vector<128x1xi32> to vector<128x1xi32>
      %broadcast_in_dim3A_340 = vector.broadcast %broadcast_in_dim3A_339 : vector<128x1xi32> to vector<128x32xi32>
      %select_n3A_341 = arith.select %eq3A_338, %broadcast_in_dim3A_340, %scan3A_268 : vector<128x32xi1>, vector<128x32xi32>
      %get3A_342 = arith.constant 2 : index
      %get3A_343 = arith.constant 0 : index
      %get3A_344 = arith.constant 0 : index
      %get3A_345 = vector.load %arg4[%get3A_342, %get3A_343, %get3A_344] : memref<4x128x8192xf32, #tpu.memory_space<vmem>>, vector<1x128x8192xf32>
      %get3A_346 = vector.shape_cast %get3A_345 : vector<1x128x8192xf32> to vector<128x8192xf32>
      %eq3A_347 = vector.broadcast %scan3A_273 : vector<128x1xf32> to vector<128x8192xf32>
      %eq3A_348 = arith.cmpf oeq, %get3A_346, %eq3A_347 : vector<128x8192xf32>
      %jit3A_349 = arith.constant 8192 : i32
      %broadcast_in_dim3A_350 = vector.shape_cast %iota3A : vector<1x8192xi32> to vector<1x8192xi32>
      %broadcast_in_dim3A_351 = vector.broadcast %broadcast_in_dim3A_350 : vector<1x8192xi32> to vector<128x8192xi32>
      %broadcast_in_dim3A_352 = vector.broadcast %jit3A_349 : i32 to vector<128x8192xi32>
      %select_n3A_353 = arith.select %eq3A_348, %broadcast_in_dim3A_351, %broadcast_in_dim3A_352 : vector<128x8192xi1>, vector<128x8192xi32>
      %reduce_min3A_354 = arith.constant dense<2147483647> : vector<128xi32>
      %reduce_min3A_355 = vector.multi_reduction <minsi>, %select_n3A_353, %reduce_min3A_354 [1] : vector<128x8192xi32> to vector<128xi32>
      %broadcast_in_dim3A_356 = vector.shape_cast %reduce_min3A_355 : vector<128xi32> to vector<128x1xi32>
      %eq3A_357 = vector.broadcast %iota3A : vector<1x8192xi32> to vector<128x8192xi32>
      %eq3A_358 = vector.broadcast %broadcast_in_dim3A_356 : vector<128x1xi32> to vector<128x8192xi32>
      %eq3A_359 = arith.cmpi eq, %eq3A_357, %eq3A_358 : vector<128x8192xi32>
      %jit3A_360 = arith.constant 0x7F800000 : f32
      %broadcast_in_dim3A_361 = vector.broadcast %jit3A_360 : f32 to vector<128x8192xf32>
      %select_n3A_362 = arith.select %eq3A_359, %broadcast_in_dim3A_361, %get3A_346 : vector<128x8192xi1>, vector<128x8192xf32>
      %swap3A_363 = arith.constant 2 : index
      %swap3A_364 = arith.constant 0 : index
      %swap3A_365 = arith.constant 0 : index
      %swap3A_366 = vector.load %arg4[%swap3A_363, %swap3A_364, %swap3A_365] : memref<4x128x8192xf32, #tpu.memory_space<vmem>>, vector<1x128x8192xf32>
      %swap3A_367 = vector.shape_cast %swap3A_366 : vector<1x128x8192xf32> to vector<128x8192xf32>
      %swap3A_368 = vector.shape_cast %select_n3A_362 : vector<128x8192xf32> to vector<1x128x8192xf32>
      tpu.vector_store %arg4[%swap3A_363, %swap3A_364, %swap3A_365], %swap3A_368 {strides = array<i32>} : memref<4x128x8192xf32, #tpu.memory_space<vmem>>, vector<1x128x8192xf32>,
      %reduce_min3A_369 = arith.constant dense<0x7F800000> : vector<128xf32>
      %reduce_min3A_370 = vector.multi_reduction <minimumf>, %select_n3A_362, %reduce_min3A_369 [1] : vector<128x8192xf32> to vector<128xf32>
      %broadcast_in_dim3A_371 = vector.shape_cast %reduce_min3A_370 : vector<128xf32> to vector<128x1xf32>
      %eq3A_372 = vector.broadcast %scan3A_266 : i32 to vector<128x32xi32>
      %eq3A_373 = arith.cmpi eq, %iota3A_198, %eq3A_372 : vector<128x32xi32>
      %broadcast_in_dim3A_374 = vector.shape_cast %broadcast_in_dim3A_356 : vector<128x1xi32> to vector<128x1xi32>
      %broadcast_in_dim3A_375 = vector.broadcast %broadcast_in_dim3A_374 : vector<128x1xi32> to vector<128x32xi32>
      %select_n3A_376 = arith.select %eq3A_373, %broadcast_in_dim3A_375, %scan3A_269 : vector<128x32xi1>, vector<128x32xi32>
      %get3A_377 = arith.constant 3 : index
      %get3A_378 = arith.constant 0 : index
      %get3A_379 = arith.constant 0 : index
      %get3A_380 = vector.load %arg4[%get3A_377, %get3A_378, %get3A_379] : memref<4x128x8192xf32, #tpu.memory_space<vmem>>, vector<1x128x8192xf32>
      %get3A_381 = vector.shape_cast %get3A_380 : vector<1x128x8192xf32> to vector<128x8192xf32>
      %eq3A_382 = vector.broadcast %scan3A_274 : vector<128x1xf32> to vector<128x8192xf32>
      %eq3A_383 = arith.cmpf oeq, %get3A_381, %eq3A_382 : vector<128x8192xf32>
      %jit3A_384 = arith.constant 8192 : i32
      %broadcast_in_dim3A_385 = vector.shape_cast %iota3A : vector<1x8192xi32> to vector<1x8192xi32>
      %broadcast_in_dim3A_386 = vector.broadcast %broadcast_in_dim3A_385 : vector<1x8192xi32> to vector<128x8192xi32>
      %broadcast_in_dim3A_387 = vector.broadcast %jit3A_384 : i32 to vector<128x8192xi32>
      %select_n3A_388 = arith.select %eq3A_383, %broadcast_in_dim3A_386, %broadcast_in_dim3A_387 : vector<128x8192xi1>, vector<128x8192xi32>
      %reduce_min3A_389 = arith.constant dense<2147483647> : vector<128xi32>
      %reduce_min3A_390 = vector.multi_reduction <minsi>, %select_n3A_388, %reduce_min3A_389 [1] : vector<128x8192xi32> to vector<128xi32>
      %broadcast_in_dim3A_391 = vector.shape_cast %reduce_min3A_390 : vector<128xi32> to vector<128x1xi32>
      %eq3A_392 = vector.broadcast %iota3A : vector<1x8192xi32> to vector<128x8192xi32>
      %eq3A_393 = vector.broadcast %broadcast_in_dim3A_391 : vector<128x1xi32> to vector<128x8192xi32>
      %eq3A_394 = arith.cmpi eq, %eq3A_392, %eq3A_393 : vector<128x8192xi32>
      %jit3A_395 = arith.constant 0x7F800000 : f32
      %broadcast_in_dim3A_396 = vector.broadcast %jit3A_395 : f32 to vector<128x8192xf32>
      %select_n3A_397 = arith.select %eq3A_394, %broadcast_in_dim3A_396, %get3A_381 : vector<128x8192xi1>, vector<128x8192xf32>
      %swap3A_398 = arith.constant 3 : index
      %swap3A_399 = arith.constant 0 : index
      %swap3A_400 = arith.constant 0 : index
      %swap3A_401 = vector.load %arg4[%swap3A_398, %swap3A_399, %swap3A_400] : memref<4x128x8192xf32, #tpu.memory_space<vmem>>, vector<1x128x8192xf32>
      %swap3A_402 = vector.shape_cast %swap3A_401 : vector<1x128x8192xf32> to vector<128x8192xf32>
      %swap3A_403 = vector.shape_cast %select_n3A_397 : vector<128x8192xf32> to vector<1x128x8192xf32>
      tpu.vector_store %arg4[%swap3A_398, %swap3A_399, %swap3A_400], %swap3A_403 {strides = array<i32>} : memref<4x128x8192xf32, #tpu.memory_space<vmem>>, vector<1x128x8192xf32>,
      %reduce_min3A_404 = arith.constant dense<0x7F800000> : vector<128xf32>
      %reduce_min3A_405 = vector.multi_reduction <minimumf>, %select_n3A_397, %reduce_min3A_404 [1] : vector<128x8192xf32> to vector<128xf32>
      %broadcast_in_dim3A_406 = vector.shape_cast %reduce_min3A_405 : vector<128xf32> to vector<128x1xf32>
      %eq3A_407 = vector.broadcast %scan3A_266 : i32 to vector<128x32xi32>
      %eq3A_408 = arith.cmpi eq, %iota3A_198, %eq3A_407 : vector<128x32xi32>
      %broadcast_in_dim3A_409 = vector.shape_cast %broadcast_in_dim3A_391 : vector<128x1xi32> to vector<128x1xi32>
      %broadcast_in_dim3A_410 = vector.broadcast %broadcast_in_dim3A_409 : vector<128x1xi32> to vector<128x32xi32>
      %select_n3A_411 = arith.select %eq3A_408, %broadcast_in_dim3A_410, %scan3A_270 : vector<128x32xi1>, vector<128x32xi32>
      scf.yield %select_n3A_306, %select_n3A_341, %select_n3A_376, %select_n3A_411, %broadcast_in_dim3A_301, %broadcast_in_dim3A_336, %broadcast_in_dim3A_371, %broadcast_in_dim3A_406 : vector<128x32xi32>, vector<128x32xi32>, vector<128x32xi32>, vector<128x32xi32>, vector<128x1xf32>, vector<128x1xf32>, vector<128x1xf32>, vector<128x1xf32>
    }
    %scan3A_241 = arith.constant 32 : i32
    %swap3A_242 = arith.constant 0 : index
    %swap3A_243 = arith.constant 0 : index
    %swap3A_244 = arith.constant 0 : index
    %swap3A_245 = vector.load %arg3[%swap3A_242, %swap3A_243, %swap3A_244] : memref<4x128x32xi32, #tpu.memory_space<vmem>>, vector<1x128x32xi32>
    %swap3A_246 = vector.shape_cast %swap3A_245 : vector<1x128x32xi32> to vector<128x32xi32>
    %swap3A_247 = vector.shape_cast %scan3A_240#0 : vector<128x32xi32> to vector<1x128x32xi32>
    tpu.vector_store %arg3[%swap3A_242, %swap3A_243, %swap3A_244], %swap3A_247 {strides = array<i32>} : memref<4x128x32xi32, #tpu.memory_space<vmem>>, vector<1x128x32xi32>,
    %swap3A_248 = arith.constant 1 : index
    %swap3A_249 = arith.constant 0 : index
    %swap3A_250 = arith.constant 0 : index
    %swap3A_251 = vector.load %arg3[%swap3A_248, %swap3A_249, %swap3A_250] : memref<4x128x32xi32, #tpu.memory_space<vmem>>, vector<1x128x32xi32>
    %swap3A_252 = vector.shape_cast %swap3A_251 : vector<1x128x32xi32> to vector<128x32xi32>
    %swap3A_253 = vector.shape_cast %scan3A_240#1 : vector<128x32xi32> to vector<1x128x32xi32>
    tpu.vector_store %arg3[%swap3A_248, %swap3A_249, %swap3A_250], %swap3A_253 {strides = array<i32>} : memref<4x128x32xi32, #tpu.memory_space<vmem>>, vector<1x128x32xi32>,
    %swap3A_254 = arith.constant 2 : index
    %swap3A_255 = arith.constant 0 : index
    %swap3A_256 = arith.constant 0 : index
    %swap3A_257 = vector.load %arg3[%swap3A_254, %swap3A_255, %swap3A_256] : memref<4x128x32xi32, #tpu.memory_space<vmem>>, vector<1x128x32xi32>
    %swap3A_258 = vector.shape_cast %swap3A_257 : vector<1x128x32xi32> to vector<128x32xi32>
    %swap3A_259 = vector.shape_cast %scan3A_240#2 : vector<128x32xi32> to vector<1x128x32xi32>
    tpu.vector_store %arg3[%swap3A_254, %swap3A_255, %swap3A_256], %swap3A_259 {strides = array<i32>} : memref<4x128x32xi32, #tpu.memory_space<vmem>>, vector<1x128x32xi32>,
    %swap3A_260 = arith.constant 3 : index
    %swap3A_261 = arith.constant 0 : index
    %swap3A_262 = arith.constant 0 : index
    %swap3A_263 = vector.load %arg3[%swap3A_260, %swap3A_261, %swap3A_262] : memref<4x128x32xi32, #tpu.memory_space<vmem>>, vector<1x128x32xi32>
    %swap3A_264 = vector.shape_cast %swap3A_263 : vector<1x128x32xi32> to vector<128x32xi32>
    %swap3A_265 = vector.shape_cast %scan3A_240#3 : vector<128x32xi32> to vector<1x128x32xi32>
    tpu.vector_store %arg3[%swap3A_260, %swap3A_261, %swap3A_262], %swap3A_265 {strides = array<i32>} : memref<4x128x32xi32, #tpu.memory_space<vmem>>, vector<1x128x32xi32>,
    return
  }
  func.func @transform_0(%arg0: i32) -> (i32, i32, i32) {
    %c0_i32 = arith.constant 0 : i32
    %c0_i32_0 = arith.constant 0 : i32
    %c0_i32_1 = arith.constant 0 : i32
    return %arg0, %c0_i32, %c0_i32_0 : i32, i32, i32
  }
  func.func @transform_1(%arg0: i32) -> (i32, i32, i32) {
    %c0_i32 = arith.constant 0 : i32
    %c0_i32_0 = arith.constant 0 : i32
    %c0_i32_1 = arith.constant 0 : i32
    return %arg0, %c0_i32, %c0_i32_0 : i32, i32, i32
  }
  func.func @transform_2(%arg0: i32) -> (i32, i32, i32) {
    %c0_i32 = arith.constant 0 : i32
    %c0_i32_0 = arith.constant 0 : i32
    %c0_i32_1 = arith.constant 0 : i32
    return %arg0, %c0_i32, %c0_i32_0 : i32, i32, i32
  }
}

</mosaic_0001>

<sc_bundles>
// kernel: gather_offload_async_start
scs
__scs_entry_jumppad:
0x0: {  	(pc) =	sbr.rel $0x88, $3  }
0x1: {  	(tag) =	ssettag $0x0;
	lr =	simm.s32 $0x1  }
0x2: {  	[smem:$0x3FA0] =	sst lr;
	_ =	strace $0xD0000000  }
0x3: {  	_ = 	snop  }
0x4: {  	_ = 	snop  }
0x5: {  	_ = 	snop  }
0x6: {  	_ = 	snop  }
0x7: {  	_ = 	snop  }
__scs_overlays_trampoline_lowered:
0x8: {  	[smem:$0x3FAF] =	sst s0  }
0x9: {  	[smem:$0x3FB0] =	sst s1  }
0xa: {  	[smem:$0x3FB1] =	sst s2  }
0xb: {  	[smem:$0x3FB2] =	sst s3  }
0xc: {  	[smem:$0x3FB3] =	sst s4  }
0xd: {  	[smem:$0x3FB4] =	sst s5  }
0xe: {  	[smem:$0x3FB5] =	sst s6  }
0xf: {  	[smem:$0x3FB6] =	sst s7  }
0x10: {  	[smem:$0x3FB7] =	sst s8  }
0x11: {  	[smem:$0x3FB8] =	sst s9;
	s0 =	simm.s32 @!p0 $0x0  }
0x12: {  	s1 =	sld [smem:$0x3F9E];
	s0 =	simm.s32 @p0 $0x1  }
0x13: {  	[smem:$0x3FB9] =	sst s0;
	s0 =	simm.s32 @!p1 $0x0  }
0x14: {  	s2 =	sld [smem:$0x3F9D];
	s0 =	simm.s32 @p1 $0x1  }
0x15: {  	[smem:$0x3FBA] =	sst s0;
	s0 =	simm.s32 @!p2 $0x0  }
0x16: {  	s3 =	sld [smem:$0x3FDB];
	s0 =	simm.s32 @p2 $0x1  }
0x17: {  	s4 =	simm.s32 $0x1BF5;
	[smem:$0x3FBC] =	sst s0  }
0x18: {  	s0 =	sld [smem:$0x3F9F];
	_ =	swait.ge [sflag:s4], $0x0  }
0x19: {  	s7 =	sld [smem:$0x3FA0]  }
0x1a: {  	s8 =	sadd.s32 $0xFFFFE003, lr  }
0x1b: {  	s9 =	sadd.s32 $0xFFFFFEF7, lr;
	s5 =	simm.s32 $0xFFFFFFFF;
	p2 =	slt.u32 s8, $0xFFFFF086  }
0x1c: {  	p1 =	slt.u32 s9, $0xF7A;
	s5 =	simm.s32 @!p2 $0x0  }
0x1d: {  	s5 =	simm.s32 @p1 $0x1;
	p0 =	seq.s32 s7, s2  }
0x1e: {  	s7 =	smul.u32 @!p0 $0xF7A, s2;
	p2 =	seq.s32 @!p0 s5, $0x0  }
0x1f: {  	s9 =	smul.u32 $0xF7A, s1;
	s8 =	simm.s32 @!p0 $0x1BF5;
	p2 =	por !p2, p0  }
0x20: {  	[sflag:s8] =	ssyncset.s32 @!p0 $0xFFFFF086;
	s6 =	sadd.s32 @!p0 s3, s7;
	s7 =	simm.s32 @!p0 $0x108  }
0x21: {  	s3 =	sadd.s32 s3, s9;
	s6 =	sadd.s32 @!p0 $0x88, s6;
	s7 =	simm.s32 @p2 $0x1082  }
0x22: {  	[simem:s7], [sflag:s8] =	dma.local @!p0 [hbm:s6], $0xF7A  }
0x23: {  	s9 =	sor.u32 $0xD0000000, s2;
	s6 =	simm.s32 $0x108;
	_ =	swait.ge @!p0 [sflag:s8], $0x0  }
0x24: {  	s3 =	sadd.s32 $0x88, s3;
	s6 =	simm.s32 @!p1 $0x1082;
	[sflag:s4] =	ssyncset.s32 $0xFFFFF086  }
0x25: {  	[simem:s6], [sflag:s4] =	dma.local [hbm:s3], $0xF7A  }
0x26: {  	[smem:$0x3FA0] =	sst s1;
	(tag) =	ssettag s2;
	_ =	strace s9  }
0x27: {  	s1 =	sld [smem:$0x3FB0]  }
0x28: {  	s2 =	sld [smem:$0x3FB1]  }
0x29: {  	s4 =	sld [smem:$0x3FB3]  }
0x2a: {  	p0 =	seq.s32 s5, $0x0;
	s5 =	sld [smem:$0x3FB4]  }
0x2b: {  	s6 =	sld [smem:$0x3FB5]  }
0x2c: {  	s7 =	sld [smem:$0x3FB6]  }
0x2d: {  	s3 =	simm.s32 $0x108;
	s8 =	sld [smem:$0x3FB7]  }
0x2e: {  	s3 =	simm.s32 @!p0 $0x1082;
	s9 =	sld [smem:$0x3FB8]  }
0x2f: {  	lr =	sadd.s32 s0, s3;
	s0 =	sld [smem:$0x3FAF]  }
0x30: {  	s3 =	sld [smem:$0x3FB2]  }
0x31: {  	[smem:$0x3FBB] =	sst s10  }
0x32: {  	s10 =	sld [smem:$0x3FB9];
	_ =	sdelay $0x3  }
0x33: {  	p0 =	seq.s32 s10, $0x1;
	s10 =	sld [smem:$0x3FBB];
	_ =	sdelay $0x3  }
0x34: {  	[smem:$0x3FBB] =	sst s10  }
0x35: {  	s10 =	sld [smem:$0x3FBA];
	_ =	sdelay $0x3  }
0x36: {  	p1 =	seq.s32 s10, $0x1;
	s10 =	sld [smem:$0x3FBB];
	_ =	sdelay $0x3  }
0x37: {  	[smem:$0x3FBB] =	sst s10  }
0x38: {  	s10 =	sld [smem:$0x3FBC]  }
0x39: {  	_ = 	snop;
	(pc) =	sbr.ind lr, $3  }
0x3a: {  	_ = 	snop  }
0x3b: {  	_ = 	snop  }
0x3c: {  	p2 =	seq.s32 s10, $0x1;
	s10 =	sld [smem:$0x3FBB]  }
0x3d: {  	_ =	shalt  }
0x3e: {  	_ =	shalt  }
0x3f: {  	_ =	shalt  }
0x40: {  	_ =	shalt  }
0x41: {  	_ =	shalt  }
0x42: {  	_ =	shalt  }
0x43: {  	_ =	shalt  }
0x44: {  	_ =	shalt  }
0x45: {  	_ =	shalt  }
0x46: {  	_ =	shalt  }
0x47: {  	_ =	shalt  }
0x48: {  	_ =	shalt  }
0x49: {  	_ =	shalt  }
0x4a: {  	_ =	shalt  }
0x4b: {  	_ =	shalt  }
0x4c: {  	_ =	shalt  }
0x4d: {  	_ =	shalt  }
0x4e: {  	_ =	shalt  }
0x4f: {  	_ =	shalt  }
0x50: {  	_ =	shalt  }
0x51: {  	_ =	shalt  }
0x52: {  	_ =	shalt  }
0x53: {  	_ =	shalt  }
0x54: {  	_ =	shalt  }
0x55: {  	_ =	shalt  }
0x56: {  	_ =	shalt  }
0x57: {  	_ =	shalt  }
0x58: {  	_ =	shalt  }
0x59: {  	_ =	shalt  }
0x5a: {  	_ =	shalt  }
0x5b: {  	_ =	shalt  }
0x5c: {  	_ =	shalt  }
0x5d: {  	_ =	shalt  }
0x5e: {  	_ =	shalt  }
0x5f: {  	_ =	shalt  }
0x60: {  	_ =	shalt  }
0x61: {  	_ =	shalt  }
0x62: {  	_ =	shalt  }
0x63: {  	_ =	shalt  }
0x64: {  	_ =	shalt  }
0x65: {  	_ =	shalt  }
0x66: {  	_ =	shalt  }
0x67: {  	_ =	shalt  }
0x68: {  	_ =	shalt  }
0x69: {  	_ =	shalt  }
0x6a: {  	_ =	shalt  }
0x6b: {  	_ =	shalt  }
0x6c: {  	_ =	shalt  }
0x6d: {  	_ =	shalt  }
0x6e: {  	_ =	shalt  }
0x6f: {  	_ =	shalt  }
0x70: {  	_ =	shalt  }
0x71: {  	_ =	shalt  }
0x72: {  	_ =	shalt  }
0x73: {  	_ =	shalt  }
0x74: {  	_ =	shalt  }
0x75: {  	_ =	shalt  }
0x76: {  	_ =	shalt  }
0x77: {  	_ =	shalt  }
0x78: {  	_ =	shalt  }
0x79: {  	_ =	shalt  }
0x7a: {  	_ =	shalt  }
0x7b: {  	_ =	shalt  }
0x7c: {  	_ =	shalt  }
0x7d: {  	_ =	shalt  }
0x7e: {  	_ =	shalt  }
0x7f: {  	_ =	shalt  }
0x80: {  	_ =	shalt  }
0x81: {  	_ =	shalt  }
0x82: {  	_ =	shalt  }
0x83: {  	_ =	shalt  }
0x84: {  	_ =	shalt  }
0x85: {  	_ =	shalt  }
0x86: {  	_ =	shalt  }
0x87: {  	_ =	shalt  }
.Lfunc_end0:
.L_simem_size_0:
called_computation_lowered:
.L_overlay_start_0:
0x88: {  	s2 =	sld [smem:$0x3FD9]  }
0x89: {  	s3 =	sld [smem:$0x3FFE];
	_ =	sdelay $0x1  }
0x8a: {  	s1 =	srdreg.scid  }
0x8b: {  	s0 =	sand.u32 $0x1, s1  }
0x8c: {  	s14 =	sshll.u32 s0, $0xA;
	s2 =	sadd.s32 s3, s2  }
0x8d: {  	s2 =	sadd.s32 s2, s14  }
0x8e: {  	[smem:$0x3FC7] =	sst s2  }
0x8f: {  	_ = 	snop  }
0x90: {  	s2 =	sld [smem:$0x3FD0];
	_ =	sdelay $0x2  }
0x91: {  	s15 =	simm.s32 $0xA;
	s4 =	simm.s32 $0x10  }
0x92: {  	[smem:s4], [sflag:s15] =	dma.local [hbm:s2], $0x1  }
0x93: {  	_ =	swait.eq [sflag:s15], $0x1  }
0x94: {  	[sflag:s15] =	ssyncset.done $0x0  }
0x95: {  	[sflag:s15] =	ssyncadd.s32 $0xFFFFFFFF  }
0x96: {  	s16 =	sld [smem:$0x10];
	(tm) =	ssettm $0x1  }
0x97: {  	s17 =	sld [smem:$0x3FFB];
	_ =	sdelay $0x3  }
0x98: {  	_ =	strace s17  }
0x99: {  	s3 =	sld [smem:$0x3FFC];
	_ =	sdelay $0x3  }
0x9a: {  	_ =	strace s3  }
0x9b: {  	s3 =	sld [smem:$0x3FFD];
	_ =	sdelay $0x3  }
0x9c: {  	_ =	strace s3  }
0x9d: {  	_ =	strace $0x8FFFFFFF  }
0x9e: {  	s18 =	sld [smem:$0x3FDB];
	_ =	sdelay $0x1  }
0x9f: {  	s19 =	simm.s32 $_scs_section_size  }
0xa0: {  	s5 =	simm.s32 $_size__tile_overlayer_lowered;
	s6 =	simm.s32 $_tile_overlayer_lowered  }
0xa1: {  	s22 =	simm.s32 $0x1BFF;
	s21 =	sshll.u32 s6, $0x1;
	s3 =	sadd.s32 s19, s18  }
0xa2: {  	s7 =	simm.s32 $0x0;
	s20 =	sshll.u32 s5, $0x1;
	s5 =	sadd.s32 s21, s3  }
0xa3: {  	[timem:s7], [sflag:s22] =	dma.local [hbm:s5], s20  }
0xa4: {  	_ =	swait.ge [sflag:s22], s20  }
0xa5: {  	s4 =	ssub.s32 $0x0, s20;
	[sflag:s22] =	ssyncset.done $0x0  }
0xa6: {  	[sflag:s22] =	ssyncadd.s32 s4;
	_ =	sdelay $0x1  }
0xa7: {  	s23 =	simm.s32 $0x1B8B  }
0xa8: {  	_ =	swait.ge [sflag:s23], $0x1  }
0xa9: {  	[sflag:s23] =	ssyncset.done $0x0  }
0xaa: {  	s25 =	simm.s32 $0x1B8E;
	s24 =	sld [smem:$0x3FFE];
	[sflag:s23] =	ssyncadd.s32 $0xFFFFFFFF  }
0xab: {  	s26 =	simm.s32 $execute0_lowered;
	[smem:$0x3FD2] =	sst s25  }
0xac: {  	s5 =	sshll.u32 s26, $0x1;
	_ =	strace $0x80000046;
	[dreg:$0x1] =	wrdreg $0xFFFFFFFF  }
0xad: {  	s28 =	simm.s32 $_size_execute0_lowered;
	s3 =	sadd.s32 s3, s5;
	[dreg:$0x0] =	wrdreg $0x0  }
0xae: {  	s5 =	sshll.u32 s28, $0x1;
	[dreg:$0x2] =	wrdreg s3  }
0xaf: {  	[dreg:$0x3] =	wrdreg s5  }
0xb0: {  	[dreg:$0x4] =	wrdreg $0xC0  }
0xb1: {  	_ =	task [dreg:s7], $0x5FFFF  }
0xb2: {  	[dreg:$0x1] =	wrdreg $0xFFFFFFFF  }
0xb3: {  	[dreg:$0x0] =	wrdreg $0x60  }
0xb4: {  	[dreg:$0x2] =	wrdreg s24  }
0xb5: {  	[dreg:$0x3] =	wrdreg s16  }
0xb6: {  	[dreg:$0x4] =	wrdreg $0x9  }
0xb7: {  	_ =	task.clear_ibuf [dreg:s7], $0x5FFFF;
	_ =	strace $0x90000046  }
0xb8: {  	s29 =	simm.s32 $0x9;
	_ =	strace $0x80000048  }
0xb9: {  	_ =	swait.ge [sflag:s29], $0x1  }
0xba: {  	[sflag:s29] =	ssyncadd.s32 $0xFFFFFFFF  }
0xbb: {  	_ =	strace $0x90000048  }
0xbc: {  	_ =	sfence  }
0xbd: {  	s30 =	sld [smem:$0x0];
	_ =	sdelay $0x2  }
0xbe: {  	s31 =	sshll.u32 s1, $0xD;
	s1 =	sshrl.u32 s1, $0x2  }
0xbf: {  	s3 =	sand.u32 $0x4000, s31;
	s1 =	sadd.s32 s1, s30  }
0xc0: {  	s0 =	sor.u32 s3, s0;
	s1 =	sshll.u32 s1, $0x11  }
0xc1: {  	s0 =	sor.u32 s1, s0  }
0xc2: {  	s0 =	sadd.s32 $0x8F2B, s0  }
0xc3: {  	[sflag:s0] =	ssyncadd.remote.s32 $0x1  }
0xc4: {  	_ =	sfence.sel $0xFFFF  }
0xc5: {  	[dreg:$0x0] =	wrdreg $0xFFFFFFFF;
	(pc) =	sbr.abs _section_cstart, $3  }
0xc6: {  	[dreg:$0x1] =	wrdreg $0xFFFFFFFF  }
0xc7: {  	_ =	task.clear_ibuf [dreg:s7], $0x2FFFF;
	_ =	strace $0x9FFFFFFF  }
0xc8: {  	(tm) =	ssettm $0x7FFFFFFF  }
0xc9: {  	_ =	shalt  }
tec
execute0_lowered:
.L_overlay_start_1:
0x0: {  	(tag) =	ssettag $0x1  }
0x1: {  	s7 =	rddreg [dreg:$0x0]  }
0x2: {  	s2 =	rddreg [dreg:$0x1]  }
0x3: {  	s0 =	rddreg [dreg:$0x2]  }
0x4: {  	s1 =	srdreg.scid;
	_ =	strace $0x80000047;
	s4 =	simm.s32 $0x1  }
0x5: {  	s9 =	simm.s32 $0x3;
	s11 =	simm.s32 $0x0;
	s5 =	sshll.u32 s1, $0x4  }
.Ltmp0:
0x6: {  	s1 =	stileid.u32;
	s5 =	sand.u32 $0x10, s5;
	(pc) =	sbr.rel .LBB2_1-.Ltmp0, $4  }
0x7: {  	p0 =	por $0x0, $0x0;
	s3 =	sadd.s32 $0xC00, s7;
	s6 =	sor.u32 s1, s5  }
0x8: {  	[sflag:s4] =	ssyncpa.u1 $0x0;
	s5 =	simm.s32 $0x2;
	s6 =	sshll.u32 s6, $0xB  }
0x9: {  	s7 =	sadd.s32 $0x208C00, s7;
	[sflag:s5] =	ssyncpa.u1 $0x0;
	s8 =	sadd.s32 $0x800, s6  }
0xa: {  	vm0 =	vmmov $0xff;
	vm1 =	vcmask $0x3F20;
	[sflag:s9] =	ssyncpa.u1 $0x0;
	s10 =	smov.u32 s6;
	s9 =	simm.s32 $0x0  }
.LBB2_7:
0xb: {  	p1 =	slt.u32 s9, $0x2;
	s11 =	sadd.s32 $0x100, s10  }
0xc: {  	s13 =	smov.u32 s6;
	s9 =	sadd.s32 $0x1, s9;
	p2 =	slt.s32 s11, s8  }
0xd: {  	s13 =	smov.u32 @p2 s11;
	p2 =	sne.s32 s9, $0xA  }
.Ltmp1:
0xe: {  	_ = 	snop;
	(pc) =	sbr.rel @!p2 .LBB2_8-.Ltmp1, $4  }
0xf: {  	s12 =	simm.s32 @!p1 $0x3  }
0x10: {  	_ =	swait.ge @!p1 [sflag:s12], $0x8000  }
0x11: {  	p0 =	por !p0, !p0;
	[sflag:s12] =	ssyncset.done @!p1 $0x0  }
0x12: {  	s11 =	smov.u32 s10;
	s10 =	smov.u32 s13;
	[sflag:s12] =	ssyncadd.s32 @!p1 $0xFFFF8000  }
.LBB2_1:
0x13: {  	p1 =	sgt.u32 s9, $0x7  }
0x14: {  	s12 =	sxor.u32 @!p1 $0xFFFFFFFF, s9  }
0x15: {  	s13 =	sshrl.u32 @!p1 s10, $0x3;
	s12 =	sshll.u32 @!p1 s12, $0x8  }
0x16: {  	s14 =	sand.u32 @!p1 $0x7, s10;
	s13 =	sadd.s32 @!p1 s2, s13;
	s12 =	sand.u32 @!p1 $0x100, s12  }
0x17: {  	[tilespmem:s12], [sflag:$0x2] =	stream.linear.gather @!p1 [hbm4b:s13+s14], $0x100, $0x38;
	[tilespmem:$0x10200] =	vst v63  }
0x18: {  	p1 =	seq.s32 s9, $0x0  }
0x19: {  	p2 =	seq.s32 @!p1 s9, $0x9  }
0x1a: {  	p1 =	por p1, p2  }
.Ltmp2:
0x1b: {  	_ = 	snop;
	(pc) =	sbr.rel @p1 .LBB2_7-.Ltmp2, $1  }
0x1c: {  	_ =	sdelay $0x3  }
0x1d: {  	s12 =	simm.s32 $0x1  }
0x1e: {  	_ =	swait.ge [sflag:s5], $0x100;
	s12 =	simm.s32 @!p0 $0x0  }
0x1f: {  	[sflag:s5] =	ssyncset.done $0x0;
	s14 =	sshll.u32 s12, $0x8  }
0x20: {  	[sflag:s5] =	ssyncadd.s32 $0xFFFFFF00;
	s13 =	sadd.s32 $0x0, s14  }
0x21: {  	v0 =	vld.msk [tilespmem:s13+$0x0 ss:$0x1], $0xffff;
	_ =	sdelay $0x4  }
0x22: {  	v1 =	vshll.u32 v0, $0x3  }
0x23: {  	vm2 =	veq.s32 v0, $0x80000000;
	v0 =	vshll.u32 v0, $0x14;
	v1 =	vand.u32 $0xFFF80, v1  }
0x24: {  	v0 =	vand.u32 $0xF00000, v0;
	v1 =	vsel vm2, $0xFFFFFF80, v1  }
0x25: {  	v0 =	vsel vm2, $0xFFF00000, v0;
	v2 =	vand.u32 $0xFFFFFC00, v1  }
0x26: {  	v1 =	vand.u32 $0x380, v1;
	v0 =	vadd.s32 v0, v2  }
0x27: {  	v0 =	vor.u32 v1, v0  }
0x28: {  	v0 =	vshrl.u32 v0, $0x3;
	_ =	sdelay $0x2  }
0x29: {  	s12 =	sshll.u32 s12, $0xF  }
0x2a: {  	s12 =	sor.u32 $0x200, s12  }
0x2b: {  	[tilespmem:s12], [sflag:$0x1] =	stream.indirect_vreg.gather [hbm:s3], $0x80, v0, vm0, $0x38;
	[tilespmem:$0x10200] =	vst v63  }
0x2c: {  	s15 =	sadd.s32 $0x10, s14;
	s13 =	sadd.s32 $0x400, s12  }
0x2d: {  	[tilespmem:s13], [sflag:$0x1] =	stream.indirect_vreg.gather [hbm:s3], $0x80, v0, vm1, $0x38;
	[tilespmem:$0x10200] =	vst v63  }
0x2e: {  	s16 =	simm.s32 $0x80;
	v0 =	vld.msk [tilespmem:s15+$0x0 ss:$0x1], $0xffff;
	s15 =	smov.u32 s12  }
.LBB2_3:
0x2f: {  	p1 =	sne.s32 s16, $0x3C0;
	_ =	sdelay $0x4  }
0x30: {  	v1 =	vshll.u32 v0, $0x3  }
0x31: {  	vm2 =	veq.s32 v0, $0x80000000;
	v0 =	vshll.u32 v0, $0x14;
	v1 =	vand.u32 $0xFFF80, v1  }
0x32: {  	v0 =	vand.u32 $0xF00000, v0;
	v1 =	vsel vm2, $0xFFFFFF80, v1  }
0x33: {  	v0 =	vsel vm2, $0xFFF00000, v0;
	v2 =	vand.u32 $0xFFFFFC00, v1  }
0x34: {  	v1 =	vand.u32 $0x380, v1;
	v0 =	vadd.s32 v0, v2  }
0x35: {  	v0 =	vor.u32 v1, v0  }
0x36: {  	v0 =	vshrl.u32 v0, $0x3;
	_ =	sdelay $0x3  }
.Ltmp3:
0x37: {  	s17 =	sshra.s32 s16, $0x2;
	s15 =	sadd.s32 $0x800, s15;
	(pc) =	sbr.rel @p1 .LBB2_3-.Ltmp3, $4  }
0x38: {  	[tilespmem:s15], [sflag:$0x1] =	stream.indirect_vreg.gather [hbm:s3], $0x80, v0, vm0, $0x38;
	[tilespmem:$0x10200] =	vst v63  }
0x39: {  	s17 =	sadd.s32 s17, s14;
	s18 =	sadd.s32 $0x400, s15  }
0x3a: {  	[tilespmem:s18], [sflag:$0x1] =	stream.indirect_vreg.gather [hbm:s3], $0x80, v0, vm1, $0x38;
	[tilespmem:$0x10200] =	vst v63  }
0x3b: {  	s16 =	sadd.s32 $0x40, s16;
	v0 =	vld.msk [tilespmem:s17+$0x0 ss:$0x1], $0xffff  }
0x3c: {  	_ =	sdelay $0x3  }
0x3d: {  	v1 =	vshll.u32 v0, $0x3  }
0x3e: {  	vm2 =	veq.s32 v0, $0x80000000;
	v63 =	vshll.u32 v0, $0x14;
	v1 =	vand.u32 $0xFFF80, v1  }
0x3f: {  	v0 =	vand.u32 $0xF00000, v63;
	v1 =	vsel vm2, $0xFFFFFF80, v1  }
0x40: {  	v0 =	vsel vm2, $0xFFF00000, v0;
	v2 =	vand.u32 $0xFFFFFC00, v1  }
0x41: {  	v1 =	vand.u32 $0x380, v1;
	v0 =	vadd.s32 v0, v2  }
0x42: {  	v0 =	vor.u32 v1, v0  }
0x43: {  	v0 =	vshrl.u32 v0, $0x3;
	_ =	sdelay $0x3  }
0x44: {  	s14 =	sadd.s32 $0x800, s15  }
0x45: {  	[tilespmem:s14], [sflag:$0x1] =	stream.indirect_vreg.gather [hbm:s3], $0x80, v0, vm0, $0x38;
	[tilespmem:$0x10200] =	vst v63  }
0x46: {  	s14 =	sadd.s32 $0x400, s14  }
0x47: {  	[tilespmem:s14], [sflag:$0x1] =	stream.indirect_vreg.gather [hbm:s3], $0x80, v0, vm1, $0x38;
	[tilespmem:$0x10200] =	vst v63  }
0x48: {  	s11 =	sshll.u32 s11, $0x4;
	_ =	swait.ge [sflag:s4], $0x8000  }
0x49: {  	s11 =	sadd.s32 s11, s7;
	[sflag:s4] =	ssyncset.done $0x0  }
0x4a: {  	s15 =	sadd.s32 $0x0, s11;
	s14 =	simm.s32 $0x80;
	[sflag:s4] =	ssyncadd.s32 $0xFFFF8000  }
.LBB2_5:
0x4b: {  	[hbm:s15] =	stream.linear.scatter [tilespmem:s12], [sflag:$0x3], $0x400, $0x38;
	[tilespmem:$0x10200] =	vst v63  }
0x4c: {  	s15 =	smov.u32 s14;
	s12 =	smov.u32 s13;
	p1 =	sne.s32 s14, $0xF80  }
.Ltmp4:
0x4d: {  	s14 =	sadd.s32 $0x80, s14;
	(pc) =	sbr.rel @p1 .LBB2_5-.Ltmp4, $2  }
0x4e: {  	_ =	sdelay $0x2  }
0x4f: {  	s13 =	sadd.s32 $0x400, s13;
	s15 =	sadd.s32 s15, s11  }
.Ltmp5:
0x50: {  	(pc) =	sbr.rel .LBB2_7-.Ltmp5, $2  }
0x51: {  	_ =	sdelay $0x2  }
0x52: {  	[hbm:s15] =	stream.linear.scatter [tilespmem:s12], [sflag:$0x3], $0x400, $0x38;
	[tilespmem:$0x10200] =	vst v63  }
.LBB2_8:
0x53: {  	_ =	sfence.sel $0x180000  }
0x54: {  	s2 =	simm.s32 $0x2;
	[bflag:$0x0] =	sbarrier.arrive $0xFFFF  }
0x55: {  	s30 =	simm.s32 $0x3;
	[sflag:s2] =	ssyncpa.u1 $0x1  }
0x56: {  	s31 =	simm.s32 $0x1;
	[sflag:s30] =	ssyncpa.u1 $0x1  }
0x57: {  	[sflag:s31] =	ssyncpa.u1 $0x1  }
0x58: {  	p0 =	sne.s32 s1, $0x0;
	_ =	strace $0x90000047  }
0x59: {  	s0 =	sadd.s32 @!p0 $0x100000, s0;
	[bflag:$0x2] =	sbarrier.arrive $0xFFFF  }
0x5a: {  	[sflag:s0] =	ssyncadd.tile.s32 @!p0 $0x1;
	_ =	shalt  }
.Lfunc_end2:
_tile_overlayer_lowered:
.L_overlay_start_2:
0x5b: {  	(tag) =	ssettag $0x2  }
0x5c: {  	s0 =	rddreg [dreg:$0x0];
	s2 =	stileid.u32  }
0x5d: {  	s1 =	rddreg [dreg:$0x1];
	p0 =	sne.s32 s2, $0x0  }
0x5e: {  	s3 =	rddreg [dreg:$0x2];
	[bflag:$0x3] =	sbarrier.arrive $0xFFFF;
	s2 =	simm.s32 @!p0 $0x1C01  }
0x5f: {  	[timem:s3], [sflag:s2] =	dma.local @!p0 [hbm:s0], s1  }
0x60: {  	s0 =	simm.s32 @!p0 $0x1  }
0x61: {  	_ =	swait.ge @!p0 [sflag:s0], s1  }
0x62: {  	s1 =	ssub.s32 @!p0 $0x0, s1;
	[sflag:s0] =	ssyncset.done @!p0 $0x0  }
0x63: {  	[sflag:s0] =	ssyncadd.s32 @!p0 s1  }
0x64: {  	[bflag:$0x3] =	sbarrier.arrive $0xFFFF  }
0x65: {  	_ =	shalt  }

</sc_bundles>
